<compile_context>
chip_gen: v7x
topology: tpu7x:2x2x1
jax: 0.10.2.dev20260603
libtpu: 0.0.44.dev20260713+nightly
codegen_flags: <defaults>
</compile_context>

<pallas_src>
import functools

import jax
import jax.numpy as jnp
from jax import lax
from jax.experimental import pallas as pl
from jax.experimental.pallas import tpu as pltpu
from jax.experimental.pallas import tpu_sc as plsc

N = 10000
F = 128
E = 320000
NCLS = 919

NC = 2
NS = 16
NW = NC * NS
CH = 80
CPW = 126
EP = NW * CPW * CH
NBUF = 3
NIDX = 6
NGRP = CPW // NIDX
BR = 80
NB = N // BR
BPT = -(-NB // NS)

BN = 1000



def _sc_agg_body(support_hbm, src_hbm, dst_hbm, zeros_hbm, out_hbm, *scr):
    idx_s = scr[:NIDX]
    idx_d = scr[NIDX:2 * NIDX]
    rows_v = scr[2 * NIDX:2 * NIDX + NBUF]
    acc = scr[2 * NIDX + NBUF]
    sems = scr[2 * NIDX + NBUF + 1:]
    isems = sems[:NIDX]
    gsems = sems[NIDX:NIDX + NBUF]
    ssems = sems[NIDX + NBUF:]
    c = lax.axis_index("c")
    s = lax.axis_index("s")
    wid = c * NS + s

    def idx_start(chunk, q):
        pltpu.async_copy(src_hbm.at[wid, chunk], idx_s[q], isems[q])
        pltpu.async_copy(dst_hbm.at[wid, chunk], idx_d[q], isems[q])

    def idx_wait(q):
        pltpu.make_async_copy(src_hbm.at[wid, 0], idx_s[q],
                              isems[q]).wait()
        pltpu.make_async_copy(dst_hbm.at[wid, 0], idx_d[q],
                              isems[q]).wait()

    def gather_start(q, b):
        pltpu.async_copy(support_hbm.at[idx_s[q]], rows_v[b], gsems[b])

    def gather_wait(q, b):
        pltpu.make_async_copy(support_hbm.at[idx_s[q]], rows_v[b],
                              gsems[b]).wait()

    def scatter_start(q, b):
        pltpu.async_copy(rows_v[b], acc.at[idx_d[q]], ssems[b], add=True)

    def scatter_wait(q, b):
        pltpu.make_async_copy(rows_v[b], acc.at[idx_d[q]],
                              ssems[b]).wait()

    for k in range(NIDX - 2):
        idx_start(k, k)

    def zero_blk(i, _):
        j = i * NS + s

        @pl.when(j < NB)
        def _():
            pltpu.sync_copy(zeros_hbm, acc.at[pl.ds(j * BR, BR), :])
        return 0

    lax.fori_loop(0, BPT, zero_blk, 0)
    plsc.subcore_barrier()

    for k in range(2):
        idx_wait(k)
        gather_start(k, k % NBUF)

    def outer(i0, _):
        for k in range(NIDX):
            i = i0 * NIDX + k

            gather_wait(k, k % NBUF)
            scatter_start(k, k % NBUF)

            @pl.when(i >= 1)
            def _():
                scatter_wait((k - 1) % NIDX, (k - 1) % NBUF)

            @pl.when(i + 2 < CPW)
            def _():
                idx_wait((k + 2) % NIDX)
                gather_start((k + 2) % NIDX, (k + 2) % NBUF)

            @pl.when(i + NIDX - 2 < CPW)
            def _():
                idx_start(i + NIDX - 2, (k - 2) % NIDX)
        return 0

    lax.fori_loop(0, NGRP, outer, 0)

    scatter_wait((CPW - 1) % NIDX, (CPW - 1) % NBUF)
    plsc.subcore_barrier()

    def drain_blk(i, _):
        j = i * NS + s

        @pl.when(j < NB)
        def _():
            pltpu.sync_copy(acc.at[pl.ds(j * BR, BR), :],
                            out_hbm.at[c, pl.ds(j * BR, BR), :])
        return 0

    lax.fori_loop(0, BPT, drain_blk, 0)


_sc_agg = functools.partial(
    pl.kernel,
    out_type=jax.ShapeDtypeStruct((NC, N, F), jnp.float32),
    mesh=plsc.VectorSubcoreMesh(
        core_axis_name="c", subcore_axis_name="s", num_cores=NC,
        num_subcores=NS),
    scratch_types=(
        [pltpu.VMEM((CH,), jnp.int32)] * (2 * NIDX)
        + [pltpu.VMEM((CH, F), jnp.float32)] * NBUF
        + [pltpu.VMEM_SHARED((N + 64, F), jnp.float32)]
        + [pltpu.SemaphoreType.DMA] * (NIDX + 2 * NBUF)
    ),
)(_sc_agg_body)



def _mm_body(x_ref, w_ref, o_ref):
    o_ref[...] = jnp.dot(x_ref[...], w_ref[...],
                         preferred_element_type=jnp.float32)


def _support1(x, W):
    return pl.pallas_call(
        _mm_body,
        grid=(N // BN,),
        in_specs=[
            pl.BlockSpec((BN, F), lambda i: (i, 0)),
            pl.BlockSpec((F, F), lambda i: (0, 0)),
        ],
        out_specs=pl.BlockSpec((BN, F), lambda i: (i, 0)),
        out_shape=jax.ShapeDtypeStruct((N, F), jnp.float32),
    )(x, W)


def _gate_body(p_ref, q_ref, deg_ref, b1_ref, wg_ref, bg_ref, x_ref, w2_ref,
               g_ref, x1_ref, s2_ref):
    agg = (p_ref[0] + q_ref[0]) / deg_ref[...] + b1_ref[...]
    z = jnp.tanh(agg)
    g = jax.nn.sigmoid(jnp.dot(z, wg_ref[...],
                               preferred_element_type=jnp.float32)
                       + bg_ref[...])
    x1 = (1.0 - g) * x_ref[...] + g * z
    g_ref[...] = g
    x1_ref[...] = x1
    s2_ref[...] = jnp.dot(x1, w2_ref[...], preferred_element_type=jnp.float32)


def _gate_stage(parts, deg, b1, wg, bg, x, W2):
    return pl.pallas_call(
        _gate_body,
        grid=(N // BN,),
        in_specs=[
            pl.BlockSpec((1, BN, F), lambda i: (0, i, 0)),
            pl.BlockSpec((1, BN, F), lambda i: (1, i, 0)),
            pl.BlockSpec((BN, 1), lambda i: (i, 0)),
            pl.BlockSpec((1, F), lambda i: (0, 0)),
            pl.BlockSpec((F, 1), lambda i: (0, 0)),
            pl.BlockSpec((1, 1), lambda i: (0, 0)),
            pl.BlockSpec((BN, F), lambda i: (i, 0)),
            pl.BlockSpec((F, F), lambda i: (0, 0)),
        ],
        out_specs=[
            pl.BlockSpec((BN, 1), lambda i: (i, 0)),
            pl.BlockSpec((BN, F), lambda i: (i, 0)),
            pl.BlockSpec((BN, F), lambda i: (i, 0)),
        ],
        out_shape=[
            jax.ShapeDtypeStruct((N, 1), jnp.float32),
            jax.ShapeDtypeStruct((N, F), jnp.float32),
            jax.ShapeDtypeStruct((N, F), jnp.float32),
        ],
    )(parts, parts, deg, b1, wg, bg, x, W2)


def _final_body(p_ref, q_ref, deg_ref, b2_ref, wg_ref, bg_ref, x_ref,
                mu_ref, isg_ref, beta_ref, wo_ref, bo_ref,
                g_ref, out_ref):
    agg = (p_ref[0] + q_ref[0]) / deg_ref[...] + b2_ref[...]
    z = jnp.tanh(agg)
    g = jax.nn.sigmoid(jnp.dot(z, wg_ref[...],
                               preferred_element_type=jnp.float32)
                       + bg_ref[...])
    x2 = (1.0 - g) * x_ref[...] + g * z
    x2 = jnp.maximum(x2, 0.0)
    xb = (x2 - mu_ref[...]) * isg_ref[...] + beta_ref[...]
    g_ref[...] = g
    out_ref[...] = jnp.dot(xb, wo_ref[...],
                           preferred_element_type=jnp.float32) + bo_ref[...]


def _final_stage(parts, deg, b2, wg, bg, x1, mu, isg, beta, Wo, bo):
    return pl.pallas_call(
        _final_body,
        grid=(N // BN,),
        in_specs=[
            pl.BlockSpec((1, BN, F), lambda i: (0, i, 0)),
            pl.BlockSpec((1, BN, F), lambda i: (1, i, 0)),
            pl.BlockSpec((BN, 1), lambda i: (i, 0)),
            pl.BlockSpec((1, F), lambda i: (0, 0)),
            pl.BlockSpec((F, 1), lambda i: (0, 0)),
            pl.BlockSpec((1, 1), lambda i: (0, 0)),
            pl.BlockSpec((BN, F), lambda i: (i, 0)),
            pl.BlockSpec((1, F), lambda i: (0, 0)),
            pl.BlockSpec((1, F), lambda i: (0, 0)),
            pl.BlockSpec((1, F), lambda i: (0, 0)),
            pl.BlockSpec((F, NCLS), lambda i: (0, 0)),
            pl.BlockSpec((1, NCLS), lambda i: (0, 0)),
        ],
        out_specs=[
            pl.BlockSpec((BN, 1), lambda i: (i, 0)),
            pl.BlockSpec((BN, NCLS), lambda i: (i, 0)),
        ],
        out_shape=[
            jax.ShapeDtypeStruct((N, 1), jnp.float32),
            jax.ShapeDtypeStruct((N, NCLS), jnp.float32),
        ],
    )(parts, parts, deg, b2, wg, bg, x1, mu, isg, beta, Wo, bo)


def kernel(x_in, edge_index, deg, W_gc1, b_gc1, w_g1, b_g1, W_gc2, b_gc2,
           w_g2, b_g2, bn_gamma, bn_beta, bn_mean, bn_var, W_out, b_out):
    src = jnp.concatenate(
        [edge_index[0], jnp.zeros((EP - E,), jnp.int32)]).reshape(NW, CPW, CH)
    trash = N + (jnp.arange(EP - E, dtype=jnp.int32) % 64)
    dst = jnp.concatenate([edge_index[1], trash]).reshape(NW, CPW, CH)
    zeros = jnp.zeros((BR, F), jnp.float32)

    support1 = _support1(x_in, W_gc1)
    parts1 = _sc_agg(support1, src, dst, zeros)
    g, x1, support2 = _gate_stage(
        parts1, deg, b_gc1.reshape(1, F), w_g1, b_g1.reshape(1, 1),
        x_in, W_gc2)

    parts2 = _sc_agg(support2, src, dst, zeros)
    inv_sigma = (bn_gamma / jnp.sqrt(bn_var + 1e-5)).reshape(1, F)
    g2, out = _final_stage(
        parts2, deg, b_gc2.reshape(1, F), w_g2, b_g2.reshape(1, 1),
        x1, bn_mean.reshape(1, F), inv_sigma, bn_beta.reshape(1, F),
        W_out, b_out.reshape(1, NCLS))

    return (x_in, out, g, g2)

# --- scband reference (transcript-rebuilt; emitter-appended) ---
"""Pipeline reference for scband-chrome-gcn-16904991277250 (READ-ONLY COPY).

The authoritative reference and input builder live on the scoring server;
editing this copy changes nothing except your own understanding.
"""

import jax, jax.numpy as jnp
import numpy as np

N = 10000
F_IN = 128
F_HID = 128
N_CLASS = 919
E = 320000


def _glorot(key, shape):
    lim = float(np.sqrt(6.0 / (shape[0] + shape[1])))
    return jax.random.uniform(key, shape, minval=-lim, maxval=lim, dtype=jnp.float32)


def setup_inputs(seed: int = 0) -> dict:
    key = jax.random.key(seed)
    ks = jax.random.split(key, 12)
    x_in = jax.random.normal(ks[0], (N, F_IN), dtype=jnp.float32)
    edge_index = jax.random.randint(ks[1], (2, E), 0, N, dtype=jnp.int32)
    deg = jnp.maximum(
        jax.ops.segment_sum(jnp.ones((E,), jnp.float32), edge_index[1], num_segments=N),
        1.0,
    )[:, None]
    W_gc1 = _glorot(ks[2], (F_IN, F_HID))
    b_gc1 = jnp.zeros((F_HID,), jnp.float32)
    w_g1 = _glorot(ks[3], (F_HID, 1))
    b_g1 = jnp.zeros((1,), jnp.float32)
    W_gc2 = _glorot(ks[4], (F_HID, F_IN))
    b_gc2 = jnp.zeros((F_IN,), jnp.float32)
    w_g2 = _glorot(ks[5], (F_IN, 1))
    b_g2 = jnp.zeros((1,), jnp.float32)
    bn_gamma = jnp.ones((F_IN,), jnp.float32)
    bn_beta = jnp.zeros((F_IN,), jnp.float32)
    bn_mean = jax.random.normal(ks[6], (F_IN,), dtype=jnp.float32) * 0.1
    bn_var = jax.random.uniform(ks[7], (F_IN,), dtype=jnp.float32) + 0.5
    W_out = _glorot(ks[8], (F_IN, N_CLASS))
    b_out = jnp.zeros((N_CLASS,), jnp.float32)
    return {
        "x_in": x_in,
        "edge_index": edge_index,
        "deg": deg,
        "W_gc1": W_gc1,
        "b_gc1": b_gc1,
        "w_g1": w_g1,
        "b_g1": b_g1,
        "W_gc2": W_gc2,
        "b_gc2": b_gc2,
        "w_g2": w_g2,
        "b_g2": b_g2,
        "bn_gamma": bn_gamma,
        "bn_beta": bn_beta,
        "bn_mean": bn_mean,
        "bn_var": bn_var,
        "W_out": W_out,
        "b_out": b_out,
    }


def _gcn(x, W, b, edge_index, deg):
    # GraphConvolution: support = x @ W ; out = spmm(adj, support) + b
    # adj realized as unweighted edge list normalized by dst degree
    support = x @ W
    msg = jnp.take(support, edge_index[0], axis=0)
    agg = jax.ops.segment_sum(msg, edge_index[1], num_segments=N)
    return agg / deg + b


def reference(x_in, edge_index, deg, W_gc1, b_gc1, w_g1, b_g1, W_gc2, b_gc2, w_g2, b_g2, bn_gamma, bn_beta, bn_mean, bn_var, W_out, b_out):
    x = x_in
    z = jnp.tanh(_gcn(x, W_gc1, b_gc1, edge_index, deg))
    g = jax.nn.sigmoid(z @ w_g1 + b_g1)
    x = (1.0 - g) * x + g * z
    # dropout is identity in eval mode
    z2 = jnp.tanh(_gcn(x, W_gc2, b_gc2, edge_index, deg))
    g2 = jax.nn.sigmoid(z2 @ w_g2 + b_g2)
    x = (1.0 - g2) * x + g2 * z2
    x = jax.nn.relu(x)
    x = (x - bn_mean) / jnp.sqrt(bn_var + 1e-5) * bn_gamma + bn_beta
    out = x @ W_out + b_out
    return (x_in, out, g, g2)

if __name__ == "__main__":
    import jax
    _d = setup_inputs()
    print(jax.jit(kernel)(*tuple(_d.values())))

</pallas_src>

<mosaic_0001>
#map = affine_map<(d0, d1) -> (0, 0)>
#map1 = affine_map<(d0, d1) -> (0, 0, 0)>
module attributes {stable_mosaic.version = 14 : i64} {
  func.func @_sc_agg_body(%arg0: i32, %arg1: i32, %arg2: memref<10000x128xf32, #tpu.memory_space<hbm>>, %arg3: memref<32x126x80xi32, #tpu.memory_space<hbm>>, %arg4: memref<32x126x80xi32, #tpu.memory_space<hbm>>, %arg5: memref<80x128xf32, #tpu.memory_space<hbm>>, %arg6: memref<2x10000x128xf32, #tpu.memory_space<hbm>>, %arg7: memref<80xi32, #tpu.memory_space<vmem>>, %arg8: memref<80xi32, #tpu.memory_space<vmem>>, %arg9: memref<80xi32, #tpu.memory_space<vmem>>, %arg10: memref<80xi32, #tpu.memory_space<vmem>>, %arg11: memref<80xi32, #tpu.memory_space<vmem>>, %arg12: memref<80xi32, #tpu.memory_space<vmem>>, %arg13: memref<80xi32, #tpu.memory_space<vmem>>, %arg14: memref<80xi32, #tpu.memory_space<vmem>>, %arg15: memref<80xi32, #tpu.memory_space<vmem>>, %arg16: memref<80xi32, #tpu.memory_space<vmem>>, %arg17: memref<80xi32, #tpu.memory_space<vmem>>, %arg18: memref<80xi32, #tpu.memory_space<vmem>>, %arg19: memref<80x128xf32, #tpu.memory_space<vmem>>, %arg20: memref<80x128xf32, #tpu.memory_space<vmem>>, %arg21: memref<80x128xf32, #tpu.memory_space<vmem>>, %arg22: memref<10064x128xf32, #tpu.memory_space<vmem_shared>>, %arg23: memref<!tpu.dma_semaphore, #tpu.memory_space<semaphore_mem>>, %arg24: memref<!tpu.dma_semaphore, #tpu.memory_space<semaphore_mem>>, %arg25: memref<!tpu.dma_semaphore, #tpu.memory_space<semaphore_mem>>, %arg26: memref<!tpu.dma_semaphore, #tpu.memory_space<semaphore_mem>>, %arg27: memref<!tpu.dma_semaphore, #tpu.memory_space<semaphore_mem>>, %arg28: memref<!tpu.dma_semaphore, #tpu.memory_space<semaphore_mem>>, %arg29: memref<!tpu.dma_semaphore, #tpu.memory_space<semaphore_mem>>, %arg30: memref<!tpu.dma_semaphore, #tpu.memory_space<semaphore_mem>>, %arg31: memref<!tpu.dma_semaphore, #tpu.memory_space<semaphore_mem>>, %arg32: memref<!tpu.dma_semaphore, #tpu.memory_space<semaphore_mem>>, %arg33: memref<!tpu.dma_semaphore, #tpu.memory_space<semaphore_mem>>, %arg34: memref<!tpu.dma_semaphore, #tpu.memory_space<semaphore_mem>>) attributes {dimension_semantics = [#tpu.dimension_semantics<core_parallel>, #tpu.dimension_semantics<subcore_parallel>], iteration_bounds = array<i64: 2, 16>, scalar_prefetch = 0 : i64, scratch_operands = 28 : i64, tpu.core_type = #tpu.core_type<sc_vector_subcore>, window_params = [{transform_indices = #map}, {transform_indices = #map1}, {transform_indices = #map1}, {transform_indices = #map}, {transform_indices = #map1}]} {
    %mul3A = arith.constant 16 : i32
    %mul3A_0 = arith.muli %arg0, %mul3A : i32
    %add3A = arith.addi %mul3A_0, %arg1 : i32
    %dma_start3A = arith.constant 0 : i32
    %dma_start3A_1 = arith.constant 0 : i32
    %dma_start3A_2 = tpu.memref_slice %arg3[%add3A, %dma_start3A, %dma_start3A_1] : memref<32x126x80xi32, #tpu.memory_space<hbm>> -> memref<1x1x80xi32, #tpu.memory_space<hbm>>
    %dma_start3A_3 = tpu.memref_squeeze %dma_start3A_2 : memref<1x1x80xi32, #tpu.memory_space<hbm>> -> memref<80xi32, #tpu.memory_space<hbm>>
    %dma_start3A_4 = arith.constant 0 : i32
    %dma_start3A_5 = tpu.memref_slice %arg3[%add3A, %dma_start3A, %dma_start3A_4] : memref<32x126x80xi32, #tpu.memory_space<hbm>> -> memref<1x1x80xi32, #tpu.memory_space<hbm>>
    %dma_start3A_6 = tpu.memref_squeeze %dma_start3A_5 : memref<1x1x80xi32, #tpu.memory_space<hbm>> -> memref<80xi32, #tpu.memory_space<hbm>>
    tpu.enqueue_dma source(%dma_start3A_6 : memref<80xi32, #tpu.memory_space<hbm>>) target(%arg7 : memref<80xi32, #tpu.memory_space<vmem>>) target_semaphore(%arg23 : memref<!tpu.dma_semaphore, #tpu.memory_space<semaphore_mem>>)
    %dma_start3A_7 = arith.constant 0 : i32
    %dma_start3A_8 = arith.constant 0 : i32
    %dma_start3A_9 = tpu.memref_slice %arg4[%add3A, %dma_start3A_7, %dma_start3A_8] : memref<32x126x80xi32, #tpu.memory_space<hbm>> -> memref<1x1x80xi32, #tpu.memory_space<hbm>>
    %dma_start3A_10 = tpu.memref_squeeze %dma_start3A_9 : memref<1x1x80xi32, #tpu.memory_space<hbm>> -> memref<80xi32, #tpu.memory_space<hbm>>
    %dma_start3A_11 = arith.constant 0 : i32
    %dma_start3A_12 = tpu.memref_slice %arg4[%add3A, %dma_start3A_7, %dma_start3A_11] : memref<32x126x80xi32, #tpu.memory_space<hbm>> -> memref<1x1x80xi32, #tpu.memory_space<hbm>>
    %dma_start3A_13 = tpu.memref_squeeze %dma_start3A_12 : memref<1x1x80xi32, #tpu.memory_space<hbm>> -> memref<80xi32, #tpu.memory_space<hbm>>
    tpu.enqueue_dma source(%dma_start3A_13 : memref<80xi32, #tpu.memory_space<hbm>>) target(%arg13 : memref<80xi32, #tpu.memory_space<vmem>>) target_semaphore(%arg23 : memref<!tpu.dma_semaphore, #tpu.memory_space<semaphore_mem>>)
    %dma_start3A_14 = arith.constant 1 : i32
    %dma_start3A_15 = arith.constant 0 : i32
    %dma_start3A_16 = tpu.memref_slice %arg3[%add3A, %dma_start3A_14, %dma_start3A_15] : memref<32x126x80xi32, #tpu.memory_space<hbm>> -> memref<1x1x80xi32, #tpu.memory_space<hbm>>
    %dma_start3A_17 = tpu.memref_squeeze %dma_start3A_16 : memref<1x1x80xi32, #tpu.memory_space<hbm>> -> memref<80xi32, #tpu.memory_space<hbm>>
    %dma_start3A_18 = arith.constant 0 : i32
    %dma_start3A_19 = tpu.memref_slice %arg3[%add3A, %dma_start3A_14, %dma_start3A_18] : memref<32x126x80xi32, #tpu.memory_space<hbm>> -> memref<1x1x80xi32, #tpu.memory_space<hbm>>
    %dma_start3A_20 = tpu.memref_squeeze %dma_start3A_19 : memref<1x1x80xi32, #tpu.memory_space<hbm>> -> memref<80xi32, #tpu.memory_space<hbm>>
    tpu.enqueue_dma source(%dma_start3A_20 : memref<80xi32, #tpu.memory_space<hbm>>) target(%arg8 : memref<80xi32, #tpu.memory_space<vmem>>) target_semaphore(%arg24 : memref<!tpu.dma_semaphore, #tpu.memory_space<semaphore_mem>>)
    %dma_start3A_21 = arith.constant 1 : i32
    %dma_start3A_22 = arith.constant 0 : i32
    %dma_start3A_23 = tpu.memref_slice %arg4[%add3A, %dma_start3A_21, %dma_start3A_22] : memref<32x126x80xi32, #tpu.memory_space<hbm>> -> memref<1x1x80xi32, #tpu.memory_space<hbm>>
    %dma_start3A_24 = tpu.memref_squeeze %dma_start3A_23 : memref<1x1x80xi32, #tpu.memory_space<hbm>> -> memref<80xi32, #tpu.memory_space<hbm>>
    %dma_start3A_25 = arith.constant 0 : i32
    %dma_start3A_26 = tpu.memref_slice %arg4[%add3A, %dma_start3A_21, %dma_start3A_25] : memref<32x126x80xi32, #tpu.memory_space<hbm>> -> memref<1x1x80xi32, #tpu.memory_space<hbm>>
    %dma_start3A_27 = tpu.memref_squeeze %dma_start3A_26 : memref<1x1x80xi32, #tpu.memory_space<hbm>> -> memref<80xi32, #tpu.memory_space<hbm>>
    tpu.enqueue_dma source(%dma_start3A_27 : memref<80xi32, #tpu.memory_space<hbm>>) target(%arg14 : memref<80xi32, #tpu.memory_space<vmem>>) target_semaphore(%arg24 : memref<!tpu.dma_semaphore, #tpu.memory_space<semaphore_mem>>)
    %dma_start3A_28 = arith.constant 2 : i32
    %dma_start3A_29 = arith.constant 0 : i32
    %dma_start3A_30 = tpu.memref_slice %arg3[%add3A, %dma_start3A_28, %dma_start3A_29] : memref<32x126x80xi32, #tpu.memory_space<hbm>> -> memref<1x1x80xi32, #tpu.memory_space<hbm>>
    %dma_start3A_31 = tpu.memref_squeeze %dma_start3A_30 : memref<1x1x80xi32, #tpu.memory_space<hbm>> -> memref<80xi32, #tpu.memory_space<hbm>>
    %dma_start3A_32 = arith.constant 0 : i32
    %dma_start3A_33 = tpu.memref_slice %arg3[%add3A, %dma_start3A_28, %dma_start3A_32] : memref<32x126x80xi32, #tpu.memory_space<hbm>> -> memref<1x1x80xi32, #tpu.memory_space<hbm>>
    %dma_start3A_34 = tpu.memref_squeeze %dma_start3A_33 : memref<1x1x80xi32, #tpu.memory_space<hbm>> -> memref<80xi32, #tpu.memory_space<hbm>>
    tpu.enqueue_dma source(%dma_start3A_34 : memref<80xi32, #tpu.memory_space<hbm>>) target(%arg9 : memref<80xi32, #tpu.memory_space<vmem>>) target_semaphore(%arg25 : memref<!tpu.dma_semaphore, #tpu.memory_space<semaphore_mem>>)
    %dma_start3A_35 = arith.constant 2 : i32
    %dma_start3A_36 = arith.constant 0 : i32
    %dma_start3A_37 = tpu.memref_slice %arg4[%add3A, %dma_start3A_35, %dma_start3A_36] : memref<32x126x80xi32, #tpu.memory_space<hbm>> -> memref<1x1x80xi32, #tpu.memory_space<hbm>>
    %dma_start3A_38 = tpu.memref_squeeze %dma_start3A_37 : memref<1x1x80xi32, #tpu.memory_space<hbm>> -> memref<80xi32, #tpu.memory_space<hbm>>
    %dma_start3A_39 = arith.constant 0 : i32
    %dma_start3A_40 = tpu.memref_slice %arg4[%add3A, %dma_start3A_35, %dma_start3A_39] : memref<32x126x80xi32, #tpu.memory_space<hbm>> -> memref<1x1x80xi32, #tpu.memory_space<hbm>>
    %dma_start3A_41 = tpu.memref_squeeze %dma_start3A_40 : memref<1x1x80xi32, #tpu.memory_space<hbm>> -> memref<80xi32, #tpu.memory_space<hbm>>
    tpu.enqueue_dma source(%dma_start3A_41 : memref<80xi32, #tpu.memory_space<hbm>>) target(%arg15 : memref<80xi32, #tpu.memory_space<vmem>>) target_semaphore(%arg25 : memref<!tpu.dma_semaphore, #tpu.memory_space<semaphore_mem>>)
    %dma_start3A_42 = arith.constant 3 : i32
    %dma_start3A_43 = arith.constant 0 : i32
    %dma_start3A_44 = tpu.memref_slice %arg3[%add3A, %dma_start3A_42, %dma_start3A_43] : memref<32x126x80xi32, #tpu.memory_space<hbm>> -> memref<1x1x80xi32, #tpu.memory_space<hbm>>
    %dma_start3A_45 = tpu.memref_squeeze %dma_start3A_44 : memref<1x1x80xi32, #tpu.memory_space<hbm>> -> memref<80xi32, #tpu.memory_space<hbm>>
    %dma_start3A_46 = arith.constant 0 : i32
    %dma_start3A_47 = tpu.memref_slice %arg3[%add3A, %dma_start3A_42, %dma_start3A_46] : memref<32x126x80xi32, #tpu.memory_space<hbm>> -> memref<1x1x80xi32, #tpu.memory_space<hbm>>
    %dma_start3A_48 = tpu.memref_squeeze %dma_start3A_47 : memref<1x1x80xi32, #tpu.memory_space<hbm>> -> memref<80xi32, #tpu.memory_space<hbm>>
    tpu.enqueue_dma source(%dma_start3A_48 : memref<80xi32, #tpu.memory_space<hbm>>) target(%arg10 : memref<80xi32, #tpu.memory_space<vmem>>) target_semaphore(%arg26 : memref<!tpu.dma_semaphore, #tpu.memory_space<semaphore_mem>>)
    %dma_start3A_49 = arith.constant 3 : i32
    %dma_start3A_50 = arith.constant 0 : i32
    %dma_start3A_51 = tpu.memref_slice %arg4[%add3A, %dma_start3A_49, %dma_start3A_50] : memref<32x126x80xi32, #tpu.memory_space<hbm>> -> memref<1x1x80xi32, #tpu.memory_space<hbm>>
    %dma_start3A_52 = tpu.memref_squeeze %dma_start3A_51 : memref<1x1x80xi32, #tpu.memory_space<hbm>> -> memref<80xi32, #tpu.memory_space<hbm>>
    %dma_start3A_53 = arith.constant 0 : i32
    %dma_start3A_54 = tpu.memref_slice %arg4[%add3A, %dma_start3A_49, %dma_start3A_53] : memref<32x126x80xi32, #tpu.memory_space<hbm>> -> memref<1x1x80xi32, #tpu.memory_space<hbm>>
    %dma_start3A_55 = tpu.memref_squeeze %dma_start3A_54 : memref<1x1x80xi32, #tpu.memory_space<hbm>> -> memref<80xi32, #tpu.memory_space<hbm>>
    tpu.enqueue_dma source(%dma_start3A_55 : memref<80xi32, #tpu.memory_space<hbm>>) target(%arg16 : memref<80xi32, #tpu.memory_space<vmem>>) target_semaphore(%arg26 : memref<!tpu.dma_semaphore, #tpu.memory_space<semaphore_mem>>)
    %scan3A = arith.constant 0 : i32
    %scan3A_56 = arith.constant 0 : i32
    %scan3A_57 = arith.constant 8 : i32
    %scan3A_58 = arith.addi %scan3A_56, %scan3A_57 : i32
    %scan3A_59 = arith.constant 1 : i32
    %scan3A_60 = scf.for %scan3A_113 = %scan3A_56 to %scan3A_58 step %scan3A_59 iter_args(%scan3A_114 = %scan3A) -> (i32)  : i32 {
      %mul3A_115 = arith.constant 16 : i32
      %mul3A_116 = arith.muli %scan3A_113, %mul3A_115 : i32
      %add3A_117 = arith.addi %mul3A_116, %arg1 : i32
      %lt3A = arith.constant 125 : i32
      %lt3A_118 = arith.cmpi slt, %add3A_117, %lt3A : i32
      %convert_element_type3A = arith.extui %lt3A_118 : i1 to i32
      %cond3A = arith.constant 0 : i32
      %cond3A_119 = arith.cmpi ne, %convert_element_type3A, %cond3A : i32
      scf.if %cond3A_119 {
        %mul3A_121 = arith.constant 80 : i32
        %mul3A_122 = arith.muli %add3A_117, %mul3A_121 : i32
        "tpu.region"() ({
          %run_scoped3A = tpu.sem_alloc : memref<!tpu.dma_semaphore, #tpu.memory_space<semaphore_mem>>
          %dma_start3A_123 = arith.constant 0 : i32
          %dma_start3A_124 = tpu.memref_slice %arg22[%mul3A_122, %dma_start3A_123] : memref<10064x128xf32, #tpu.memory_space<vmem_shared>> -> memref<80x128xf32, #tpu.memory_space<vmem_shared>>
          tpu.enqueue_dma source(%arg5 : memref<80x128xf32, #tpu.memory_space<hbm>>) target(%dma_start3A_124 : memref<80x128xf32, #tpu.memory_space<vmem_shared>>) target_semaphore(%run_scoped3A : memref<!tpu.dma_semaphore, #tpu.memory_space<semaphore_mem>>)
          %dma_wait3A_125 = arith.constant 0 : i32
          %dma_wait3A_126 = tpu.memref_slice %arg22[%mul3A_122, %dma_wait3A_125] : memref<10064x128xf32, #tpu.memory_space<vmem_shared>> -> memref<80x128xf32, #tpu.memory_space<vmem_shared>>
          tpu.wait_dma2 semaphore(%run_scoped3A : memref<!tpu.dma_semaphore, #tpu.memory_space<semaphore_mem>>) src(%arg5 : memref<80x128xf32, #tpu.memory_space<hbm>>) dst(%dma_wait3A_126 : memref<80x128xf32, #tpu.memory_space<vmem_shared>>)
          tpu.yield
        }) : () -> ()
      } else {
      }
      %scan3A_120 = arith.constant 0 : i32
      scf.yield %scan3A_120 : i32
    }
    %scan3A_61 = arith.constant 8 : i32
    %barrier3A = arith.constant 0 : index
    tpu.barrier barrier_id(%barrier3A)
    %dma_wait3A = arith.constant 0 : i32
    %dma_wait3A_62 = arith.constant 0 : i32
    %dma_wait3A_63 = tpu.memref_slice %arg3[%add3A, %dma_wait3A, %dma_wait3A_62] : memref<32x126x80xi32, #tpu.memory_space<hbm>> -> memref<1x1x80xi32, #tpu.memory_space<hbm>>
    %dma_wait3A_64 = tpu.memref_squeeze %dma_wait3A_63 : memref<1x1x80xi32, #tpu.memory_space<hbm>> -> memref<80xi32, #tpu.memory_space<hbm>>
    %dma_wait3A_65 = arith.constant 0 : i32
    %dma_wait3A_66 = tpu.memref_slice %arg3[%add3A, %dma_wait3A, %dma_wait3A_65] : memref<32x126x80xi32, #tpu.memory_space<hbm>> -> memref<1x1x80xi32, #tpu.memory_space<hbm>>
    %dma_wait3A_67 = tpu.memref_squeeze %dma_wait3A_66 : memref<1x1x80xi32, #tpu.memory_space<hbm>> -> memref<80xi32, #tpu.memory_space<hbm>>
    tpu.wait_dma2 semaphore(%arg23 : memref<!tpu.dma_semaphore, #tpu.memory_space<semaphore_mem>>) src(%dma_wait3A_67 : memref<80xi32, #tpu.memory_space<hbm>>) dst(%arg7 : memref<80xi32, #tpu.memory_space<vmem>>)
    %dma_wait3A_68 = arith.constant 0 : i32
    %dma_wait3A_69 = arith.constant 0 : i32
    %dma_wait3A_70 = tpu.memref_slice %arg4[%add3A, %dma_wait3A_68, %dma_wait3A_69] : memref<32x126x80xi32, #tpu.memory_space<hbm>> -> memref<1x1x80xi32, #tpu.memory_space<hbm>>
    %dma_wait3A_71 = tpu.memref_squeeze %dma_wait3A_70 : memref<1x1x80xi32, #tpu.memory_space<hbm>> -> memref<80xi32, #tpu.memory_space<hbm>>
    %dma_wait3A_72 = arith.constant 0 : i32
    %dma_wait3A_73 = tpu.memref_slice %arg4[%add3A, %dma_wait3A_68, %dma_wait3A_72] : memref<32x126x80xi32, #tpu.memory_space<hbm>> -> memref<1x1x80xi32, #tpu.memory_space<hbm>>
    %dma_wait3A_74 = tpu.memref_squeeze %dma_wait3A_73 : memref<1x1x80xi32, #tpu.memory_space<hbm>> -> memref<80xi32, #tpu.memory_space<hbm>>
    tpu.wait_dma2 semaphore(%arg23 : memref<!tpu.dma_semaphore, #tpu.memory_space<semaphore_mem>>) src(%dma_wait3A_74 : memref<80xi32, #tpu.memory_space<hbm>>) dst(%arg13 : memref<80xi32, #tpu.memory_space<vmem>>)
    %dma_start3A_75 = arith.constant 0 : i32
    %dma_start3A_76 = arith.constant 0 : i32
    %dma_start3A_77 = tpu.memref_slice %arg2[%dma_start3A_75, %dma_start3A_76] : memref<10000x128xf32, #tpu.memory_space<hbm>> -> memref<10000x128xf32, #tpu.memory_space<hbm>>
    tpu.enqueue_indirect_dma source(%dma_start3A_77 : memref<10000x128xf32, #tpu.memory_space<hbm>>) target(%arg19 : memref<80x128xf32, #tpu.memory_space<vmem>>) offsets(%arg7 : memref<80xi32, #tpu.memory_space<vmem>>) semaphore(%arg29 : memref<!tpu.dma_semaphore, #tpu.memory_space<semaphore_mem>>)
    %dma_wait3A_78 = arith.constant 0 : i32
    %dma_wait3A_79 = arith.constant 0 : i32
    %dma_wait3A_80 = tpu.memref_slice %arg3[%add3A, %dma_wait3A_78, %dma_wait3A_79] : memref<32x126x80xi32, #tpu.memory_space<hbm>> -> memref<1x1x80xi32, #tpu.memory_space<hbm>>
    %dma_wait3A_81 = tpu.memref_squeeze %dma_wait3A_80 : memref<1x1x80xi32, #tpu.memory_space<hbm>> -> memref<80xi32, #tpu.memory_space<hbm>>
    %dma_wait3A_82 = arith.constant 0 : i32
    %dma_wait3A_83 = tpu.memref_slice %arg3[%add3A, %dma_wait3A_78, %dma_wait3A_82] : memref<32x126x80xi32, #tpu.memory_space<hbm>> -> memref<1x1x80xi32, #tpu.memory_space<hbm>>
    %dma_wait3A_84 = tpu.memref_squeeze %dma_wait3A_83 : memref<1x1x80xi32, #tpu.memory_space<hbm>> -> memref<80xi32, #tpu.memory_space<hbm>>
    tpu.wait_dma2 semaphore(%arg24 : memref<!tpu.dma_semaphore, #tpu.memory_space<semaphore_mem>>) src(%dma_wait3A_84 : memref<80xi32, #tpu.memory_space<hbm>>) dst(%arg8 : memref<80xi32, #tpu.memory_space<vmem>>)
    %dma_wait3A_85 = arith.constant 0 : i32
    %dma_wait3A_86 = arith.constant 0 : i32
    %dma_wait3A_87 = tpu.memref_slice %arg4[%add3A, %dma_wait3A_85, %dma_wait3A_86] : memref<32x126x80xi32, #tpu.memory_space<hbm>> -> memref<1x1x80xi32, #tpu.memory_space<hbm>>
    %dma_wait3A_88 = tpu.memref_squeeze %dma_wait3A_87 : memref<1x1x80xi32, #tpu.memory_space<hbm>> -> memref<80xi32, #tpu.memory_space<hbm>>
    %dma_wait3A_89 = arith.constant 0 : i32
    %dma_wait3A_90 = tpu.memref_slice %arg4[%add3A, %dma_wait3A_85, %dma_wait3A_89] : memref<32x126x80xi32, #tpu.memory_space<hbm>> -> memref<1x1x80xi32, #tpu.memory_space<hbm>>
    %dma_wait3A_91 = tpu.memref_squeeze %dma_wait3A_90 : memref<1x1x80xi32, #tpu.memory_space<hbm>> -> memref<80xi32, #tpu.memory_space<hbm>>
    tpu.wait_dma2 semaphore(%arg24 : memref<!tpu.dma_semaphore, #tpu.memory_space<semaphore_mem>>) src(%dma_wait3A_91 : memref<80xi32, #tpu.memory_space<hbm>>) dst(%arg14 : memref<80xi32, #tpu.memory_space<vmem>>)
    %dma_start3A_92 = arith.constant 0 : i32
    %dma_start3A_93 = arith.constant 0 : i32
    %dma_start3A_94 = tpu.memref_slice %arg2[%dma_start3A_92, %dma_start3A_93] : memref<10000x128xf32, #tpu.memory_space<hbm>> -> memref<10000x128xf32, #tpu.memory_space<hbm>>
    tpu.enqueue_indirect_dma source(%dma_start3A_94 : memref<10000x128xf32, #tpu.memory_space<hbm>>) target(%arg20 : memref<80x128xf32, #tpu.memory_space<vmem>>) offsets(%arg8 : memref<80xi32, #tpu.memory_space<vmem>>) semaphore(%arg30 : memref<!tpu.dma_semaphore, #tpu.memory_space<semaphore_mem>>)
    %scan3A_95 = arith.constant 0 : i32
    %scan3A_96 = arith.constant 0 : i32
    %scan3A_97 = arith.constant 21 : i32
    %scan3A_98 = arith.addi %scan3A_96, %scan3A_97 : i32
    %scan3A_99 = arith.constant 1 : i32
    %scan3A_100 = scf.for %scan3A_113 = %scan3A_96 to %scan3A_98 step %scan3A_99 iter_args(%scan3A_114 = %scan3A_95) -> (i32)  : i32 {
      %mul3A_115 = arith.constant 6 : i32
      %mul3A_116 = arith.muli %scan3A_113, %mul3A_115 : i32
      %add3A_117 = arith.constant 0 : i32
      %add3A_118 = arith.addi %mul3A_116, %add3A_117 : i32
      %dma_wait3A_119 = arith.constant 0 : i32
      %dma_wait3A_120 = arith.constant 0 : i32
      %dma_wait3A_121 = tpu.memref_slice %arg2[%dma_wait3A_119, %dma_wait3A_120] : memref<10000x128xf32, #tpu.memory_space<hbm>> -> memref<10000x128xf32, #tpu.memory_space<hbm>>
      tpu.wait_indirect_dma semaphore(%arg29 : memref<!tpu.dma_semaphore, #tpu.memory_space<semaphore_mem>>) src(%dma_wait3A_121 : memref<10000x128xf32, #tpu.memory_space<hbm>>) dst(%arg19 : memref<80x128xf32, #tpu.memory_space<vmem>>)
      %dma_start3A_122 = arith.constant 0 : i32
      %dma_start3A_123 = arith.constant 0 : i32
      %dma_start3A_124 = tpu.memref_slice %arg22[%dma_start3A_122, %dma_start3A_123] : memref<10064x128xf32, #tpu.memory_space<vmem_shared>> -> memref<10064x128xf32, #tpu.memory_space<vmem_shared>>
      tpu.enqueue_indirect_dma source(%arg19 : memref<80x128xf32, #tpu.memory_space<vmem>>) target(%dma_start3A_124 : memref<10064x128xf32, #tpu.memory_space<vmem_shared>>) offsets(%arg13 : memref<80xi32, #tpu.memory_space<vmem>>) semaphore(%arg32 : memref<!tpu.dma_semaphore, #tpu.memory_space<semaphore_mem>>) {add = true}
      %ge3A = arith.constant 1 : i32
      %ge3A_125 = arith.cmpi sge, %add3A_118, %ge3A : i32
      %convert_element_type3A = arith.extui %ge3A_125 : i1 to i32
      %cond3A = arith.constant 0 : i32
      %cond3A_126 = arith.cmpi ne, %convert_element_type3A, %cond3A : i32
      scf.if %cond3A_126 {
        %dma_wait3A_297 = arith.constant 0 : i32
        %dma_wait3A_298 = arith.constant 0 : i32
        %dma_wait3A_299 = tpu.memref_slice %arg22[%dma_wait3A_297, %dma_wait3A_298] : memref<10064x128xf32, #tpu.memory_space<vmem_shared>> -> memref<10064x128xf32, #tpu.memory_space<vmem_shared>>
        tpu.wait_indirect_dma semaphore(%arg34 : memref<!tpu.dma_semaphore, #tpu.memory_space<semaphore_mem>>) src(%arg21 : memref<80x128xf32, #tpu.memory_space<vmem>>) dst(%dma_wait3A_299 : memref<10064x128xf32, #tpu.memory_space<vmem_shared>>)
      } else {
      }
      %add3A_127 = arith.constant 2 : i32
      %add3A_128 = arith.addi %add3A_118, %add3A_127 : i32
      %lt3A = arith.constant 126 : i32
      %lt3A_129 = arith.cmpi slt, %add3A_128, %lt3A : i32
      %convert_element_type3A_130 = arith.extui %lt3A_129 : i1 to i32
      %cond3A_131 = arith.constant 0 : i32
      %cond3A_132 = arith.cmpi ne, %convert_element_type3A_130, %cond3A_131 : i32
      scf.if %cond3A_132 {
        %dma_wait3A_297 = arith.constant 0 : i32
        %dma_wait3A_298 = arith.constant 0 : i32
        %dma_wait3A_299 = tpu.memref_slice %arg3[%add3A, %dma_wait3A_297, %dma_wait3A_298] : memref<32x126x80xi32, #tpu.memory_space<hbm>> -> memref<1x1x80xi32, #tpu.memory_space<hbm>>
        %dma_wait3A_300 = tpu.memref_squeeze %dma_wait3A_299 : memref<1x1x80xi32, #tpu.memory_space<hbm>> -> memref<80xi32, #tpu.memory_space<hbm>>
        %dma_wait3A_301 = arith.constant 0 : i32
        %dma_wait3A_302 = tpu.memref_slice %arg3[%add3A, %dma_wait3A_297, %dma_wait3A_301] : memref<32x126x80xi32, #tpu.memory_space<hbm>> -> memref<1x1x80xi32, #tpu.memory_space<hbm>>
        %dma_wait3A_303 = tpu.memref_squeeze %dma_wait3A_302 : memref<1x1x80xi32, #tpu.memory_space<hbm>> -> memref<80xi32, #tpu.memory_space<hbm>>
        tpu.wait_dma2 semaphore(%arg25 : memref<!tpu.dma_semaphore, #tpu.memory_space<semaphore_mem>>) src(%dma_wait3A_303 : memref<80xi32, #tpu.memory_space<hbm>>) dst(%arg9 : memref<80xi32, #tpu.memory_space<vmem>>)
        %dma_wait3A_304 = arith.constant 0 : i32
        %dma_wait3A_305 = arith.constant 0 : i32
        %dma_wait3A_306 = tpu.memref_slice %arg4[%add3A, %dma_wait3A_304, %dma_wait3A_305] : memref<32x126x80xi32, #tpu.memory_space<hbm>> -> memref<1x1x80xi32, #tpu.memory_space<hbm>>
        %dma_wait3A_307 = tpu.memref_squeeze %dma_wait3A_306 : memref<1x1x80xi32, #tpu.memory_space<hbm>> -> memref<80xi32, #tpu.memory_space<hbm>>
        %dma_wait3A_308 = arith.constant 0 : i32
        %dma_wait3A_309 = tpu.memref_slice %arg4[%add3A, %dma_wait3A_304, %dma_wait3A_308] : memref<32x126x80xi32, #tpu.memory_space<hbm>> -> memref<1x1x80xi32, #tpu.memory_space<hbm>>
        %dma_wait3A_310 = tpu.memref_squeeze %dma_wait3A_309 : memref<1x1x80xi32, #tpu.memory_space<hbm>> -> memref<80xi32, #tpu.memory_space<hbm>>
        tpu.wait_dma2 semaphore(%arg25 : memref<!tpu.dma_semaphore, #tpu.memory_space<semaphore_mem>>) src(%dma_wait3A_310 : memref<80xi32, #tpu.memory_space<hbm>>) dst(%arg15 : memref<80xi32, #tpu.memory_space<vmem>>)
        %dma_start3A_311 = arith.constant 0 : i32
        %dma_start3A_312 = arith.constant 0 : i32
        %dma_start3A_313 = tpu.memref_slice %arg2[%dma_start3A_311, %dma_start3A_312] : memref<10000x128xf32, #tpu.memory_space<hbm>> -> memref<10000x128xf32, #tpu.memory_space<hbm>>
        tpu.enqueue_indirect_dma source(%dma_start3A_313 : memref<10000x128xf32, #tpu.memory_space<hbm>>) target(%arg21 : memref<80x128xf32, #tpu.memory_space<vmem>>) offsets(%arg9 : memref<80xi32, #tpu.memory_space<vmem>>) semaphore(%arg31 : memref<!tpu.dma_semaphore, #tpu.memory_space<semaphore_mem>>)
      } else {
      }
      %add3A_133 = arith.constant 6 : i32
      %add3A_134 = arith.addi %add3A_118, %add3A_133 : i32
      %sub3A = arith.constant 2 : i32
      %sub3A_135 = arith.subi %add3A_134, %sub3A : i32
      %lt3A_136 = arith.constant 126 : i32
      %lt3A_137 = arith.cmpi slt, %sub3A_135, %lt3A_136 : i32
      %convert_element_type3A_138 = arith.extui %lt3A_137 : i1 to i32
      %cond3A_139 = arith.constant 0 : i32
      %cond3A_140 = arith.cmpi ne, %convert_element_type3A_138, %cond3A_139 : i32
      scf.if %cond3A_140 {
        %add3A_297 = arith.constant 6 : i32
        %add3A_298 = arith.addi %add3A_118, %add3A_297 : i32
        %sub3A_299 = arith.constant 2 : i32
        %sub3A_300 = arith.subi %add3A_298, %sub3A_299 : i32
        %dma_start3A_301 = arith.constant 0 : i32
        %dma_start3A_302 = tpu.memref_slice %arg3[%add3A, %sub3A_300, %dma_start3A_301] : memref<32x126x80xi32, #tpu.memory_space<hbm>> -> memref<1x1x80xi32, #tpu.memory_space<hbm>>
        %dma_start3A_303 = tpu.memref_squeeze %dma_start3A_302 : memref<1x1x80xi32, #tpu.memory_space<hbm>> -> memref<80xi32, #tpu.memory_space<hbm>>
        %dma_start3A_304 = arith.constant 0 : i32
        %dma_start3A_305 = tpu.memref_slice %arg3[%add3A, %sub3A_300, %dma_start3A_304] : memref<32x126x80xi32, #tpu.memory_space<hbm>> -> memref<1x1x80xi32, #tpu.memory_space<hbm>>
        %dma_start3A_306 = tpu.memref_squeeze %dma_start3A_305 : memref<1x1x80xi32, #tpu.memory_space<hbm>> -> memref<80xi32, #tpu.memory_space<hbm>>
        tpu.enqueue_dma source(%dma_start3A_306 : memref<80xi32, #tpu.memory_space<hbm>>) target(%arg11 : memref<80xi32, #tpu.memory_space<vmem>>) target_semaphore(%arg27 : memref<!tpu.dma_semaphore, #tpu.memory_space<semaphore_mem>>)
        %dma_start3A_307 = arith.constant 0 : i32
        %dma_start3A_308 = tpu.memref_slice %arg4[%add3A, %sub3A_300, %dma_start3A_307] : memref<32x126x80xi32, #tpu.memory_space<hbm>> -> memref<1x1x80xi32, #tpu.memory_space<hbm>>
        %dma_start3A_309 = tpu.memref_squeeze %dma_start3A_308 : memref<1x1x80xi32, #tpu.memory_space<hbm>> -> memref<80xi32, #tpu.memory_space<hbm>>
        %dma_start3A_310 = arith.constant 0 : i32
        %dma_start3A_311 = tpu.memref_slice %arg4[%add3A, %sub3A_300, %dma_start3A_310] : memref<32x126x80xi32, #tpu.memory_space<hbm>> -> memref<1x1x80xi32, #tpu.memory_space<hbm>>
        %dma_start3A_312 = tpu.memref_squeeze %dma_start3A_311 : memref<1x1x80xi32, #tpu.memory_space<hbm>> -> memref<80xi32, #tpu.memory_space<hbm>>
        tpu.enqueue_dma source(%dma_start3A_312 : memref<80xi32, #tpu.memory_space<hbm>>) target(%arg17 : memref<80xi32, #tpu.memory_space<vmem>>) target_semaphore(%arg27 : memref<!tpu.dma_semaphore, #tpu.memory_space<semaphore_mem>>)
      } else {
      }
      %mul3A_141 = arith.constant 6 : i32
      %mul3A_142 = arith.muli %scan3A_113, %mul3A_141 : i32
      %add3A_143 = arith.constant 1 : i32
      %add3A_144 = arith.addi %mul3A_142, %add3A_143 : i32
      %dma_wait3A_145 = arith.constant 0 : i32
      %dma_wait3A_146 = arith.constant 0 : i32
      %dma_wait3A_147 = tpu.memref_slice %arg2[%dma_wait3A_145, %dma_wait3A_146] : memref<10000x128xf32, #tpu.memory_space<hbm>> -> memref<10000x128xf32, #tpu.memory_space<hbm>>
      tpu.wait_indirect_dma semaphore(%arg30 : memref<!tpu.dma_semaphore, #tpu.memory_space<semaphore_mem>>) src(%dma_wait3A_147 : memref<10000x128xf32, #tpu.memory_space<hbm>>) dst(%arg20 : memref<80x128xf32, #tpu.memory_space<vmem>>)
      %dma_start3A_148 = arith.constant 0 : i32
      %dma_start3A_149 = arith.constant 0 : i32
      %dma_start3A_150 = tpu.memref_slice %arg22[%dma_start3A_148, %dma_start3A_149] : memref<10064x128xf32, #tpu.memory_space<vmem_shared>> -> memref<10064x128xf32, #tpu.memory_space<vmem_shared>>
      tpu.enqueue_indirect_dma source(%arg20 : memref<80x128xf32, #tpu.memory_space<vmem>>) target(%dma_start3A_150 : memref<10064x128xf32, #tpu.memory_space<vmem_shared>>) offsets(%arg14 : memref<80xi32, #tpu.memory_space<vmem>>) semaphore(%arg33 : memref<!tpu.dma_semaphore, #tpu.memory_space<semaphore_mem>>) {add = true}
      %ge3A_151 = arith.constant 1 : i32
      %ge3A_152 = arith.cmpi sge, %add3A_144, %ge3A_151 : i32
      %convert_element_type3A_153 = arith.extui %ge3A_152 : i1 to i32
      %cond3A_154 = arith.constant 0 : i32
      %cond3A_155 = arith.cmpi ne, %convert_element_type3A_153, %cond3A_154 : i32
      scf.if %cond3A_155 {
        %dma_wait3A_297 = arith.constant 0 : i32
        %dma_wait3A_298 = arith.constant 0 : i32
        %dma_wait3A_299 = tpu.memref_slice %arg22[%dma_wait3A_297, %dma_wait3A_298] : memref<10064x128xf32, #tpu.memory_space<vmem_shared>> -> memref<10064x128xf32, #tpu.memory_space<vmem_shared>>
        tpu.wait_indirect_dma semaphore(%arg32 : memref<!tpu.dma_semaphore, #tpu.memory_space<semaphore_mem>>) src(%arg19 : memref<80x128xf32, #tpu.memory_space<vmem>>) dst(%dma_wait3A_299 : memref<10064x128xf32, #tpu.memory_space<vmem_shared>>)
      } else {
      }
      %add3A_156 = arith.constant 2 : i32
      %add3A_157 = arith.addi %add3A_144, %add3A_156 : i32
      %lt3A_158 = arith.constant 126 : i32
      %lt3A_159 = arith.cmpi slt, %add3A_157, %lt3A_158 : i32
      %convert_element_type3A_160 = arith.extui %lt3A_159 : i1 to i32
      %cond3A_161 = arith.constant 0 : i32
      %cond3A_162 = arith.cmpi ne, %convert_element_type3A_160, %cond3A_161 : i32
      scf.if %cond3A_162 {
        %dma_wait3A_297 = arith.constant 0 : i32
        %dma_wait3A_298 = arith.constant 0 : i32
        %dma_wait3A_299 = tpu.memref_slice %arg3[%add3A, %dma_wait3A_297, %dma_wait3A_298] : memref<32x126x80xi32, #tpu.memory_space<hbm>> -> memref<1x1x80xi32, #tpu.memory_space<hbm>>
        %dma_wait3A_300 = tpu.memref_squeeze %dma_wait3A_299 : memref<1x1x80xi32, #tpu.memory_space<hbm>> -> memref<80xi32, #tpu.memory_space<hbm>>
        %dma_wait3A_301 = arith.constant 0 : i32
        %dma_wait3A_302 = tpu.memref_slice %arg3[%add3A, %dma_wait3A_297, %dma_wait3A_301] : memref<32x126x80xi32, #tpu.memory_space<hbm>> -> memref<1x1x80xi32, #tpu.memory_space<hbm>>
        %dma_wait3A_303 = tpu.memref_squeeze %dma_wait3A_302 : memref<1x1x80xi32, #tpu.memory_space<hbm>> -> memref<80xi32, #tpu.memory_space<hbm>>
        tpu.wait_dma2 semaphore(%arg26 : memref<!tpu.dma_semaphore, #tpu.memory_space<semaphore_mem>>) src(%dma_wait3A_303 : memref<80xi32, #tpu.memory_space<hbm>>) dst(%arg10 : memref<80xi32, #tpu.memory_space<vmem>>)
        %dma_wait3A_304 = arith.constant 0 : i32
        %dma_wait3A_305 = arith.constant 0 : i32
        %dma_wait3A_306 = tpu.memref_slice %arg4[%add3A, %dma_wait3A_304, %dma_wait3A_305] : memref<32x126x80xi32, #tpu.memory_space<hbm>> -> memref<1x1x80xi32, #tpu.memory_space<hbm>>
        %dma_wait3A_307 = tpu.memref_squeeze %dma_wait3A_306 : memref<1x1x80xi32, #tpu.memory_space<hbm>> -> memref<80xi32, #tpu.memory_space<hbm>>
        %dma_wait3A_308 = arith.constant 0 : i32
        %dma_wait3A_309 = tpu.memref_slice %arg4[%add3A, %dma_wait3A_304, %dma_wait3A_308] : memref<32x126x80xi32, #tpu.memory_space<hbm>> -> memref<1x1x80xi32, #tpu.memory_space<hbm>>
        %dma_wait3A_310 = tpu.memref_squeeze %dma_wait3A_309 : memref<1x1x80xi32, #tpu.memory_space<hbm>> -> memref<80xi32, #tpu.memory_space<hbm>>
        tpu.wait_dma2 semaphore(%arg26 : memref<!tpu.dma_semaphore, #tpu.memory_space<semaphore_mem>>) src(%dma_wait3A_310 : memref<80xi32, #tpu.memory_space<hbm>>) dst(%arg16 : memref<80xi32, #tpu.memory_space<vmem>>)
        %dma_start3A_311 = arith.constant 0 : i32
        %dma_start3A_312 = arith.constant 0 : i32
        %dma_start3A_313 = tpu.memref_slice %arg2[%dma_start3A_311, %dma_start3A_312] : memref<10000x128xf32, #tpu.memory_space<hbm>> -> memref<10000x128xf32, #tpu.memory_space<hbm>>
        tpu.enqueue_indirect_dma source(%dma_start3A_313 : memref<10000x128xf32, #tpu.memory_space<hbm>>) target(%arg19 : memref<80x128xf32, #tpu.memory_space<vmem>>) offsets(%arg10 : memref<80xi32, #tpu.memory_space<vmem>>) semaphore(%arg29 : memref<!tpu.dma_semaphore, #tpu.memory_space<semaphore_mem>>)
      } else {
      }
      %add3A_163 = arith.constant 6 : i32
      %add3A_164 = arith.addi %add3A_144, %add3A_163 : i32
      %sub3A_165 = arith.constant 2 : i32
      %sub3A_166 = arith.subi %add3A_164, %sub3A_165 : i32
      %lt3A_167 = arith.constant 126 : i32
      %lt3A_168 = arith.cmpi slt, %sub3A_166, %lt3A_167 : i32
      %convert_element_type3A_169 = arith.extui %lt3A_168 : i1 to i32
      %cond3A_170 = arith.constant 0 : i32
      %cond3A_171 = arith.cmpi ne, %convert_element_type3A_169, %cond3A_170 : i32
      scf.if %cond3A_171 {
        %add3A_297 = arith.constant 6 : i32
        %add3A_298 = arith.addi %add3A_144, %add3A_297 : i32
        %sub3A_299 = arith.constant 2 : i32
        %sub3A_300 = arith.subi %add3A_298, %sub3A_299 : i32
        %dma_start3A_301 = arith.constant 0 : i32
        %dma_start3A_302 = tpu.memref_slice %arg3[%add3A, %sub3A_300, %dma_start3A_301] : memref<32x126x80xi32, #tpu.memory_space<hbm>> -> memref<1x1x80xi32, #tpu.memory_space<hbm>>
        %dma_start3A_303 = tpu.memref_squeeze %dma_start3A_302 : memref<1x1x80xi32, #tpu.memory_space<hbm>> -> memref<80xi32, #tpu.memory_space<hbm>>
        %dma_start3A_304 = arith.constant 0 : i32
        %dma_start3A_305 = tpu.memref_slice %arg3[%add3A, %sub3A_300, %dma_start3A_304] : memref<32x126x80xi32, #tpu.memory_space<hbm>> -> memref<1x1x80xi32, #tpu.memory_space<hbm>>
        %dma_start3A_306 = tpu.memref_squeeze %dma_start3A_305 : memref<1x1x80xi32, #tpu.memory_space<hbm>> -> memref<80xi32, #tpu.memory_space<hbm>>
        tpu.enqueue_dma source(%dma_start3A_306 : memref<80xi32, #tpu.memory_space<hbm>>) target(%arg12 : memref<80xi32, #tpu.memory_space<vmem>>) target_semaphore(%arg28 : memref<!tpu.dma_semaphore, #tpu.memory_space<semaphore_mem>>)
        %dma_start3A_307 = arith.constant 0 : i32
        %dma_start3A_308 = tpu.memref_slice %arg4[%add3A, %sub3A_300, %dma_start3A_307] : memref<32x126x80xi32, #tpu.memory_space<hbm>> -> memref<1x1x80xi32, #tpu.memory_space<hbm>>
        %dma_start3A_309 = tpu.memref_squeeze %dma_start3A_308 : memref<1x1x80xi32, #tpu.memory_space<hbm>> -> memref<80xi32, #tpu.memory_space<hbm>>
        %dma_start3A_310 = arith.constant 0 : i32
        %dma_start3A_311 = tpu.memref_slice %arg4[%add3A, %sub3A_300, %dma_start3A_310] : memref<32x126x80xi32, #tpu.memory_space<hbm>> -> memref<1x1x80xi32, #tpu.memory_space<hbm>>
        %dma_start3A_312 = tpu.memref_squeeze %dma_start3A_311 : memref<1x1x80xi32, #tpu.memory_space<hbm>> -> memref<80xi32, #tpu.memory_space<hbm>>
        tpu.enqueue_dma source(%dma_start3A_312 : memref<80xi32, #tpu.memory_space<hbm>>) target(%arg18 : memref<80xi32, #tpu.memory_space<vmem>>) target_semaphore(%arg28 : memref<!tpu.dma_semaphore, #tpu.memory_space<semaphore_mem>>)
      } else {
      }
      %mul3A_172 = arith.constant 6 : i32
      %mul3A_173 = arith.muli %scan3A_113, %mul3A_172 : i32
      %add3A_174 = arith.constant 2 : i32
      %add3A_175 = arith.addi %mul3A_173, %add3A_174 : i32
      %dma_wait3A_176 = arith.constant 0 : i32
      %dma_wait3A_177 = arith.constant 0 : i32
      %dma_wait3A_178 = tpu.memref_slice %arg2[%dma_wait3A_176, %dma_wait3A_177] : memref<10000x128xf32, #tpu.memory_space<hbm>> -> memref<10000x128xf32, #tpu.memory_space<hbm>>
      tpu.wait_indirect_dma semaphore(%arg31 : memref<!tpu.dma_semaphore, #tpu.memory_space<semaphore_mem>>) src(%dma_wait3A_178 : memref<10000x128xf32, #tpu.memory_space<hbm>>) dst(%arg21 : memref<80x128xf32, #tpu.memory_space<vmem>>)
      %dma_start3A_179 = arith.constant 0 : i32
      %dma_start3A_180 = arith.constant 0 : i32
      %dma_start3A_181 = tpu.memref_slice %arg22[%dma_start3A_179, %dma_start3A_180] : memref<10064x128xf32, #tpu.memory_space<vmem_shared>> -> memref<10064x128xf32, #tpu.memory_space<vmem_shared>>
      tpu.enqueue_indirect_dma source(%arg21 : memref<80x128xf32, #tpu.memory_space<vmem>>) target(%dma_start3A_181 : memref<10064x128xf32, #tpu.memory_space<vmem_shared>>) offsets(%arg15 : memref<80xi32, #tpu.memory_space<vmem>>) semaphore(%arg34 : memref<!tpu.dma_semaphore, #tpu.memory_space<semaphore_mem>>) {add = true}
      %ge3A_182 = arith.constant 1 : i32
      %ge3A_183 = arith.cmpi sge, %add3A_175, %ge3A_182 : i32
      %convert_element_type3A_184 = arith.extui %ge3A_183 : i1 to i32
      %cond3A_185 = arith.constant 0 : i32
      %cond3A_186 = arith.cmpi ne, %convert_element_type3A_184, %cond3A_185 : i32
      scf.if %cond3A_186 {
        %dma_wait3A_297 = arith.constant 0 : i32
        %dma_wait3A_298 = arith.constant 0 : i32
        %dma_wait3A_299 = tpu.memref_slice %arg22[%dma_wait3A_297, %dma_wait3A_298] : memref<10064x128xf32, #tpu.memory_space<vmem_shared>> -> memref<10064x128xf32, #tpu.memory_space<vmem_shared>>
        tpu.wait_indirect_dma semaphore(%arg33 : memref<!tpu.dma_semaphore, #tpu.memory_space<semaphore_mem>>) src(%arg20 : memref<80x128xf32, #tpu.memory_space<vmem>>) dst(%dma_wait3A_299 : memref<10064x128xf32, #tpu.memory_space<vmem_shared>>)
      } else {
      }
      %add3A_187 = arith.constant 2 : i32
      %add3A_188 = arith.addi %add3A_175, %add3A_187 : i32
      %lt3A_189 = arith.constant 126 : i32
      %lt3A_190 = arith.cmpi slt, %add3A_188, %lt3A_189 : i32
      %convert_element_type3A_191 = arith.extui %lt3A_190 : i1 to i32
      %cond3A_192 = arith.constant 0 : i32
      %cond3A_193 = arith.cmpi ne, %convert_element_type3A_191, %cond3A_192 : i32
      scf.if %cond3A_193 {
        %dma_wait3A_297 = arith.constant 0 : i32
        %dma_wait3A_298 = arith.constant 0 : i32
        %dma_wait3A_299 = tpu.memref_slice %arg3[%add3A, %dma_wait3A_297, %dma_wait3A_298] : memref<32x126x80xi32, #tpu.memory_space<hbm>> -> memref<1x1x80xi32, #tpu.memory_space<hbm>>
        %dma_wait3A_300 = tpu.memref_squeeze %dma_wait3A_299 : memref<1x1x80xi32, #tpu.memory_space<hbm>> -> memref<80xi32, #tpu.memory_space<hbm>>
        %dma_wait3A_301 = arith.constant 0 : i32
        %dma_wait3A_302 = tpu.memref_slice %arg3[%add3A, %dma_wait3A_297, %dma_wait3A_301] : memref<32x126x80xi32, #tpu.memory_space<hbm>> -> memref<1x1x80xi32, #tpu.memory_space<hbm>>
        %dma_wait3A_303 = tpu.memref_squeeze %dma_wait3A_302 : memref<1x1x80xi32, #tpu.memory_space<hbm>> -> memref<80xi32, #tpu.memory_space<hbm>>
        tpu.wait_dma2 semaphore(%arg27 : memref<!tpu.dma_semaphore, #tpu.memory_space<semaphore_mem>>) src(%dma_wait3A_303 : memref<80xi32, #tpu.memory_space<hbm>>) dst(%arg11 : memref<80xi32, #tpu.memory_space<vmem>>)
        %dma_wait3A_304 = arith.constant 0 : i32
        %dma_wait3A_305 = arith.constant 0 : i32
        %dma_wait3A_306 = tpu.memref_slice %arg4[%add3A, %dma_wait3A_304, %dma_wait3A_305] : memref<32x126x80xi32, #tpu.memory_space<hbm>> -> memref<1x1x80xi32, #tpu.memory_space<hbm>>
        %dma_wait3A_307 = tpu.memref_squeeze %dma_wait3A_306 : memref<1x1x80xi32, #tpu.memory_space<hbm>> -> memref<80xi32, #tpu.memory_space<hbm>>
        %dma_wait3A_308 = arith.constant 0 : i32
        %dma_wait3A_309 = tpu.memref_slice %arg4[%add3A, %dma_wait3A_304, %dma_wait3A_308] : memref<32x126x80xi32, #tpu.memory_space<hbm>> -> memref<1x1x80xi32, #tpu.memory_space<hbm>>
        %dma_wait3A_310 = tpu.memref_squeeze %dma_wait3A_309 : memref<1x1x80xi32, #tpu.memory_space<hbm>> -> memref<80xi32, #tpu.memory_space<hbm>>
        tpu.wait_dma2 semaphore(%arg27 : memref<!tpu.dma_semaphore, #tpu.memory_space<semaphore_mem>>) src(%dma_wait3A_310 : memref<80xi32, #tpu.memory_space<hbm>>) dst(%arg17 : memref<80xi32, #tpu.memory_space<vmem>>)
        %dma_start3A_311 = arith.constant 0 : i32
        %dma_start3A_312 = arith.constant 0 : i32
        %dma_start3A_313 = tpu.memref_slice %arg2[%dma_start3A_311, %dma_start3A_312] : memref<10000x128xf32, #tpu.memory_space<hbm>> -> memref<10000x128xf32, #tpu.memory_space<hbm>>
        tpu.enqueue_indirect_dma source(%dma_start3A_313 : memref<10000x128xf32, #tpu.memory_space<hbm>>) target(%arg20 : memref<80x128xf32, #tpu.memory_space<vmem>>) offsets(%arg11 : memref<80xi32, #tpu.memory_space<vmem>>) semaphore(%arg30 : memref<!tpu.dma_semaphore, #tpu.memory_space<semaphore_mem>>)
      } else {
      }
      %add3A_194 = arith.constant 6 : i32
      %add3A_195 = arith.addi %add3A_175, %add3A_194 : i32
      %sub3A_196 = arith.constant 2 : i32
      %sub3A_197 = arith.subi %add3A_195, %sub3A_196 : i32
      %lt3A_198 = arith.constant 126 : i32
      %lt3A_199 = arith.cmpi slt, %sub3A_197, %lt3A_198 : i32
      %convert_element_type3A_200 = arith.extui %lt3A_199 : i1 to i32
      %cond3A_201 = arith.constant 0 : i32
      %cond3A_202 = arith.cmpi ne, %convert_element_type3A_200, %cond3A_201 : i32
      scf.if %cond3A_202 {
        %add3A_297 = arith.constant 6 : i32
        %add3A_298 = arith.addi %add3A_175, %add3A_297 : i32
        %sub3A_299 = arith.constant 2 : i32
        %sub3A_300 = arith.subi %add3A_298, %sub3A_299 : i32
        %dma_start3A_301 = arith.constant 0 : i32
        %dma_start3A_302 = tpu.memref_slice %arg3[%add3A, %sub3A_300, %dma_start3A_301] : memref<32x126x80xi32, #tpu.memory_space<hbm>> -> memref<1x1x80xi32, #tpu.memory_space<hbm>>
        %dma_start3A_303 = tpu.memref_squeeze %dma_start3A_302 : memref<1x1x80xi32, #tpu.memory_space<hbm>> -> memref<80xi32, #tpu.memory_space<hbm>>
        %dma_start3A_304 = arith.constant 0 : i32
        %dma_start3A_305 = tpu.memref_slice %arg3[%add3A, %sub3A_300, %dma_start3A_304] : memref<32x126x80xi32, #tpu.memory_space<hbm>> -> memref<1x1x80xi32, #tpu.memory_space<hbm>>
        %dma_start3A_306 = tpu.memref_squeeze %dma_start3A_305 : memref<1x1x80xi32, #tpu.memory_space<hbm>> -> memref<80xi32, #tpu.memory_space<hbm>>
        tpu.enqueue_dma source(%dma_start3A_306 : memref<80xi32, #tpu.memory_space<hbm>>) target(%arg7 : memref<80xi32, #tpu.memory_space<vmem>>) target_semaphore(%arg23 : memref<!tpu.dma_semaphore, #tpu.memory_space<semaphore_mem>>)
        %dma_start3A_307 = arith.constant 0 : i32
        %dma_start3A_308 = tpu.memref_slice %arg4[%add3A, %sub3A_300, %dma_start3A_307] : memref<32x126x80xi32, #tpu.memory_space<hbm>> -> memref<1x1x80xi32, #tpu.memory_space<hbm>>
        %dma_start3A_309 = tpu.memref_squeeze %dma_start3A_308 : memref<1x1x80xi32, #tpu.memory_space<hbm>> -> memref<80xi32, #tpu.memory_space<hbm>>
        %dma_start3A_310 = arith.constant 0 : i32
        %dma_start3A_311 = tpu.memref_slice %arg4[%add3A, %sub3A_300, %dma_start3A_310] : memref<32x126x80xi32, #tpu.memory_space<hbm>> -> memref<1x1x80xi32, #tpu.memory_space<hbm>>
        %dma_start3A_312 = tpu.memref_squeeze %dma_start3A_311 : memref<1x1x80xi32, #tpu.memory_space<hbm>> -> memref<80xi32, #tpu.memory_space<hbm>>
        tpu.enqueue_dma source(%dma_start3A_312 : memref<80xi32, #tpu.memory_space<hbm>>) target(%arg13 : memref<80xi32, #tpu.memory_space<vmem>>) target_semaphore(%arg23 : memref<!tpu.dma_semaphore, #tpu.memory_space<semaphore_mem>>)
      } else {
      }
      %mul3A_203 = arith.constant 6 : i32
      %mul3A_204 = arith.muli %scan3A_113, %mul3A_203 : i32
      %add3A_205 = arith.constant 3 : i32
      %add3A_206 = arith.addi %mul3A_204, %add3A_205 : i32
      %dma_wait3A_207 = arith.constant 0 : i32
      %dma_wait3A_208 = arith.constant 0 : i32
      %dma_wait3A_209 = tpu.memref_slice %arg2[%dma_wait3A_207, %dma_wait3A_208] : memref<10000x128xf32, #tpu.memory_space<hbm>> -> memref<10000x128xf32, #tpu.memory_space<hbm>>
      tpu.wait_indirect_dma semaphore(%arg29 : memref<!tpu.dma_semaphore, #tpu.memory_space<semaphore_mem>>) src(%dma_wait3A_209 : memref<10000x128xf32, #tpu.memory_space<hbm>>) dst(%arg19 : memref<80x128xf32, #tpu.memory_space<vmem>>)
      %dma_start3A_210 = arith.constant 0 : i32
      %dma_start3A_211 = arith.constant 0 : i32
      %dma_start3A_212 = tpu.memref_slice %arg22[%dma_start3A_210, %dma_start3A_211] : memref<10064x128xf32, #tpu.memory_space<vmem_shared>> -> memref<10064x128xf32, #tpu.memory_space<vmem_shared>>
      tpu.enqueue_indirect_dma source(%arg19 : memref<80x128xf32, #tpu.memory_space<vmem>>) target(%dma_start3A_212 : memref<10064x128xf32, #tpu.memory_space<vmem_shared>>) offsets(%arg16 : memref<80xi32, #tpu.memory_space<vmem>>) semaphore(%arg32 : memref<!tpu.dma_semaphore, #tpu.memory_space<semaphore_mem>>) {add = true}
      %ge3A_213 = arith.constant 1 : i32
      %ge3A_214 = arith.cmpi sge, %add3A_206, %ge3A_213 : i32
      %convert_element_type3A_215 = arith.extui %ge3A_214 : i1 to i32
      %cond3A_216 = arith.constant 0 : i32
      %cond3A_217 = arith.cmpi ne, %convert_element_type3A_215, %cond3A_216 : i32
      scf.if %cond3A_217 {
        %dma_wait3A_297 = arith.constant 0 : i32
        %dma_wait3A_298 = arith.constant 0 : i32
        %dma_wait3A_299 = tpu.memref_slice %arg22[%dma_wait3A_297, %dma_wait3A_298] : memref<10064x128xf32, #tpu.memory_space<vmem_shared>> -> memref<10064x128xf32, #tpu.memory_space<vmem_shared>>
        tpu.wait_indirect_dma semaphore(%arg34 : memref<!tpu.dma_semaphore, #tpu.memory_space<semaphore_mem>>) src(%arg21 : memref<80x128xf32, #tpu.memory_space<vmem>>) dst(%dma_wait3A_299 : memref<10064x128xf32, #tpu.memory_space<vmem_shared>>)
      } else {
      }
      %add3A_218 = arith.constant 2 : i32
      %add3A_219 = arith.addi %add3A_206, %add3A_218 : i32
      %lt3A_220 = arith.constant 126 : i32
      %lt3A_221 = arith.cmpi slt, %add3A_219, %lt3A_220 : i32
      %convert_element_type3A_222 = arith.extui %lt3A_221 : i1 to i32
      %cond3A_223 = arith.constant 0 : i32
      %cond3A_224 = arith.cmpi ne, %convert_element_type3A_222, %cond3A_223 : i32
      scf.if %cond3A_224 {
        %dma_wait3A_297 = arith.constant 0 : i32
        %dma_wait3A_298 = arith.constant 0 : i32
        %dma_wait3A_299 = tpu.memref_slice %arg3[%add3A, %dma_wait3A_297, %dma_wait3A_298] : memref<32x126x80xi32, #tpu.memory_space<hbm>> -> memref<1x1x80xi32, #tpu.memory_space<hbm>>
        %dma_wait3A_300 = tpu.memref_squeeze %dma_wait3A_299 : memref<1x1x80xi32, #tpu.memory_space<hbm>> -> memref<80xi32, #tpu.memory_space<hbm>>
        %dma_wait3A_301 = arith.constant 0 : i32
        %dma_wait3A_302 = tpu.memref_slice %arg3[%add3A, %dma_wait3A_297, %dma_wait3A_301] : memref<32x126x80xi32, #tpu.memory_space<hbm>> -> memref<1x1x80xi32, #tpu.memory_space<hbm>>
        %dma_wait3A_303 = tpu.memref_squeeze %dma_wait3A_302 : memref<1x1x80xi32, #tpu.memory_space<hbm>> -> memref<80xi32, #tpu.memory_space<hbm>>
        tpu.wait_dma2 semaphore(%arg28 : memref<!tpu.dma_semaphore, #tpu.memory_space<semaphore_mem>>) src(%dma_wait3A_303 : memref<80xi32, #tpu.memory_space<hbm>>) dst(%arg12 : memref<80xi32, #tpu.memory_space<vmem>>)
        %dma_wait3A_304 = arith.constant 0 : i32
        %dma_wait3A_305 = arith.constant 0 : i32
        %dma_wait3A_306 = tpu.memref_slice %arg4[%add3A, %dma_wait3A_304, %dma_wait3A_305] : memref<32x126x80xi32, #tpu.memory_space<hbm>> -> memref<1x1x80xi32, #tpu.memory_space<hbm>>
        %dma_wait3A_307 = tpu.memref_squeeze %dma_wait3A_306 : memref<1x1x80xi32, #tpu.memory_space<hbm>> -> memref<80xi32, #tpu.memory_space<hbm>>
        %dma_wait3A_308 = arith.constant 0 : i32
        %dma_wait3A_309 = tpu.memref_slice %arg4[%add3A, %dma_wait3A_304, %dma_wait3A_308] : memref<32x126x80xi32, #tpu.memory_space<hbm>> -> memref<1x1x80xi32, #tpu.memory_space<hbm>>
        %dma_wait3A_310 = tpu.memref_squeeze %dma_wait3A_309 : memref<1x1x80xi32, #tpu.memory_space<hbm>> -> memref<80xi32, #tpu.memory_space<hbm>>
        tpu.wait_dma2 semaphore(%arg28 : memref<!tpu.dma_semaphore, #tpu.memory_space<semaphore_mem>>) src(%dma_wait3A_310 : memref<80xi32, #tpu.memory_space<hbm>>) dst(%arg18 : memref<80xi32, #tpu.memory_space<vmem>>)
        %dma_start3A_311 = arith.constant 0 : i32
        %dma_start3A_312 = arith.constant 0 : i32
        %dma_start3A_313 = tpu.memref_slice %arg2[%dma_start3A_311, %dma_start3A_312] : memref<10000x128xf32, #tpu.memory_space<hbm>> -> memref<10000x128xf32, #tpu.memory_space<hbm>>
        tpu.enqueue_indirect_dma source(%dma_start3A_313 : memref<10000x128xf32, #tpu.memory_space<hbm>>) target(%arg21 : memref<80x128xf32, #tpu.memory_space<vmem>>) offsets(%arg12 : memref<80xi32, #tpu.memory_space<vmem>>) semaphore(%arg31 : memref<!tpu.dma_semaphore, #tpu.memory_space<semaphore_mem>>)
      } else {
      }
      %add3A_225 = arith.constant 6 : i32
      %add3A_226 = arith.addi %add3A_206, %add3A_225 : i32
      %sub3A_227 = arith.constant 2 : i32
      %sub3A_228 = arith.subi %add3A_226, %sub3A_227 : i32
      %lt3A_229 = arith.constant 126 : i32
      %lt3A_230 = arith.cmpi slt, %sub3A_228, %lt3A_229 : i32
      %convert_element_type3A_231 = arith.extui %lt3A_230 : i1 to i32
      %cond3A_232 = arith.constant 0 : i32
      %cond3A_233 = arith.cmpi ne, %convert_element_type3A_231, %cond3A_232 : i32
      scf.if %cond3A_233 {
        %add3A_297 = arith.constant 6 : i32
        %add3A_298 = arith.addi %add3A_206, %add3A_297 : i32
        %sub3A_299 = arith.constant 2 : i32
        %sub3A_300 = arith.subi %add3A_298, %sub3A_299 : i32
        %dma_start3A_301 = arith.constant 0 : i32
        %dma_start3A_302 = tpu.memref_slice %arg3[%add3A, %sub3A_300, %dma_start3A_301] : memref<32x126x80xi32, #tpu.memory_space<hbm>> -> memref<1x1x80xi32, #tpu.memory_space<hbm>>
        %dma_start3A_303 = tpu.memref_squeeze %dma_start3A_302 : memref<1x1x80xi32, #tpu.memory_space<hbm>> -> memref<80xi32, #tpu.memory_space<hbm>>
        %dma_start3A_304 = arith.constant 0 : i32
        %dma_start3A_305 = tpu.memref_slice %arg3[%add3A, %sub3A_300, %dma_start3A_304] : memref<32x126x80xi32, #tpu.memory_space<hbm>> -> memref<1x1x80xi32, #tpu.memory_space<hbm>>
        %dma_start3A_306 = tpu.memref_squeeze %dma_start3A_305 : memref<1x1x80xi32, #tpu.memory_space<hbm>> -> memref<80xi32, #tpu.memory_space<hbm>>
        tpu.enqueue_dma source(%dma_start3A_306 : memref<80xi32, #tpu.memory_space<hbm>>) target(%arg8 : memref<80xi32, #tpu.memory_space<vmem>>) target_semaphore(%arg24 : memref<!tpu.dma_semaphore, #tpu.memory_space<semaphore_mem>>)
        %dma_start3A_307 = arith.constant 0 : i32
        %dma_start3A_308 = tpu.memref_slice %arg4[%add3A, %sub3A_300, %dma_start3A_307] : memref<32x126x80xi32, #tpu.memory_space<hbm>> -> memref<1x1x80xi32, #tpu.memory_space<hbm>>
        %dma_start3A_309 = tpu.memref_squeeze %dma_start3A_308 : memref<1x1x80xi32, #tpu.memory_space<hbm>> -> memref<80xi32, #tpu.memory_space<hbm>>
        %dma_start3A_310 = arith.constant 0 : i32
        %dma_start3A_311 = tpu.memref_slice %arg4[%add3A, %sub3A_300, %dma_start3A_310] : memref<32x126x80xi32, #tpu.memory_space<hbm>> -> memref<1x1x80xi32, #tpu.memory_space<hbm>>
        %dma_start3A_312 = tpu.memref_squeeze %dma_start3A_311 : memref<1x1x80xi32, #tpu.memory_space<hbm>> -> memref<80xi32, #tpu.memory_space<hbm>>
        tpu.enqueue_dma source(%dma_start3A_312 : memref<80xi32, #tpu.memory_space<hbm>>) target(%arg14 : memref<80xi32, #tpu.memory_space<vmem>>) target_semaphore(%arg24 : memref<!tpu.dma_semaphore, #tpu.memory_space<semaphore_mem>>)
      } else {
      }
      %mul3A_234 = arith.constant 6 : i32
      %mul3A_235 = arith.muli %scan3A_113, %mul3A_234 : i32
      %add3A_236 = arith.constant 4 : i32
      %add3A_237 = arith.addi %mul3A_235, %add3A_236 : i32
      %dma_wait3A_238 = arith.constant 0 : i32
      %dma_wait3A_239 = arith.constant 0 : i32
      %dma_wait3A_240 = tpu.memref_slice %arg2[%dma_wait3A_238, %dma_wait3A_239] : memref<10000x128xf32, #tpu.memory_space<hbm>> -> memref<10000x128xf32, #tpu.memory_space<hbm>>
      tpu.wait_indirect_dma semaphore(%arg30 : memref<!tpu.dma_semaphore, #tpu.memory_space<semaphore_mem>>) src(%dma_wait3A_240 : memref<10000x128xf32, #tpu.memory_space<hbm>>) dst(%arg20 : memref<80x128xf32, #tpu.memory_space<vmem>>)
      %dma_start3A_241 = arith.constant 0 : i32
      %dma_start3A_242 = arith.constant 0 : i32
      %dma_start3A_243 = tpu.memref_slice %arg22[%dma_start3A_241, %dma_start3A_242] : memref<10064x128xf32, #tpu.memory_space<vmem_shared>> -> memref<10064x128xf32, #tpu.memory_space<vmem_shared>>
      tpu.enqueue_indirect_dma source(%arg20 : memref<80x128xf32, #tpu.memory_space<vmem>>) target(%dma_start3A_243 : memref<10064x128xf32, #tpu.memory_space<vmem_shared>>) offsets(%arg17 : memref<80xi32, #tpu.memory_space<vmem>>) semaphore(%arg33 : memref<!tpu.dma_semaphore, #tpu.memory_space<semaphore_mem>>) {add = true}
      %ge3A_244 = arith.constant 1 : i32
      %ge3A_245 = arith.cmpi sge, %add3A_237, %ge3A_244 : i32
      %convert_element_type3A_246 = arith.extui %ge3A_245 : i1 to i32
      %cond3A_247 = arith.constant 0 : i32
      %cond3A_248 = arith.cmpi ne, %convert_element_type3A_246, %cond3A_247 : i32
      scf.if %cond3A_248 {
        %dma_wait3A_297 = arith.constant 0 : i32
        %dma_wait3A_298 = arith.constant 0 : i32
        %dma_wait3A_299 = tpu.memref_slice %arg22[%dma_wait3A_297, %dma_wait3A_298] : memref<10064x128xf32, #tpu.memory_space<vmem_shared>> -> memref<10064x128xf32, #tpu.memory_space<vmem_shared>>
        tpu.wait_indirect_dma semaphore(%arg32 : memref<!tpu.dma_semaphore, #tpu.memory_space<semaphore_mem>>) src(%arg19 : memref<80x128xf32, #tpu.memory_space<vmem>>) dst(%dma_wait3A_299 : memref<10064x128xf32, #tpu.memory_space<vmem_shared>>)
      } else {
      }
      %add3A_249 = arith.constant 2 : i32
      %add3A_250 = arith.addi %add3A_237, %add3A_249 : i32
      %lt3A_251 = arith.constant 126 : i32
      %lt3A_252 = arith.cmpi slt, %add3A_250, %lt3A_251 : i32
      %convert_element_type3A_253 = arith.extui %lt3A_252 : i1 to i32
      %cond3A_254 = arith.constant 0 : i32
      %cond3A_255 = arith.cmpi ne, %convert_element_type3A_253, %cond3A_254 : i32
      scf.if %cond3A_255 {
        %dma_wait3A_297 = arith.constant 0 : i32
        %dma_wait3A_298 = arith.constant 0 : i32
        %dma_wait3A_299 = tpu.memref_slice %arg3[%add3A, %dma_wait3A_297, %dma_wait3A_298] : memref<32x126x80xi32, #tpu.memory_space<hbm>> -> memref<1x1x80xi32, #tpu.memory_space<hbm>>
        %dma_wait3A_300 = tpu.memref_squeeze %dma_wait3A_299 : memref<1x1x80xi32, #tpu.memory_space<hbm>> -> memref<80xi32, #tpu.memory_space<hbm>>
        %dma_wait3A_301 = arith.constant 0 : i32
        %dma_wait3A_302 = tpu.memref_slice %arg3[%add3A, %dma_wait3A_297, %dma_wait3A_301] : memref<32x126x80xi32, #tpu.memory_space<hbm>> -> memref<1x1x80xi32, #tpu.memory_space<hbm>>
        %dma_wait3A_303 = tpu.memref_squeeze %dma_wait3A_302 : memref<1x1x80xi32, #tpu.memory_space<hbm>> -> memref<80xi32, #tpu.memory_space<hbm>>
        tpu.wait_dma2 semaphore(%arg23 : memref<!tpu.dma_semaphore, #tpu.memory_space<semaphore_mem>>) src(%dma_wait3A_303 : memref<80xi32, #tpu.memory_space<hbm>>) dst(%arg7 : memref<80xi32, #tpu.memory_space<vmem>>)
        %dma_wait3A_304 = arith.constant 0 : i32
        %dma_wait3A_305 = arith.constant 0 : i32
        %dma_wait3A_306 = tpu.memref_slice %arg4[%add3A, %dma_wait3A_304, %dma_wait3A_305] : memref<32x126x80xi32, #tpu.memory_space<hbm>> -> memref<1x1x80xi32, #tpu.memory_space<hbm>>
        %dma_wait3A_307 = tpu.memref_squeeze %dma_wait3A_306 : memref<1x1x80xi32, #tpu.memory_space<hbm>> -> memref<80xi32, #tpu.memory_space<hbm>>
        %dma_wait3A_308 = arith.constant 0 : i32
        %dma_wait3A_309 = tpu.memref_slice %arg4[%add3A, %dma_wait3A_304, %dma_wait3A_308] : memref<32x126x80xi32, #tpu.memory_space<hbm>> -> memref<1x1x80xi32, #tpu.memory_space<hbm>>
        %dma_wait3A_310 = tpu.memref_squeeze %dma_wait3A_309 : memref<1x1x80xi32, #tpu.memory_space<hbm>> -> memref<80xi32, #tpu.memory_space<hbm>>
        tpu.wait_dma2 semaphore(%arg23 : memref<!tpu.dma_semaphore, #tpu.memory_space<semaphore_mem>>) src(%dma_wait3A_310 : memref<80xi32, #tpu.memory_space<hbm>>) dst(%arg13 : memref<80xi32, #tpu.memory_space<vmem>>)
        %dma_start3A_311 = arith.constant 0 : i32
        %dma_start3A_312 = arith.constant 0 : i32
        %dma_start3A_313 = tpu.memref_slice %arg2[%dma_start3A_311, %dma_start3A_312] : memref<10000x128xf32, #tpu.memory_space<hbm>> -> memref<10000x128xf32, #tpu.memory_space<hbm>>
        tpu.enqueue_indirect_dma source(%dma_start3A_313 : memref<10000x128xf32, #tpu.memory_space<hbm>>) target(%arg19 : memref<80x128xf32, #tpu.memory_space<vmem>>) offsets(%arg7 : memref<80xi32, #tpu.memory_space<vmem>>) semaphore(%arg29 : memref<!tpu.dma_semaphore, #tpu.memory_space<semaphore_mem>>)
      } else {
      }
      %add3A_256 = arith.constant 6 : i32
      %add3A_257 = arith.addi %add3A_237, %add3A_256 : i32
      %sub3A_258 = arith.constant 2 : i32
      %sub3A_259 = arith.subi %add3A_257, %sub3A_258 : i32
      %lt3A_260 = arith.constant 126 : i32
      %lt3A_261 = arith.cmpi slt, %sub3A_259, %lt3A_260 : i32
      %convert_element_type3A_262 = arith.extui %lt3A_261 : i1 to i32
      %cond3A_263 = arith.constant 0 : i32
      %cond3A_264 = arith.cmpi ne, %convert_element_type3A_262, %cond3A_263 : i32
      scf.if %cond3A_264 {
        %add3A_297 = arith.constant 6 : i32
        %add3A_298 = arith.addi %add3A_237, %add3A_297 : i32
        %sub3A_299 = arith.constant 2 : i32
        %sub3A_300 = arith.subi %add3A_298, %sub3A_299 : i32
        %dma_start3A_301 = arith.constant 0 : i32
        %dma_start3A_302 = tpu.memref_slice %arg3[%add3A, %sub3A_300, %dma_start3A_301] : memref<32x126x80xi32, #tpu.memory_space<hbm>> -> memref<1x1x80xi32, #tpu.memory_space<hbm>>
        %dma_start3A_303 = tpu.memref_squeeze %dma_start3A_302 : memref<1x1x80xi32, #tpu.memory_space<hbm>> -> memref<80xi32, #tpu.memory_space<hbm>>
        %dma_start3A_304 = arith.constant 0 : i32
        %dma_start3A_305 = tpu.memref_slice %arg3[%add3A, %sub3A_300, %dma_start3A_304] : memref<32x126x80xi32, #tpu.memory_space<hbm>> -> memref<1x1x80xi32, #tpu.memory_space<hbm>>
        %dma_start3A_306 = tpu.memref_squeeze %dma_start3A_305 : memref<1x1x80xi32, #tpu.memory_space<hbm>> -> memref<80xi32, #tpu.memory_space<hbm>>
        tpu.enqueue_dma source(%dma_start3A_306 : memref<80xi32, #tpu.memory_space<hbm>>) target(%arg9 : memref<80xi32, #tpu.memory_space<vmem>>) target_semaphore(%arg25 : memref<!tpu.dma_semaphore, #tpu.memory_space<semaphore_mem>>)
        %dma_start3A_307 = arith.constant 0 : i32
        %dma_start3A_308 = tpu.memref_slice %arg4[%add3A, %sub3A_300, %dma_start3A_307] : memref<32x126x80xi32, #tpu.memory_space<hbm>> -> memref<1x1x80xi32, #tpu.memory_space<hbm>>
        %dma_start3A_309 = tpu.memref_squeeze %dma_start3A_308 : memref<1x1x80xi32, #tpu.memory_space<hbm>> -> memref<80xi32, #tpu.memory_space<hbm>>
        %dma_start3A_310 = arith.constant 0 : i32
        %dma_start3A_311 = tpu.memref_slice %arg4[%add3A, %sub3A_300, %dma_start3A_310] : memref<32x126x80xi32, #tpu.memory_space<hbm>> -> memref<1x1x80xi32, #tpu.memory_space<hbm>>
        %dma_start3A_312 = tpu.memref_squeeze %dma_start3A_311 : memref<1x1x80xi32, #tpu.memory_space<hbm>> -> memref<80xi32, #tpu.memory_space<hbm>>
        tpu.enqueue_dma source(%dma_start3A_312 : memref<80xi32, #tpu.memory_space<hbm>>) target(%arg15 : memref<80xi32, #tpu.memory_space<vmem>>) target_semaphore(%arg25 : memref<!tpu.dma_semaphore, #tpu.memory_space<semaphore_mem>>)
      } else {
      }
      %mul3A_265 = arith.constant 6 : i32
      %mul3A_266 = arith.muli %scan3A_113, %mul3A_265 : i32
      %add3A_267 = arith.constant 5 : i32
      %add3A_268 = arith.addi %mul3A_266, %add3A_267 : i32
      %dma_wait3A_269 = arith.constant 0 : i32
      %dma_wait3A_270 = arith.constant 0 : i32
      %dma_wait3A_271 = tpu.memref_slice %arg2[%dma_wait3A_269, %dma_wait3A_270] : memref<10000x128xf32, #tpu.memory_space<hbm>> -> memref<10000x128xf32, #tpu.memory_space<hbm>>
      tpu.wait_indirect_dma semaphore(%arg31 : memref<!tpu.dma_semaphore, #tpu.memory_space<semaphore_mem>>) src(%dma_wait3A_271 : memref<10000x128xf32, #tpu.memory_space<hbm>>) dst(%arg21 : memref<80x128xf32, #tpu.memory_space<vmem>>)
      %dma_start3A_272 = arith.constant 0 : i32
      %dma_start3A_273 = arith.constant 0 : i32
      %dma_start3A_274 = tpu.memref_slice %arg22[%dma_start3A_272, %dma_start3A_273] : memref<10064x128xf32, #tpu.memory_space<vmem_shared>> -> memref<10064x128xf32, #tpu.memory_space<vmem_shared>>
      tpu.enqueue_indirect_dma source(%arg21 : memref<80x128xf32, #tpu.memory_space<vmem>>) target(%dma_start3A_274 : memref<10064x128xf32, #tpu.memory_space<vmem_shared>>) offsets(%arg18 : memref<80xi32, #tpu.memory_space<vmem>>) semaphore(%arg34 : memref<!tpu.dma_semaphore, #tpu.memory_space<semaphore_mem>>) {add = true}
      %ge3A_275 = arith.constant 1 : i32
      %ge3A_276 = arith.cmpi sge, %add3A_268, %ge3A_275 : i32
      %convert_element_type3A_277 = arith.extui %ge3A_276 : i1 to i32
      %cond3A_278 = arith.constant 0 : i32
      %cond3A_279 = arith.cmpi ne, %convert_element_type3A_277, %cond3A_278 : i32
      scf.if %cond3A_279 {
        %dma_wait3A_297 = arith.constant 0 : i32
        %dma_wait3A_298 = arith.constant 0 : i32
        %dma_wait3A_299 = tpu.memref_slice %arg22[%dma_wait3A_297, %dma_wait3A_298] : memref<10064x128xf32, #tpu.memory_space<vmem_shared>> -> memref<10064x128xf32, #tpu.memory_space<vmem_shared>>
        tpu.wait_indirect_dma semaphore(%arg33 : memref<!tpu.dma_semaphore, #tpu.memory_space<semaphore_mem>>) src(%arg20 : memref<80x128xf32, #tpu.memory_space<vmem>>) dst(%dma_wait3A_299 : memref<10064x128xf32, #tpu.memory_space<vmem_shared>>)
      } else {
      }
      %add3A_280 = arith.constant 2 : i32
      %add3A_281 = arith.addi %add3A_268, %add3A_280 : i32
      %lt3A_282 = arith.constant 126 : i32
      %lt3A_283 = arith.cmpi slt, %add3A_281, %lt3A_282 : i32
      %convert_element_type3A_284 = arith.extui %lt3A_283 : i1 to i32
      %cond3A_285 = arith.constant 0 : i32
      %cond3A_286 = arith.cmpi ne, %convert_element_type3A_284, %cond3A_285 : i32
      scf.if %cond3A_286 {
        %dma_wait3A_297 = arith.constant 0 : i32
        %dma_wait3A_298 = arith.constant 0 : i32
        %dma_wait3A_299 = tpu.memref_slice %arg3[%add3A, %dma_wait3A_297, %dma_wait3A_298] : memref<32x126x80xi32, #tpu.memory_space<hbm>> -> memref<1x1x80xi32, #tpu.memory_space<hbm>>
        %dma_wait3A_300 = tpu.memref_squeeze %dma_wait3A_299 : memref<1x1x80xi32, #tpu.memory_space<hbm>> -> memref<80xi32, #tpu.memory_space<hbm>>
        %dma_wait3A_301 = arith.constant 0 : i32
        %dma_wait3A_302 = tpu.memref_slice %arg3[%add3A, %dma_wait3A_297, %dma_wait3A_301] : memref<32x126x80xi32, #tpu.memory_space<hbm>> -> memref<1x1x80xi32, #tpu.memory_space<hbm>>
        %dma_wait3A_303 = tpu.memref_squeeze %dma_wait3A_302 : memref<1x1x80xi32, #tpu.memory_space<hbm>> -> memref<80xi32, #tpu.memory_space<hbm>>
        tpu.wait_dma2 semaphore(%arg24 : memref<!tpu.dma_semaphore, #tpu.memory_space<semaphore_mem>>) src(%dma_wait3A_303 : memref<80xi32, #tpu.memory_space<hbm>>) dst(%arg8 : memref<80xi32, #tpu.memory_space<vmem>>)
        %dma_wait3A_304 = arith.constant 0 : i32
        %dma_wait3A_305 = arith.constant 0 : i32
        %dma_wait3A_306 = tpu.memref_slice %arg4[%add3A, %dma_wait3A_304, %dma_wait3A_305] : memref<32x126x80xi32, #tpu.memory_space<hbm>> -> memref<1x1x80xi32, #tpu.memory_space<hbm>>
        %dma_wait3A_307 = tpu.memref_squeeze %dma_wait3A_306 : memref<1x1x80xi32, #tpu.memory_space<hbm>> -> memref<80xi32, #tpu.memory_space<hbm>>
        %dma_wait3A_308 = arith.constant 0 : i32
        %dma_wait3A_309 = tpu.memref_slice %arg4[%add3A, %dma_wait3A_304, %dma_wait3A_308] : memref<32x126x80xi32, #tpu.memory_space<hbm>> -> memref<1x1x80xi32, #tpu.memory_space<hbm>>
        %dma_wait3A_310 = tpu.memref_squeeze %dma_wait3A_309 : memref<1x1x80xi32, #tpu.memory_space<hbm>> -> memref<80xi32, #tpu.memory_space<hbm>>
        tpu.wait_dma2 semaphore(%arg24 : memref<!tpu.dma_semaphore, #tpu.memory_space<semaphore_mem>>) src(%dma_wait3A_310 : memref<80xi32, #tpu.memory_space<hbm>>) dst(%arg14 : memref<80xi32, #tpu.memory_space<vmem>>)
        %dma_start3A_311 = arith.constant 0 : i32
        %dma_start3A_312 = arith.constant 0 : i32
        %dma_start3A_313 = tpu.memref_slice %arg2[%dma_start3A_311, %dma_start3A_312] : memref<10000x128xf32, #tpu.memory_space<hbm>> -> memref<10000x128xf32, #tpu.memory_space<hbm>>
        tpu.enqueue_indirect_dma source(%dma_start3A_313 : memref<10000x128xf32, #tpu.memory_space<hbm>>) target(%arg20 : memref<80x128xf32, #tpu.memory_space<vmem>>) offsets(%arg8 : memref<80xi32, #tpu.memory_space<vmem>>) semaphore(%arg30 : memref<!tpu.dma_semaphore, #tpu.memory_space<semaphore_mem>>)
      } else {
      }
      %add3A_287 = arith.constant 6 : i32
      %add3A_288 = arith.addi %add3A_268, %add3A_287 : i32
      %sub3A_289 = arith.constant 2 : i32
      %sub3A_290 = arith.subi %add3A_288, %sub3A_289 : i32
      %lt3A_291 = arith.constant 126 : i32
      %lt3A_292 = arith.cmpi slt, %sub3A_290, %lt3A_291 : i32
      %convert_element_type3A_293 = arith.extui %lt3A_292 : i1 to i32
      %cond3A_294 = arith.constant 0 : i32
      %cond3A_295 = arith.cmpi ne, %convert_element_type3A_293, %cond3A_294 : i32
      scf.if %cond3A_295 {
        %add3A_297 = arith.constant 6 : i32
        %add3A_298 = arith.addi %add3A_268, %add3A_297 : i32
        %sub3A_299 = arith.constant 2 : i32
        %sub3A_300 = arith.subi %add3A_298, %sub3A_299 : i32
        %dma_start3A_301 = arith.constant 0 : i32
        %dma_start3A_302 = tpu.memref_slice %arg3[%add3A, %sub3A_300, %dma_start3A_301] : memref<32x126x80xi32, #tpu.memory_space<hbm>> -> memref<1x1x80xi32, #tpu.memory_space<hbm>>
        %dma_start3A_303 = tpu.memref_squeeze %dma_start3A_302 : memref<1x1x80xi32, #tpu.memory_space<hbm>> -> memref<80xi32, #tpu.memory_space<hbm>>
        %dma_start3A_304 = arith.constant 0 : i32
        %dma_start3A_305 = tpu.memref_slice %arg3[%add3A, %sub3A_300, %dma_start3A_304] : memref<32x126x80xi32, #tpu.memory_space<hbm>> -> memref<1x1x80xi32, #tpu.memory_space<hbm>>
        %dma_start3A_306 = tpu.memref_squeeze %dma_start3A_305 : memref<1x1x80xi32, #tpu.memory_space<hbm>> -> memref<80xi32, #tpu.memory_space<hbm>>
        tpu.enqueue_dma source(%dma_start3A_306 : memref<80xi32, #tpu.memory_space<hbm>>) target(%arg10 : memref<80xi32, #tpu.memory_space<vmem>>) target_semaphore(%arg26 : memref<!tpu.dma_semaphore, #tpu.memory_space<semaphore_mem>>)
        %dma_start3A_307 = arith.constant 0 : i32
        %dma_start3A_308 = tpu.memref_slice %arg4[%add3A, %sub3A_300, %dma_start3A_307] : memref<32x126x80xi32, #tpu.memory_space<hbm>> -> memref<1x1x80xi32, #tpu.memory_space<hbm>>
        %dma_start3A_309 = tpu.memref_squeeze %dma_start3A_308 : memref<1x1x80xi32, #tpu.memory_space<hbm>> -> memref<80xi32, #tpu.memory_space<hbm>>
        %dma_start3A_310 = arith.constant 0 : i32
        %dma_start3A_311 = tpu.memref_slice %arg4[%add3A, %sub3A_300, %dma_start3A_310] : memref<32x126x80xi32, #tpu.memory_space<hbm>> -> memref<1x1x80xi32, #tpu.memory_space<hbm>>
        %dma_start3A_312 = tpu.memref_squeeze %dma_start3A_311 : memref<1x1x80xi32, #tpu.memory_space<hbm>> -> memref<80xi32, #tpu.memory_space<hbm>>
        tpu.enqueue_dma source(%dma_start3A_312 : memref<80xi32, #tpu.memory_space<hbm>>) target(%arg16 : memref<80xi32, #tpu.memory_space<vmem>>) target_semaphore(%arg26 : memref<!tpu.dma_semaphore, #tpu.memory_space<semaphore_mem>>)
      } else {
      }
      %scan3A_296 = arith.constant 0 : i32
      scf.yield %scan3A_296 : i32
    }
    %scan3A_101 = arith.constant 21 : i32
    %dma_wait3A_102 = arith.constant 0 : i32
    %dma_wait3A_103 = arith.constant 0 : i32
    %dma_wait3A_104 = tpu.memref_slice %arg22[%dma_wait3A_102, %dma_wait3A_103] : memref<10064x128xf32, #tpu.memory_space<vmem_shared>> -> memref<10064x128xf32, #tpu.memory_space<vmem_shared>>
    tpu.wait_indirect_dma semaphore(%arg34 : memref<!tpu.dma_semaphore, #tpu.memory_space<semaphore_mem>>) src(%arg21 : memref<80x128xf32, #tpu.memory_space<vmem>>) dst(%dma_wait3A_104 : memref<10064x128xf32, #tpu.memory_space<vmem_shared>>)
    %barrier3A_105 = arith.constant 0 : index
    tpu.barrier barrier_id(%barrier3A_105)
    %scan3A_106 = arith.constant 0 : i32
    %scan3A_107 = arith.constant 0 : i32
    %scan3A_108 = arith.constant 8 : i32
    %scan3A_109 = arith.addi %scan3A_107, %scan3A_108 : i32
    %scan3A_110 = arith.constant 1 : i32
    %scan3A_111 = scf.for %scan3A_113 = %scan3A_107 to %scan3A_109 step %scan3A_110 iter_args(%scan3A_114 = %scan3A_106) -> (i32)  : i32 {
      %mul3A_115 = arith.constant 16 : i32
      %mul3A_116 = arith.muli %scan3A_113, %mul3A_115 : i32
      %add3A_117 = arith.addi %mul3A_116, %arg1 : i32
      %lt3A = arith.constant 125 : i32
      %lt3A_118 = arith.cmpi slt, %add3A_117, %lt3A : i32
      %convert_element_type3A = arith.extui %lt3A_118 : i1 to i32
      %cond3A = arith.constant 0 : i32
      %cond3A_119 = arith.cmpi ne, %convert_element_type3A, %cond3A : i32
      scf.if %cond3A_119 {
        %mul3A_121 = arith.constant 80 : i32
        %mul3A_122 = arith.muli %add3A_117, %mul3A_121 : i32
        %mul3A_123 = arith.constant 80 : i32
        %mul3A_124 = arith.muli %add3A_117, %mul3A_123 : i32
        "tpu.region"() ({
          %run_scoped3A = tpu.sem_alloc : memref<!tpu.dma_semaphore, #tpu.memory_space<semaphore_mem>>
          %dma_start3A_125 = arith.constant 0 : i32
          %dma_start3A_126 = tpu.memref_slice %arg6[%arg0, %mul3A_124, %dma_start3A_125] : memref<2x10000x128xf32, #tpu.memory_space<hbm>> -> memref<1x80x128xf32, #tpu.memory_space<hbm>>
          %dma_start3A_127 = tpu.memref_squeeze %dma_start3A_126 : memref<1x80x128xf32, #tpu.memory_space<hbm>> -> memref<80x128xf32, #tpu.memory_space<hbm>>
          %dma_start3A_128 = arith.constant 0 : i32
          %dma_start3A_129 = tpu.memref_slice %arg22[%mul3A_122, %dma_start3A_128] : memref<10064x128xf32, #tpu.memory_space<vmem_shared>> -> memref<80x128xf32, #tpu.memory_space<vmem_shared>>
          tpu.enqueue_dma source(%dma_start3A_129 : memref<80x128xf32, #tpu.memory_space<vmem_shared>>) target(%dma_start3A_127 : memref<80x128xf32, #tpu.memory_space<hbm>>) target_semaphore(%run_scoped3A : memref<!tpu.dma_semaphore, #tpu.memory_space<semaphore_mem>>)
          %dma_wait3A_130 = arith.constant 0 : i32
          %dma_wait3A_131 = tpu.memref_slice %arg6[%arg0, %mul3A_124, %dma_wait3A_130] : memref<2x10000x128xf32, #tpu.memory_space<hbm>> -> memref<1x80x128xf32, #tpu.memory_space<hbm>>
          %dma_wait3A_132 = tpu.memref_squeeze %dma_wait3A_131 : memref<1x80x128xf32, #tpu.memory_space<hbm>> -> memref<80x128xf32, #tpu.memory_space<hbm>>
          %dma_wait3A_133 = arith.constant 0 : i32
          %dma_wait3A_134 = tpu.memref_slice %arg22[%mul3A_122, %dma_wait3A_133] : memref<10064x128xf32, #tpu.memory_space<vmem_shared>> -> memref<80x128xf32, #tpu.memory_space<vmem_shared>>
          tpu.wait_dma2 semaphore(%run_scoped3A : memref<!tpu.dma_semaphore, #tpu.memory_space<semaphore_mem>>) src(%dma_wait3A_134 : memref<80x128xf32, #tpu.memory_space<vmem_shared>>) dst(%dma_wait3A_132 : memref<80x128xf32, #tpu.memory_space<hbm>>)
          tpu.yield
        }) : () -> ()
      } else {
      }
      %scan3A_120 = arith.constant 0 : i32
      scf.yield %scan3A_120 : i32
    }
    %scan3A_112 = arith.constant 8 : i32
    return
  }
}

#map = affine_map<(d0, d1) -> (0, 0)>
#map1 = affine_map<(d0, d1) -> (0, 0, 0)>
module attributes {stable_mosaic.version = 14 : i64} {
  func.func @_sc_agg_body(%arg0: i32, %arg1: i32, %arg2: memref<10000x128xf32, #tpu.memory_space<hbm>>, %arg3: memref<32x126x80xi32, #tpu.memory_space<hbm>>, %arg4: memref<32x126x80xi32, #tpu.memory_space<hbm>>, %arg5: memref<80x128xf32, #tpu.memory_space<hbm>>, %arg6: memref<2x10000x128xf32, #tpu.memory_space<hbm>>, %arg7: memref<80xi32, #tpu.memory_space<vmem>>, %arg8: memref<80xi32, #tpu.memory_space<vmem>>, %arg9: memref<80xi32, #tpu.memory_space<vmem>>, %arg10: memref<80xi32, #tpu.memory_space<vmem>>, %arg11: memref<80xi32, #tpu.memory_space<vmem>>, %arg12: memref<80xi32, #tpu.memory_space<vmem>>, %arg13: memref<80xi32, #tpu.memory_space<vmem>>, %arg14: memref<80xi32, #tpu.memory_space<vmem>>, %arg15: memref<80xi32, #tpu.memory_space<vmem>>, %arg16: memref<80xi32, #tpu.memory_space<vmem>>, %arg17: memref<80xi32, #tpu.memory_space<vmem>>, %arg18: memref<80xi32, #tpu.memory_space<vmem>>, %arg19: memref<80x128xf32, #tpu.memory_space<vmem>>, %arg20: memref<80x128xf32, #tpu.memory_space<vmem>>, %arg21: memref<80x128xf32, #tpu.memory_space<vmem>>, %arg22: memref<10064x128xf32, #tpu.memory_space<vmem_shared>>, %arg23: memref<!tpu.dma_semaphore, #tpu.memory_space<semaphore_mem>>, %arg24: memref<!tpu.dma_semaphore, #tpu.memory_space<semaphore_mem>>, %arg25: memref<!tpu.dma_semaphore, #tpu.memory_space<semaphore_mem>>, %arg26: memref<!tpu.dma_semaphore, #tpu.memory_space<semaphore_mem>>, %arg27: memref<!tpu.dma_semaphore, #tpu.memory_space<semaphore_mem>>, %arg28: memref<!tpu.dma_semaphore, #tpu.memory_space<semaphore_mem>>, %arg29: memref<!tpu.dma_semaphore, #tpu.memory_space<semaphore_mem>>, %arg30: memref<!tpu.dma_semaphore, #tpu.memory_space<semaphore_mem>>, %arg31: memref<!tpu.dma_semaphore, #tpu.memory_space<semaphore_mem>>, %arg32: memref<!tpu.dma_semaphore, #tpu.memory_space<semaphore_mem>>, %arg33: memref<!tpu.dma_semaphore, #tpu.memory_space<semaphore_mem>>, %arg34: memref<!tpu.dma_semaphore, #tpu.memory_space<semaphore_mem>>) attributes {dimension_semantics = [#tpu.dimension_semantics<core_parallel>, #tpu.dimension_semantics<subcore_parallel>], iteration_bounds = array<i64: 2, 16>, scalar_prefetch = 0 : i64, scratch_operands = 28 : i64, tpu.core_type = #tpu.core_type<sc_vector_subcore>, window_params = [{transform_indices = #map}, {transform_indices = #map1}, {transform_indices = #map1}, {transform_indices = #map}, {transform_indices = #map1}]} {
    %mul3A = arith.constant 16 : i32
    %mul3A_0 = arith.muli %arg0, %mul3A : i32
    %add3A = arith.addi %mul3A_0, %arg1 : i32
    %dma_start3A = arith.constant 0 : i32
    %dma_start3A_1 = arith.constant 0 : i32
    %dma_start3A_2 = tpu.memref_slice %arg3[%add3A, %dma_start3A, %dma_start3A_1] : memref<32x126x80xi32, #tpu.memory_space<hbm>> -> memref<1x1x80xi32, #tpu.memory_space<hbm>>
    %dma_start3A_3 = tpu.memref_squeeze %dma_start3A_2 : memref<1x1x80xi32, #tpu.memory_space<hbm>> -> memref<80xi32, #tpu.memory_space<hbm>>
    %dma_start3A_4 = arith.constant 0 : i32
    %dma_start3A_5 = tpu.memref_slice %arg3[%add3A, %dma_start3A, %dma_start3A_4] : memref<32x126x80xi32, #tpu.memory_space<hbm>> -> memref<1x1x80xi32, #tpu.memory_space<hbm>>
    %dma_start3A_6 = tpu.memref_squeeze %dma_start3A_5 : memref<1x1x80xi32, #tpu.memory_space<hbm>> -> memref<80xi32, #tpu.memory_space<hbm>>
    tpu.enqueue_dma source(%dma_start3A_6 : memref<80xi32, #tpu.memory_space<hbm>>) target(%arg7 : memref<80xi32, #tpu.memory_space<vmem>>) target_semaphore(%arg23 : memref<!tpu.dma_semaphore, #tpu.memory_space<semaphore_mem>>)
    %dma_start3A_7 = arith.constant 0 : i32
    %dma_start3A_8 = arith.constant 0 : i32
    %dma_start3A_9 = tpu.memref_slice %arg4[%add3A, %dma_start3A_7, %dma_start3A_8] : memref<32x126x80xi32, #tpu.memory_space<hbm>> -> memref<1x1x80xi32, #tpu.memory_space<hbm>>
    %dma_start3A_10 = tpu.memref_squeeze %dma_start3A_9 : memref<1x1x80xi32, #tpu.memory_space<hbm>> -> memref<80xi32, #tpu.memory_space<hbm>>
    %dma_start3A_11 = arith.constant 0 : i32
    %dma_start3A_12 = tpu.memref_slice %arg4[%add3A, %dma_start3A_7, %dma_start3A_11] : memref<32x126x80xi32, #tpu.memory_space<hbm>> -> memref<1x1x80xi32, #tpu.memory_space<hbm>>
    %dma_start3A_13 = tpu.memref_squeeze %dma_start3A_12 : memref<1x1x80xi32, #tpu.memory_space<hbm>> -> memref<80xi32, #tpu.memory_space<hbm>>
    tpu.enqueue_dma source(%dma_start3A_13 : memref<80xi32, #tpu.memory_space<hbm>>) target(%arg13 : memref<80xi32, #tpu.memory_space<vmem>>) target_semaphore(%arg23 : memref<!tpu.dma_semaphore, #tpu.memory_space<semaphore_mem>>)
    %dma_start3A_14 = arith.constant 1 : i32
    %dma_start3A_15 = arith.constant 0 : i32
    %dma_start3A_16 = tpu.memref_slice %arg3[%add3A, %dma_start3A_14, %dma_start3A_15] : memref<32x126x80xi32, #tpu.memory_space<hbm>> -> memref<1x1x80xi32, #tpu.memory_space<hbm>>
    %dma_start3A_17 = tpu.memref_squeeze %dma_start3A_16 : memref<1x1x80xi32, #tpu.memory_space<hbm>> -> memref<80xi32, #tpu.memory_space<hbm>>
    %dma_start3A_18 = arith.constant 0 : i32
    %dma_start3A_19 = tpu.memref_slice %arg3[%add3A, %dma_start3A_14, %dma_start3A_18] : memref<32x126x80xi32, #tpu.memory_space<hbm>> -> memref<1x1x80xi32, #tpu.memory_space<hbm>>
    %dma_start3A_20 = tpu.memref_squeeze %dma_start3A_19 : memref<1x1x80xi32, #tpu.memory_space<hbm>> -> memref<80xi32, #tpu.memory_space<hbm>>
    tpu.enqueue_dma source(%dma_start3A_20 : memref<80xi32, #tpu.memory_space<hbm>>) target(%arg8 : memref<80xi32, #tpu.memory_space<vmem>>) target_semaphore(%arg24 : memref<!tpu.dma_semaphore, #tpu.memory_space<semaphore_mem>>)
    %dma_start3A_21 = arith.constant 1 : i32
    %dma_start3A_22 = arith.constant 0 : i32
    %dma_start3A_23 = tpu.memref_slice %arg4[%add3A, %dma_start3A_21, %dma_start3A_22] : memref<32x126x80xi32, #tpu.memory_space<hbm>> -> memref<1x1x80xi32, #tpu.memory_space<hbm>>
    %dma_start3A_24 = tpu.memref_squeeze %dma_start3A_23 : memref<1x1x80xi32, #tpu.memory_space<hbm>> -> memref<80xi32, #tpu.memory_space<hbm>>
    %dma_start3A_25 = arith.constant 0 : i32
    %dma_start3A_26 = tpu.memref_slice %arg4[%add3A, %dma_start3A_21, %dma_start3A_25] : memref<32x126x80xi32, #tpu.memory_space<hbm>> -> memref<1x1x80xi32, #tpu.memory_space<hbm>>
    %dma_start3A_27 = tpu.memref_squeeze %dma_start3A_26 : memref<1x1x80xi32, #tpu.memory_space<hbm>> -> memref<80xi32, #tpu.memory_space<hbm>>
    tpu.enqueue_dma source(%dma_start3A_27 : memref<80xi32, #tpu.memory_space<hbm>>) target(%arg14 : memref<80xi32, #tpu.memory_space<vmem>>) target_semaphore(%arg24 : memref<!tpu.dma_semaphore, #tpu.memory_space<semaphore_mem>>)
    %dma_start3A_28 = arith.constant 2 : i32
    %dma_start3A_29 = arith.constant 0 : i32
    %dma_start3A_30 = tpu.memref_slice %arg3[%add3A, %dma_start3A_28, %dma_start3A_29] : memref<32x126x80xi32, #tpu.memory_space<hbm>> -> memref<1x1x80xi32, #tpu.memory_space<hbm>>
    %dma_start3A_31 = tpu.memref_squeeze %dma_start3A_30 : memref<1x1x80xi32, #tpu.memory_space<hbm>> -> memref<80xi32, #tpu.memory_space<hbm>>
    %dma_start3A_32 = arith.constant 0 : i32
    %dma_start3A_33 = tpu.memref_slice %arg3[%add3A, %dma_start3A_28, %dma_start3A_32] : memref<32x126x80xi32, #tpu.memory_space<hbm>> -> memref<1x1x80xi32, #tpu.memory_space<hbm>>
    %dma_start3A_34 = tpu.memref_squeeze %dma_start3A_33 : memref<1x1x80xi32, #tpu.memory_space<hbm>> -> memref<80xi32, #tpu.memory_space<hbm>>
    tpu.enqueue_dma source(%dma_start3A_34 : memref<80xi32, #tpu.memory_space<hbm>>) target(%arg9 : memref<80xi32, #tpu.memory_space<vmem>>) target_semaphore(%arg25 : memref<!tpu.dma_semaphore, #tpu.memory_space<semaphore_mem>>)
    %dma_start3A_35 = arith.constant 2 : i32
    %dma_start3A_36 = arith.constant 0 : i32
    %dma_start3A_37 = tpu.memref_slice %arg4[%add3A, %dma_start3A_35, %dma_start3A_36] : memref<32x126x80xi32, #tpu.memory_space<hbm>> -> memref<1x1x80xi32, #tpu.memory_space<hbm>>
    %dma_start3A_38 = tpu.memref_squeeze %dma_start3A_37 : memref<1x1x80xi32, #tpu.memory_space<hbm>> -> memref<80xi32, #tpu.memory_space<hbm>>
    %dma_start3A_39 = arith.constant 0 : i32
    %dma_start3A_40 = tpu.memref_slice %arg4[%add3A, %dma_start3A_35, %dma_start3A_39] : memref<32x126x80xi32, #tpu.memory_space<hbm>> -> memref<1x1x80xi32, #tpu.memory_space<hbm>>
    %dma_start3A_41 = tpu.memref_squeeze %dma_start3A_40 : memref<1x1x80xi32, #tpu.memory_space<hbm>> -> memref<80xi32, #tpu.memory_space<hbm>>
    tpu.enqueue_dma source(%dma_start3A_41 : memref<80xi32, #tpu.memory_space<hbm>>) target(%arg15 : memref<80xi32, #tpu.memory_space<vmem>>) target_semaphore(%arg25 : memref<!tpu.dma_semaphore, #tpu.memory_space<semaphore_mem>>)
    %dma_start3A_42 = arith.constant 3 : i32
    %dma_start3A_43 = arith.constant 0 : i32
    %dma_start3A_44 = tpu.memref_slice %arg3[%add3A, %dma_start3A_42, %dma_start3A_43] : memref<32x126x80xi32, #tpu.memory_space<hbm>> -> memref<1x1x80xi32, #tpu.memory_space<hbm>>
    %dma_start3A_45 = tpu.memref_squeeze %dma_start3A_44 : memref<1x1x80xi32, #tpu.memory_space<hbm>> -> memref<80xi32, #tpu.memory_space<hbm>>
    %dma_start3A_46 = arith.constant 0 : i32
    %dma_start3A_47 = tpu.memref_slice %arg3[%add3A, %dma_start3A_42, %dma_start3A_46] : memref<32x126x80xi32, #tpu.memory_space<hbm>> -> memref<1x1x80xi32, #tpu.memory_space<hbm>>
    %dma_start3A_48 = tpu.memref_squeeze %dma_start3A_47 : memref<1x1x80xi32, #tpu.memory_space<hbm>> -> memref<80xi32, #tpu.memory_space<hbm>>
    tpu.enqueue_dma source(%dma_start3A_48 : memref<80xi32, #tpu.memory_space<hbm>>) target(%arg10 : memref<80xi32, #tpu.memory_space<vmem>>) target_semaphore(%arg26 : memref<!tpu.dma_semaphore, #tpu.memory_space<semaphore_mem>>)
    %dma_start3A_49 = arith.constant 3 : i32
    %dma_start3A_50 = arith.constant 0 : i32
    %dma_start3A_51 = tpu.memref_slice %arg4[%add3A, %dma_start3A_49, %dma_start3A_50] : memref<32x126x80xi32, #tpu.memory_space<hbm>> -> memref<1x1x80xi32, #tpu.memory_space<hbm>>
    %dma_start3A_52 = tpu.memref_squeeze %dma_start3A_51 : memref<1x1x80xi32, #tpu.memory_space<hbm>> -> memref<80xi32, #tpu.memory_space<hbm>>
    %dma_start3A_53 = arith.constant 0 : i32
    %dma_start3A_54 = tpu.memref_slice %arg4[%add3A, %dma_start3A_49, %dma_start3A_53] : memref<32x126x80xi32, #tpu.memory_space<hbm>> -> memref<1x1x80xi32, #tpu.memory_space<hbm>>
    %dma_start3A_55 = tpu.memref_squeeze %dma_start3A_54 : memref<1x1x80xi32, #tpu.memory_space<hbm>> -> memref<80xi32, #tpu.memory_space<hbm>>
    tpu.enqueue_dma source(%dma_start3A_55 : memref<80xi32, #tpu.memory_space<hbm>>) target(%arg16 : memref<80xi32, #tpu.memory_space<vmem>>) target_semaphore(%arg26 : memref<!tpu.dma_semaphore, #tpu.memory_space<semaphore_mem>>)
    %scan3A = arith.constant 0 : i32
    %scan3A_56 = arith.constant 0 : i32
    %scan3A_57 = arith.constant 8 : i32
    %scan3A_58 = arith.addi %scan3A_56, %scan3A_57 : i32
    %scan3A_59 = arith.constant 1 : i32
    %scan3A_60 = scf.for %scan3A_113 = %scan3A_56 to %scan3A_58 step %scan3A_59 iter_args(%scan3A_114 = %scan3A) -> (i32)  : i32 {
      %mul3A_115 = arith.constant 16 : i32
      %mul3A_116 = arith.muli %scan3A_113, %mul3A_115 : i32
      %add3A_117 = arith.addi %mul3A_116, %arg1 : i32
      %lt3A = arith.constant 125 : i32
      %lt3A_118 = arith.cmpi slt, %add3A_117, %lt3A : i32
      %convert_element_type3A = arith.extui %lt3A_118 : i1 to i32
      %cond3A = arith.constant 0 : i32
      %cond3A_119 = arith.cmpi ne, %convert_element_type3A, %cond3A : i32
      scf.if %cond3A_119 {
        %mul3A_121 = arith.constant 80 : i32
        %mul3A_122 = arith.muli %add3A_117, %mul3A_121 : i32
        "tpu.region"() ({
          %run_scoped3A = tpu.sem_alloc : memref<!tpu.dma_semaphore, #tpu.memory_space<semaphore_mem>>
          %dma_start3A_123 = arith.constant 0 : i32
          %dma_start3A_124 = tpu.memref_slice %arg22[%mul3A_122, %dma_start3A_123] : memref<10064x128xf32, #tpu.memory_space<vmem_shared>> -> memref<80x128xf32, #tpu.memory_space<vmem_shared>>
          tpu.enqueue_dma source(%arg5 : memref<80x128xf32, #tpu.memory_space<hbm>>) target(%dma_start3A_124 : memref<80x128xf32, #tpu.memory_space<vmem_shared>>) target_semaphore(%run_scoped3A : memref<!tpu.dma_semaphore, #tpu.memory_space<semaphore_mem>>)
          %dma_wait3A_125 = arith.constant 0 : i32
          %dma_wait3A_126 = tpu.memref_slice %arg22[%mul3A_122, %dma_wait3A_125] : memref<10064x128xf32, #tpu.memory_space<vmem_shared>> -> memref<80x128xf32, #tpu.memory_space<vmem_shared>>
          tpu.wait_dma2 semaphore(%run_scoped3A : memref<!tpu.dma_semaphore, #tpu.memory_space<semaphore_mem>>) src(%arg5 : memref<80x128xf32, #tpu.memory_space<hbm>>) dst(%dma_wait3A_126 : memref<80x128xf32, #tpu.memory_space<vmem_shared>>)
          tpu.yield
        }) : () -> ()
      } else {
      }
      %scan3A_120 = arith.constant 0 : i32
      scf.yield %scan3A_120 : i32
    }
    %scan3A_61 = arith.constant 8 : i32
    %barrier3A = arith.constant 0 : index
    tpu.barrier barrier_id(%barrier3A)
    %dma_wait3A = arith.constant 0 : i32
    %dma_wait3A_62 = arith.constant 0 : i32
    %dma_wait3A_63 = tpu.memref_slice %arg3[%add3A, %dma_wait3A, %dma_wait3A_62] : memref<32x126x80xi32, #tpu.memory_space<hbm>> -> memref<1x1x80xi32, #tpu.memory_space<hbm>>
    %dma_wait3A_64 = tpu.memref_squeeze %dma_wait3A_63 : memref<1x1x80xi32, #tpu.memory_space<hbm>> -> memref<80xi32, #tpu.memory_space<hbm>>
    %dma_wait3A_65 = arith.constant 0 : i32
    %dma_wait3A_66 = tpu.memref_slice %arg3[%add3A, %dma_wait3A, %dma_wait3A_65] : memref<32x126x80xi32, #tpu.memory_space<hbm>> -> memref<1x1x80xi32, #tpu.memory_space<hbm>>
    %dma_wait3A_67 = tpu.memref_squeeze %dma_wait3A_66 : memref<1x1x80xi32, #tpu.memory_space<hbm>> -> memref<80xi32, #tpu.memory_space<hbm>>
    tpu.wait_dma2 semaphore(%arg23 : memref<!tpu.dma_semaphore, #tpu.memory_space<semaphore_mem>>) src(%dma_wait3A_67 : memref<80xi32, #tpu.memory_space<hbm>>) dst(%arg7 : memref<80xi32, #tpu.memory_space<vmem>>)
    %dma_wait3A_68 = arith.constant 0 : i32
    %dma_wait3A_69 = arith.constant 0 : i32
    %dma_wait3A_70 = tpu.memref_slice %arg4[%add3A, %dma_wait3A_68, %dma_wait3A_69] : memref<32x126x80xi32, #tpu.memory_space<hbm>> -> memref<1x1x80xi32, #tpu.memory_space<hbm>>
    %dma_wait3A_71 = tpu.memref_squeeze %dma_wait3A_70 : memref<1x1x80xi32, #tpu.memory_space<hbm>> -> memref<80xi32, #tpu.memory_space<hbm>>
    %dma_wait3A_72 = arith.constant 0 : i32
    %dma_wait3A_73 = tpu.memref_slice %arg4[%add3A, %dma_wait3A_68, %dma_wait3A_72] : memref<32x126x80xi32, #tpu.memory_space<hbm>> -> memref<1x1x80xi32, #tpu.memory_space<hbm>>
    %dma_wait3A_74 = tpu.memref_squeeze %dma_wait3A_73 : memref<1x1x80xi32, #tpu.memory_space<hbm>> -> memref<80xi32, #tpu.memory_space<hbm>>
    tpu.wait_dma2 semaphore(%arg23 : memref<!tpu.dma_semaphore, #tpu.memory_space<semaphore_mem>>) src(%dma_wait3A_74 : memref<80xi32, #tpu.memory_space<hbm>>) dst(%arg13 : memref<80xi32, #tpu.memory_space<vmem>>)
    %dma_start3A_75 = arith.constant 0 : i32
    %dma_start3A_76 = arith.constant 0 : i32
    %dma_start3A_77 = tpu.memref_slice %arg2[%dma_start3A_75, %dma_start3A_76] : memref<10000x128xf32, #tpu.memory_space<hbm>> -> memref<10000x128xf32, #tpu.memory_space<hbm>>
    tpu.enqueue_indirect_dma source(%dma_start3A_77 : memref<10000x128xf32, #tpu.memory_space<hbm>>) target(%arg19 : memref<80x128xf32, #tpu.memory_space<vmem>>) offsets(%arg7 : memref<80xi32, #tpu.memory_space<vmem>>) semaphore(%arg29 : memref<!tpu.dma_semaphore, #tpu.memory_space<semaphore_mem>>)
    %dma_wait3A_78 = arith.constant 0 : i32
    %dma_wait3A_79 = arith.constant 0 : i32
    %dma_wait3A_80 = tpu.memref_slice %arg3[%add3A, %dma_wait3A_78, %dma_wait3A_79] : memref<32x126x80xi32, #tpu.memory_space<hbm>> -> memref<1x1x80xi32, #tpu.memory_space<hbm>>
    %dma_wait3A_81 = tpu.memref_squeeze %dma_wait3A_80 : memref<1x1x80xi32, #tpu.memory_space<hbm>> -> memref<80xi32, #tpu.memory_space<hbm>>
    %dma_wait3A_82 = arith.constant 0 : i32
    %dma_wait3A_83 = tpu.memref_slice %arg3[%add3A, %dma_wait3A_78, %dma_wait3A_82] : memref<32x126x80xi32, #tpu.memory_space<hbm>> -> memref<1x1x80xi32, #tpu.memory_space<hbm>>
    %dma_wait3A_84 = tpu.memref_squeeze %dma_wait3A_83 : memref<1x1x80xi32, #tpu.memory_space<hbm>> -> memref<80xi32, #tpu.memory_space<hbm>>
    tpu.wait_dma2 semaphore(%arg24 : memref<!tpu.dma_semaphore, #tpu.memory_space<semaphore_mem>>) src(%dma_wait3A_84 : memref<80xi32, #tpu.memory_space<hbm>>) dst(%arg8 : memref<80xi32, #tpu.memory_space<vmem>>)
    %dma_wait3A_85 = arith.constant 0 : i32
    %dma_wait3A_86 = arith.constant 0 : i32
    %dma_wait3A_87 = tpu.memref_slice %arg4[%add3A, %dma_wait3A_85, %dma_wait3A_86] : memref<32x126x80xi32, #tpu.memory_space<hbm>> -> memref<1x1x80xi32, #tpu.memory_space<hbm>>
    %dma_wait3A_88 = tpu.memref_squeeze %dma_wait3A_87 : memref<1x1x80xi32, #tpu.memory_space<hbm>> -> memref<80xi32, #tpu.memory_space<hbm>>
    %dma_wait3A_89 = arith.constant 0 : i32
    %dma_wait3A_90 = tpu.memref_slice %arg4[%add3A, %dma_wait3A_85, %dma_wait3A_89] : memref<32x126x80xi32, #tpu.memory_space<hbm>> -> memref<1x1x80xi32, #tpu.memory_space<hbm>>
    %dma_wait3A_91 = tpu.memref_squeeze %dma_wait3A_90 : memref<1x1x80xi32, #tpu.memory_space<hbm>> -> memref<80xi32, #tpu.memory_space<hbm>>
    tpu.wait_dma2 semaphore(%arg24 : memref<!tpu.dma_semaphore, #tpu.memory_space<semaphore_mem>>) src(%dma_wait3A_91 : memref<80xi32, #tpu.memory_space<hbm>>) dst(%arg14 : memref<80xi32, #tpu.memory_space<vmem>>)
    %dma_start3A_92 = arith.constant 0 : i32
    %dma_start3A_93 = arith.constant 0 : i32
    %dma_start3A_94 = tpu.memref_slice %arg2[%dma_start3A_92, %dma_start3A_93] : memref<10000x128xf32, #tpu.memory_space<hbm>> -> memref<10000x128xf32, #tpu.memory_space<hbm>>
    tpu.enqueue_indirect_dma source(%dma_start3A_94 : memref<10000x128xf32, #tpu.memory_space<hbm>>) target(%arg20 : memref<80x128xf32, #tpu.memory_space<vmem>>) offsets(%arg8 : memref<80xi32, #tpu.memory_space<vmem>>) semaphore(%arg30 : memref<!tpu.dma_semaphore, #tpu.memory_space<semaphore_mem>>)
    %scan3A_95 = arith.constant 0 : i32
    %scan3A_96 = arith.constant 0 : i32
    %scan3A_97 = arith.constant 21 : i32
    %scan3A_98 = arith.addi %scan3A_96, %scan3A_97 : i32
    %scan3A_99 = arith.constant 1 : i32
    %scan3A_100 = scf.for %scan3A_113 = %scan3A_96 to %scan3A_98 step %scan3A_99 iter_args(%scan3A_114 = %scan3A_95) -> (i32)  : i32 {
      %mul3A_115 = arith.constant 6 : i32
      %mul3A_116 = arith.muli %scan3A_113, %mul3A_115 : i32
      %add3A_117 = arith.constant 0 : i32
      %add3A_118 = arith.addi %mul3A_116, %add3A_117 : i32
      %dma_wait3A_119 = arith.constant 0 : i32
      %dma_wait3A_120 = arith.constant 0 : i32
      %dma_wait3A_121 = tpu.memref_slice %arg2[%dma_wait3A_119, %dma_wait3A_120] : memref<10000x128xf32, #tpu.memory_space<hbm>> -> memref<10000x128xf32, #tpu.memory_space<hbm>>
      tpu.wait_indirect_dma semaphore(%arg29 : memref<!tpu.dma_semaphore, #tpu.memory_space<semaphore_mem>>) src(%dma_wait3A_121 : memref<10000x128xf32, #tpu.memory_space<hbm>>) dst(%arg19 : memref<80x128xf32, #tpu.memory_space<vmem>>)
      %dma_start3A_122 = arith.constant 0 : i32
      %dma_start3A_123 = arith.constant 0 : i32
      %dma_start3A_124 = tpu.memref_slice %arg22[%dma_start3A_122, %dma_start3A_123] : memref<10064x128xf32, #tpu.memory_space<vmem_shared>> -> memref<10064x128xf32, #tpu.memory_space<vmem_shared>>
      tpu.enqueue_indirect_dma source(%arg19 : memref<80x128xf32, #tpu.memory_space<vmem>>) target(%dma_start3A_124 : memref<10064x128xf32, #tpu.memory_space<vmem_shared>>) offsets(%arg13 : memref<80xi32, #tpu.memory_space<vmem>>) semaphore(%arg32 : memref<!tpu.dma_semaphore, #tpu.memory_space<semaphore_mem>>) {add = true}
      %ge3A = arith.constant 1 : i32
      %ge3A_125 = arith.cmpi sge, %add3A_118, %ge3A : i32
      %convert_element_type3A = arith.extui %ge3A_125 : i1 to i32
      %cond3A = arith.constant 0 : i32
      %cond3A_126 = arith.cmpi ne, %convert_element_type3A, %cond3A : i32
      scf.if %cond3A_126 {
        %dma_wait3A_297 = arith.constant 0 : i32
        %dma_wait3A_298 = arith.constant 0 : i32
        %dma_wait3A_299 = tpu.memref_slice %arg22[%dma_wait3A_297, %dma_wait3A_298] : memref<10064x128xf32, #tpu.memory_space<vmem_shared>> -> memref<10064x128xf32, #tpu.memory_space<vmem_shared>>
        tpu.wait_indirect_dma semaphore(%arg34 : memref<!tpu.dma_semaphore, #tpu.memory_space<semaphore_mem>>) src(%arg21 : memref<80x128xf32, #tpu.memory_space<vmem>>) dst(%dma_wait3A_299 : memref<10064x128xf32, #tpu.memory_space<vmem_shared>>)
      } else {
      }
      %add3A_127 = arith.constant 2 : i32
      %add3A_128 = arith.addi %add3A_118, %add3A_127 : i32
      %lt3A = arith.constant 126 : i32
      %lt3A_129 = arith.cmpi slt, %add3A_128, %lt3A : i32
      %convert_element_type3A_130 = arith.extui %lt3A_129 : i1 to i32
      %cond3A_131 = arith.constant 0 : i32
      %cond3A_132 = arith.cmpi ne, %convert_element_type3A_130, %cond3A_131 : i32
      scf.if %cond3A_132 {
        %dma_wait3A_297 = arith.constant 0 : i32
        %dma_wait3A_298 = arith.constant 0 : i32
        %dma_wait3A_299 = tpu.memref_slice %arg3[%add3A, %dma_wait3A_297, %dma_wait3A_298] : memref<32x126x80xi32, #tpu.memory_space<hbm>> -> memref<1x1x80xi32, #tpu.memory_space<hbm>>
        %dma_wait3A_300 = tpu.memref_squeeze %dma_wait3A_299 : memref<1x1x80xi32, #tpu.memory_space<hbm>> -> memref<80xi32, #tpu.memory_space<hbm>>
        %dma_wait3A_301 = arith.constant 0 : i32
        %dma_wait3A_302 = tpu.memref_slice %arg3[%add3A, %dma_wait3A_297, %dma_wait3A_301] : memref<32x126x80xi32, #tpu.memory_space<hbm>> -> memref<1x1x80xi32, #tpu.memory_space<hbm>>
        %dma_wait3A_303 = tpu.memref_squeeze %dma_wait3A_302 : memref<1x1x80xi32, #tpu.memory_space<hbm>> -> memref<80xi32, #tpu.memory_space<hbm>>
        tpu.wait_dma2 semaphore(%arg25 : memref<!tpu.dma_semaphore, #tpu.memory_space<semaphore_mem>>) src(%dma_wait3A_303 : memref<80xi32, #tpu.memory_space<hbm>>) dst(%arg9 : memref<80xi32, #tpu.memory_space<vmem>>)
        %dma_wait3A_304 = arith.constant 0 : i32
        %dma_wait3A_305 = arith.constant 0 : i32
        %dma_wait3A_306 = tpu.memref_slice %arg4[%add3A, %dma_wait3A_304, %dma_wait3A_305] : memref<32x126x80xi32, #tpu.memory_space<hbm>> -> memref<1x1x80xi32, #tpu.memory_space<hbm>>
        %dma_wait3A_307 = tpu.memref_squeeze %dma_wait3A_306 : memref<1x1x80xi32, #tpu.memory_space<hbm>> -> memref<80xi32, #tpu.memory_space<hbm>>
        %dma_wait3A_308 = arith.constant 0 : i32
        %dma_wait3A_309 = tpu.memref_slice %arg4[%add3A, %dma_wait3A_304, %dma_wait3A_308] : memref<32x126x80xi32, #tpu.memory_space<hbm>> -> memref<1x1x80xi32, #tpu.memory_space<hbm>>
        %dma_wait3A_310 = tpu.memref_squeeze %dma_wait3A_309 : memref<1x1x80xi32, #tpu.memory_space<hbm>> -> memref<80xi32, #tpu.memory_space<hbm>>
        tpu.wait_dma2 semaphore(%arg25 : memref<!tpu.dma_semaphore, #tpu.memory_space<semaphore_mem>>) src(%dma_wait3A_310 : memref<80xi32, #tpu.memory_space<hbm>>) dst(%arg15 : memref<80xi32, #tpu.memory_space<vmem>>)
        %dma_start3A_311 = arith.constant 0 : i32
        %dma_start3A_312 = arith.constant 0 : i32
        %dma_start3A_313 = tpu.memref_slice %arg2[%dma_start3A_311, %dma_start3A_312] : memref<10000x128xf32, #tpu.memory_space<hbm>> -> memref<10000x128xf32, #tpu.memory_space<hbm>>
        tpu.enqueue_indirect_dma source(%dma_start3A_313 : memref<10000x128xf32, #tpu.memory_space<hbm>>) target(%arg21 : memref<80x128xf32, #tpu.memory_space<vmem>>) offsets(%arg9 : memref<80xi32, #tpu.memory_space<vmem>>) semaphore(%arg31 : memref<!tpu.dma_semaphore, #tpu.memory_space<semaphore_mem>>)
      } else {
      }
      %add3A_133 = arith.constant 6 : i32
      %add3A_134 = arith.addi %add3A_118, %add3A_133 : i32
      %sub3A = arith.constant 2 : i32
      %sub3A_135 = arith.subi %add3A_134, %sub3A : i32
      %lt3A_136 = arith.constant 126 : i32
      %lt3A_137 = arith.cmpi slt, %sub3A_135, %lt3A_136 : i32
      %convert_element_type3A_138 = arith.extui %lt3A_137 : i1 to i32
      %cond3A_139 = arith.constant 0 : i32
      %cond3A_140 = arith.cmpi ne, %convert_element_type3A_138, %cond3A_139 : i32
      scf.if %cond3A_140 {
        %add3A_297 = arith.constant 6 : i32
        %add3A_298 = arith.addi %add3A_118, %add3A_297 : i32
        %sub3A_299 = arith.constant 2 : i32
        %sub3A_300 = arith.subi %add3A_298, %sub3A_299 : i32
        %dma_start3A_301 = arith.constant 0 : i32
        %dma_start3A_302 = tpu.memref_slice %arg3[%add3A, %sub3A_300, %dma_start3A_301] : memref<32x126x80xi32, #tpu.memory_space<hbm>> -> memref<1x1x80xi32, #tpu.memory_space<hbm>>
        %dma_start3A_303 = tpu.memref_squeeze %dma_start3A_302 : memref<1x1x80xi32, #tpu.memory_space<hbm>> -> memref<80xi32, #tpu.memory_space<hbm>>
        %dma_start3A_304 = arith.constant 0 : i32
        %dma_start3A_305 = tpu.memref_slice %arg3[%add3A, %sub3A_300, %dma_start3A_304] : memref<32x126x80xi32, #tpu.memory_space<hbm>> -> memref<1x1x80xi32, #tpu.memory_space<hbm>>
        %dma_start3A_306 = tpu.memref_squeeze %dma_start3A_305 : memref<1x1x80xi32, #tpu.memory_space<hbm>> -> memref<80xi32, #tpu.memory_space<hbm>>
        tpu.enqueue_dma source(%dma_start3A_306 : memref<80xi32, #tpu.memory_space<hbm>>) target(%arg11 : memref<80xi32, #tpu.memory_space<vmem>>) target_semaphore(%arg27 : memref<!tpu.dma_semaphore, #tpu.memory_space<semaphore_mem>>)
        %dma_start3A_307 = arith.constant 0 : i32
        %dma_start3A_308 = tpu.memref_slice %arg4[%add3A, %sub3A_300, %dma_start3A_307] : memref<32x126x80xi32, #tpu.memory_space<hbm>> -> memref<1x1x80xi32, #tpu.memory_space<hbm>>
        %dma_start3A_309 = tpu.memref_squeeze %dma_start3A_308 : memref<1x1x80xi32, #tpu.memory_space<hbm>> -> memref<80xi32, #tpu.memory_space<hbm>>
        %dma_start3A_310 = arith.constant 0 : i32
        %dma_start3A_311 = tpu.memref_slice %arg4[%add3A, %sub3A_300, %dma_start3A_310] : memref<32x126x80xi32, #tpu.memory_space<hbm>> -> memref<1x1x80xi32, #tpu.memory_space<hbm>>
        %dma_start3A_312 = tpu.memref_squeeze %dma_start3A_311 : memref<1x1x80xi32, #tpu.memory_space<hbm>> -> memref<80xi32, #tpu.memory_space<hbm>>
        tpu.enqueue_dma source(%dma_start3A_312 : memref<80xi32, #tpu.memory_space<hbm>>) target(%arg17 : memref<80xi32, #tpu.memory_space<vmem>>) target_semaphore(%arg27 : memref<!tpu.dma_semaphore, #tpu.memory_space<semaphore_mem>>)
      } else {
      }
      %mul3A_141 = arith.constant 6 : i32
      %mul3A_142 = arith.muli %scan3A_113, %mul3A_141 : i32
      %add3A_143 = arith.constant 1 : i32
      %add3A_144 = arith.addi %mul3A_142, %add3A_143 : i32
      %dma_wait3A_145 = arith.constant 0 : i32
      %dma_wait3A_146 = arith.constant 0 : i32
      %dma_wait3A_147 = tpu.memref_slice %arg2[%dma_wait3A_145, %dma_wait3A_146] : memref<10000x128xf32, #tpu.memory_space<hbm>> -> memref<10000x128xf32, #tpu.memory_space<hbm>>
      tpu.wait_indirect_dma semaphore(%arg30 : memref<!tpu.dma_semaphore, #tpu.memory_space<semaphore_mem>>) src(%dma_wait3A_147 : memref<10000x128xf32, #tpu.memory_space<hbm>>) dst(%arg20 : memref<80x128xf32, #tpu.memory_space<vmem>>)
      %dma_start3A_148 = arith.constant 0 : i32
      %dma_start3A_149 = arith.constant 0 : i32
      %dma_start3A_150 = tpu.memref_slice %arg22[%dma_start3A_148, %dma_start3A_149] : memref<10064x128xf32, #tpu.memory_space<vmem_shared>> -> memref<10064x128xf32, #tpu.memory_space<vmem_shared>>
      tpu.enqueue_indirect_dma source(%arg20 : memref<80x128xf32, #tpu.memory_space<vmem>>) target(%dma_start3A_150 : memref<10064x128xf32, #tpu.memory_space<vmem_shared>>) offsets(%arg14 : memref<80xi32, #tpu.memory_space<vmem>>) semaphore(%arg33 : memref<!tpu.dma_semaphore, #tpu.memory_space<semaphore_mem>>) {add = true}
      %ge3A_151 = arith.constant 1 : i32
      %ge3A_152 = arith.cmpi sge, %add3A_144, %ge3A_151 : i32
      %convert_element_type3A_153 = arith.extui %ge3A_152 : i1 to i32
      %cond3A_154 = arith.constant 0 : i32
      %cond3A_155 = arith.cmpi ne, %convert_element_type3A_153, %cond3A_154 : i32
      scf.if %cond3A_155 {
        %dma_wait3A_297 = arith.constant 0 : i32
        %dma_wait3A_298 = arith.constant 0 : i32
        %dma_wait3A_299 = tpu.memref_slice %arg22[%dma_wait3A_297, %dma_wait3A_298] : memref<10064x128xf32, #tpu.memory_space<vmem_shared>> -> memref<10064x128xf32, #tpu.memory_space<vmem_shared>>
        tpu.wait_indirect_dma semaphore(%arg32 : memref<!tpu.dma_semaphore, #tpu.memory_space<semaphore_mem>>) src(%arg19 : memref<80x128xf32, #tpu.memory_space<vmem>>) dst(%dma_wait3A_299 : memref<10064x128xf32, #tpu.memory_space<vmem_shared>>)
      } else {
      }
      %add3A_156 = arith.constant 2 : i32
      %add3A_157 = arith.addi %add3A_144, %add3A_156 : i32
      %lt3A_158 = arith.constant 126 : i32
      %lt3A_159 = arith.cmpi slt, %add3A_157, %lt3A_158 : i32
      %convert_element_type3A_160 = arith.extui %lt3A_159 : i1 to i32
      %cond3A_161 = arith.constant 0 : i32
      %cond3A_162 = arith.cmpi ne, %convert_element_type3A_160, %cond3A_161 : i32
      scf.if %cond3A_162 {
        %dma_wait3A_297 = arith.constant 0 : i32
        %dma_wait3A_298 = arith.constant 0 : i32
        %dma_wait3A_299 = tpu.memref_slice %arg3[%add3A, %dma_wait3A_297, %dma_wait3A_298] : memref<32x126x80xi32, #tpu.memory_space<hbm>> -> memref<1x1x80xi32, #tpu.memory_space<hbm>>
        %dma_wait3A_300 = tpu.memref_squeeze %dma_wait3A_299 : memref<1x1x80xi32, #tpu.memory_space<hbm>> -> memref<80xi32, #tpu.memory_space<hbm>>
        %dma_wait3A_301 = arith.constant 0 : i32
        %dma_wait3A_302 = tpu.memref_slice %arg3[%add3A, %dma_wait3A_297, %dma_wait3A_301] : memref<32x126x80xi32, #tpu.memory_space<hbm>> -> memref<1x1x80xi32, #tpu.memory_space<hbm>>
        %dma_wait3A_303 = tpu.memref_squeeze %dma_wait3A_302 : memref<1x1x80xi32, #tpu.memory_space<hbm>> -> memref<80xi32, #tpu.memory_space<hbm>>
        tpu.wait_dma2 semaphore(%arg26 : memref<!tpu.dma_semaphore, #tpu.memory_space<semaphore_mem>>) src(%dma_wait3A_303 : memref<80xi32, #tpu.memory_space<hbm>>) dst(%arg10 : memref<80xi32, #tpu.memory_space<vmem>>)
        %dma_wait3A_304 = arith.constant 0 : i32
        %dma_wait3A_305 = arith.constant 0 : i32
        %dma_wait3A_306 = tpu.memref_slice %arg4[%add3A, %dma_wait3A_304, %dma_wait3A_305] : memref<32x126x80xi32, #tpu.memory_space<hbm>> -> memref<1x1x80xi32, #tpu.memory_space<hbm>>
        %dma_wait3A_307 = tpu.memref_squeeze %dma_wait3A_306 : memref<1x1x80xi32, #tpu.memory_space<hbm>> -> memref<80xi32, #tpu.memory_space<hbm>>
        %dma_wait3A_308 = arith.constant 0 : i32
        %dma_wait3A_309 = tpu.memref_slice %arg4[%add3A, %dma_wait3A_304, %dma_wait3A_308] : memref<32x126x80xi32, #tpu.memory_space<hbm>> -> memref<1x1x80xi32, #tpu.memory_space<hbm>>
        %dma_wait3A_310 = tpu.memref_squeeze %dma_wait3A_309 : memref<1x1x80xi32, #tpu.memory_space<hbm>> -> memref<80xi32, #tpu.memory_space<hbm>>
        tpu.wait_dma2 semaphore(%arg26 : memref<!tpu.dma_semaphore, #tpu.memory_space<semaphore_mem>>) src(%dma_wait3A_310 : memref<80xi32, #tpu.memory_space<hbm>>) dst(%arg16 : memref<80xi32, #tpu.memory_space<vmem>>)
        %dma_start3A_311 = arith.constant 0 : i32
        %dma_start3A_312 = arith.constant 0 : i32
        %dma_start3A_313 = tpu.memref_slice %arg2[%dma_start3A_311, %dma_start3A_312] : memref<10000x128xf32, #tpu.memory_space<hbm>> -> memref<10000x128xf32, #tpu.memory_space<hbm>>
        tpu.enqueue_indirect_dma source(%dma_start3A_313 : memref<10000x128xf32, #tpu.memory_space<hbm>>) target(%arg19 : memref<80x128xf32, #tpu.memory_space<vmem>>) offsets(%arg10 : memref<80xi32, #tpu.memory_space<vmem>>) semaphore(%arg29 : memref<!tpu.dma_semaphore, #tpu.memory_space<semaphore_mem>>)
      } else {
      }
      %add3A_163 = arith.constant 6 : i32
      %add3A_164 = arith.addi %add3A_144, %add3A_163 : i32
      %sub3A_165 = arith.constant 2 : i32
      %sub3A_166 = arith.subi %add3A_164, %sub3A_165 : i32
      %lt3A_167 = arith.constant 126 : i32
      %lt3A_168 = arith.cmpi slt, %sub3A_166, %lt3A_167 : i32
      %convert_element_type3A_169 = arith.extui %lt3A_168 : i1 to i32
      %cond3A_170 = arith.constant 0 : i32
      %cond3A_171 = arith.cmpi ne, %convert_element_type3A_169, %cond3A_170 : i32
      scf.if %cond3A_171 {
        %add3A_297 = arith.constant 6 : i32
        %add3A_298 = arith.addi %add3A_144, %add3A_297 : i32
        %sub3A_299 = arith.constant 2 : i32
        %sub3A_300 = arith.subi %add3A_298, %sub3A_299 : i32
        %dma_start3A_301 = arith.constant 0 : i32
        %dma_start3A_302 = tpu.memref_slice %arg3[%add3A, %sub3A_300, %dma_start3A_301] : memref<32x126x80xi32, #tpu.memory_space<hbm>> -> memref<1x1x80xi32, #tpu.memory_space<hbm>>
        %dma_start3A_303 = tpu.memref_squeeze %dma_start3A_302 : memref<1x1x80xi32, #tpu.memory_space<hbm>> -> memref<80xi32, #tpu.memory_space<hbm>>
        %dma_start3A_304 = arith.constant 0 : i32
        %dma_start3A_305 = tpu.memref_slice %arg3[%add3A, %sub3A_300, %dma_start3A_304] : memref<32x126x80xi32, #tpu.memory_space<hbm>> -> memref<1x1x80xi32, #tpu.memory_space<hbm>>
        %dma_start3A_306 = tpu.memref_squeeze %dma_start3A_305 : memref<1x1x80xi32, #tpu.memory_space<hbm>> -> memref<80xi32, #tpu.memory_space<hbm>>
        tpu.enqueue_dma source(%dma_start3A_306 : memref<80xi32, #tpu.memory_space<hbm>>) target(%arg12 : memref<80xi32, #tpu.memory_space<vmem>>) target_semaphore(%arg28 : memref<!tpu.dma_semaphore, #tpu.memory_space<semaphore_mem>>)
        %dma_start3A_307 = arith.constant 0 : i32
        %dma_start3A_308 = tpu.memref_slice %arg4[%add3A, %sub3A_300, %dma_start3A_307] : memref<32x126x80xi32, #tpu.memory_space<hbm>> -> memref<1x1x80xi32, #tpu.memory_space<hbm>>
        %dma_start3A_309 = tpu.memref_squeeze %dma_start3A_308 : memref<1x1x80xi32, #tpu.memory_space<hbm>> -> memref<80xi32, #tpu.memory_space<hbm>>
        %dma_start3A_310 = arith.constant 0 : i32
        %dma_start3A_311 = tpu.memref_slice %arg4[%add3A, %sub3A_300, %dma_start3A_310] : memref<32x126x80xi32, #tpu.memory_space<hbm>> -> memref<1x1x80xi32, #tpu.memory_space<hbm>>
        %dma_start3A_312 = tpu.memref_squeeze %dma_start3A_311 : memref<1x1x80xi32, #tpu.memory_space<hbm>> -> memref<80xi32, #tpu.memory_space<hbm>>
        tpu.enqueue_dma source(%dma_start3A_312 : memref<80xi32, #tpu.memory_space<hbm>>) target(%arg18 : memref<80xi32, #tpu.memory_space<vmem>>) target_semaphore(%arg28 : memref<!tpu.dma_semaphore, #tpu.memory_space<semaphore_mem>>)
      } else {
      }
      %mul3A_172 = arith.constant 6 : i32
      %mul3A_173 = arith.muli %scan3A_113, %mul3A_172 : i32
      %add3A_174 = arith.constant 2 : i32
      %add3A_175 = arith.addi %mul3A_173, %add3A_174 : i32
      %dma_wait3A_176 = arith.constant 0 : i32
      %dma_wait3A_177 = arith.constant 0 : i32
      %dma_wait3A_178 = tpu.memref_slice %arg2[%dma_wait3A_176, %dma_wait3A_177] : memref<10000x128xf32, #tpu.memory_space<hbm>> -> memref<10000x128xf32, #tpu.memory_space<hbm>>
      tpu.wait_indirect_dma semaphore(%arg31 : memref<!tpu.dma_semaphore, #tpu.memory_space<semaphore_mem>>) src(%dma_wait3A_178 : memref<10000x128xf32, #tpu.memory_space<hbm>>) dst(%arg21 : memref<80x128xf32, #tpu.memory_space<vmem>>)
      %dma_start3A_179 = arith.constant 0 : i32
      %dma_start3A_180 = arith.constant 0 : i32
      %dma_start3A_181 = tpu.memref_slice %arg22[%dma_start3A_179, %dma_start3A_180] : memref<10064x128xf32, #tpu.memory_space<vmem_shared>> -> memref<10064x128xf32, #tpu.memory_space<vmem_shared>>
      tpu.enqueue_indirect_dma source(%arg21 : memref<80x128xf32, #tpu.memory_space<vmem>>) target(%dma_start3A_181 : memref<10064x128xf32, #tpu.memory_space<vmem_shared>>) offsets(%arg15 : memref<80xi32, #tpu.memory_space<vmem>>) semaphore(%arg34 : memref<!tpu.dma_semaphore, #tpu.memory_space<semaphore_mem>>) {add = true}
      %ge3A_182 = arith.constant 1 : i32
      %ge3A_183 = arith.cmpi sge, %add3A_175, %ge3A_182 : i32
      %convert_element_type3A_184 = arith.extui %ge3A_183 : i1 to i32
      %cond3A_185 = arith.constant 0 : i32
      %cond3A_186 = arith.cmpi ne, %convert_element_type3A_184, %cond3A_185 : i32
      scf.if %cond3A_186 {
        %dma_wait3A_297 = arith.constant 0 : i32
        %dma_wait3A_298 = arith.constant 0 : i32
        %dma_wait3A_299 = tpu.memref_slice %arg22[%dma_wait3A_297, %dma_wait3A_298] : memref<10064x128xf32, #tpu.memory_space<vmem_shared>> -> memref<10064x128xf32, #tpu.memory_space<vmem_shared>>
        tpu.wait_indirect_dma semaphore(%arg33 : memref<!tpu.dma_semaphore, #tpu.memory_space<semaphore_mem>>) src(%arg20 : memref<80x128xf32, #tpu.memory_space<vmem>>) dst(%dma_wait3A_299 : memref<10064x128xf32, #tpu.memory_space<vmem_shared>>)
      } else {
      }
      %add3A_187 = arith.constant 2 : i32
      %add3A_188 = arith.addi %add3A_175, %add3A_187 : i32
      %lt3A_189 = arith.constant 126 : i32
      %lt3A_190 = arith.cmpi slt, %add3A_188, %lt3A_189 : i32
      %convert_element_type3A_191 = arith.extui %lt3A_190 : i1 to i32
      %cond3A_192 = arith.constant 0 : i32
      %cond3A_193 = arith.cmpi ne, %convert_element_type3A_191, %cond3A_192 : i32
      scf.if %cond3A_193 {
        %dma_wait3A_297 = arith.constant 0 : i32
        %dma_wait3A_298 = arith.constant 0 : i32
        %dma_wait3A_299 = tpu.memref_slice %arg3[%add3A, %dma_wait3A_297, %dma_wait3A_298] : memref<32x126x80xi32, #tpu.memory_space<hbm>> -> memref<1x1x80xi32, #tpu.memory_space<hbm>>
        %dma_wait3A_300 = tpu.memref_squeeze %dma_wait3A_299 : memref<1x1x80xi32, #tpu.memory_space<hbm>> -> memref<80xi32, #tpu.memory_space<hbm>>
        %dma_wait3A_301 = arith.constant 0 : i32
        %dma_wait3A_302 = tpu.memref_slice %arg3[%add3A, %dma_wait3A_297, %dma_wait3A_301] : memref<32x126x80xi32, #tpu.memory_space<hbm>> -> memref<1x1x80xi32, #tpu.memory_space<hbm>>
        %dma_wait3A_303 = tpu.memref_squeeze %dma_wait3A_302 : memref<1x1x80xi32, #tpu.memory_space<hbm>> -> memref<80xi32, #tpu.memory_space<hbm>>
        tpu.wait_dma2 semaphore(%arg27 : memref<!tpu.dma_semaphore, #tpu.memory_space<semaphore_mem>>) src(%dma_wait3A_303 : memref<80xi32, #tpu.memory_space<hbm>>) dst(%arg11 : memref<80xi32, #tpu.memory_space<vmem>>)
        %dma_wait3A_304 = arith.constant 0 : i32
        %dma_wait3A_305 = arith.constant 0 : i32
        %dma_wait3A_306 = tpu.memref_slice %arg4[%add3A, %dma_wait3A_304, %dma_wait3A_305] : memref<32x126x80xi32, #tpu.memory_space<hbm>> -> memref<1x1x80xi32, #tpu.memory_space<hbm>>
        %dma_wait3A_307 = tpu.memref_squeeze %dma_wait3A_306 : memref<1x1x80xi32, #tpu.memory_space<hbm>> -> memref<80xi32, #tpu.memory_space<hbm>>
        %dma_wait3A_308 = arith.constant 0 : i32
        %dma_wait3A_309 = tpu.memref_slice %arg4[%add3A, %dma_wait3A_304, %dma_wait3A_308] : memref<32x126x80xi32, #tpu.memory_space<hbm>> -> memref<1x1x80xi32, #tpu.memory_space<hbm>>
        %dma_wait3A_310 = tpu.memref_squeeze %dma_wait3A_309 : memref<1x1x80xi32, #tpu.memory_space<hbm>> -> memref<80xi32, #tpu.memory_space<hbm>>
        tpu.wait_dma2 semaphore(%arg27 : memref<!tpu.dma_semaphore, #tpu.memory_space<semaphore_mem>>) src(%dma_wait3A_310 : memref<80xi32, #tpu.memory_space<hbm>>) dst(%arg17 : memref<80xi32, #tpu.memory_space<vmem>>)
        %dma_start3A_311 = arith.constant 0 : i32
        %dma_start3A_312 = arith.constant 0 : i32
        %dma_start3A_313 = tpu.memref_slice %arg2[%dma_start3A_311, %dma_start3A_312] : memref<10000x128xf32, #tpu.memory_space<hbm>> -> memref<10000x128xf32, #tpu.memory_space<hbm>>
        tpu.enqueue_indirect_dma source(%dma_start3A_313 : memref<10000x128xf32, #tpu.memory_space<hbm>>) target(%arg20 : memref<80x128xf32, #tpu.memory_space<vmem>>) offsets(%arg11 : memref<80xi32, #tpu.memory_space<vmem>>) semaphore(%arg30 : memref<!tpu.dma_semaphore, #tpu.memory_space<semaphore_mem>>)
      } else {
      }
      %add3A_194 = arith.constant 6 : i32
      %add3A_195 = arith.addi %add3A_175, %add3A_194 : i32
      %sub3A_196 = arith.constant 2 : i32
      %sub3A_197 = arith.subi %add3A_195, %sub3A_196 : i32
      %lt3A_198 = arith.constant 126 : i32
      %lt3A_199 = arith.cmpi slt, %sub3A_197, %lt3A_198 : i32
      %convert_element_type3A_200 = arith.extui %lt3A_199 : i1 to i32
      %cond3A_201 = arith.constant 0 : i32
      %cond3A_202 = arith.cmpi ne, %convert_element_type3A_200, %cond3A_201 : i32
      scf.if %cond3A_202 {
        %add3A_297 = arith.constant 6 : i32
        %add3A_298 = arith.addi %add3A_175, %add3A_297 : i32
        %sub3A_299 = arith.constant 2 : i32
        %sub3A_300 = arith.subi %add3A_298, %sub3A_299 : i32
        %dma_start3A_301 = arith.constant 0 : i32
        %dma_start3A_302 = tpu.memref_slice %arg3[%add3A, %sub3A_300, %dma_start3A_301] : memref<32x126x80xi32, #tpu.memory_space<hbm>> -> memref<1x1x80xi32, #tpu.memory_space<hbm>>
        %dma_start3A_303 = tpu.memref_squeeze %dma_start3A_302 : memref<1x1x80xi32, #tpu.memory_space<hbm>> -> memref<80xi32, #tpu.memory_space<hbm>>
        %dma_start3A_304 = arith.constant 0 : i32
        %dma_start3A_305 = tpu.memref_slice %arg3[%add3A, %sub3A_300, %dma_start3A_304] : memref<32x126x80xi32, #tpu.memory_space<hbm>> -> memref<1x1x80xi32, #tpu.memory_space<hbm>>
        %dma_start3A_306 = tpu.memref_squeeze %dma_start3A_305 : memref<1x1x80xi32, #tpu.memory_space<hbm>> -> memref<80xi32, #tpu.memory_space<hbm>>
        tpu.enqueue_dma source(%dma_start3A_306 : memref<80xi32, #tpu.memory_space<hbm>>) target(%arg7 : memref<80xi32, #tpu.memory_space<vmem>>) target_semaphore(%arg23 : memref<!tpu.dma_semaphore, #tpu.memory_space<semaphore_mem>>)
        %dma_start3A_307 = arith.constant 0 : i32
        %dma_start3A_308 = tpu.memref_slice %arg4[%add3A, %sub3A_300, %dma_start3A_307] : memref<32x126x80xi32, #tpu.memory_space<hbm>> -> memref<1x1x80xi32, #tpu.memory_space<hbm>>
        %dma_start3A_309 = tpu.memref_squeeze %dma_start3A_308 : memref<1x1x80xi32, #tpu.memory_space<hbm>> -> memref<80xi32, #tpu.memory_space<hbm>>
        %dma_start3A_310 = arith.constant 0 : i32
        %dma_start3A_311 = tpu.memref_slice %arg4[%add3A, %sub3A_300, %dma_start3A_310] : memref<32x126x80xi32, #tpu.memory_space<hbm>> -> memref<1x1x80xi32, #tpu.memory_space<hbm>>
        %dma_start3A_312 = tpu.memref_squeeze %dma_start3A_311 : memref<1x1x80xi32, #tpu.memory_space<hbm>> -> memref<80xi32, #tpu.memory_space<hbm>>
        tpu.enqueue_dma source(%dma_start3A_312 : memref<80xi32, #tpu.memory_space<hbm>>) target(%arg13 : memref<80xi32, #tpu.memory_space<vmem>>) target_semaphore(%arg23 : memref<!tpu.dma_semaphore, #tpu.memory_space<semaphore_mem>>)
      } else {
      }
      %mul3A_203 = arith.constant 6 : i32
      %mul3A_204 = arith.muli %scan3A_113, %mul3A_203 : i32
      %add3A_205 = arith.constant 3 : i32
      %add3A_206 = arith.addi %mul3A_204, %add3A_205 : i32
      %dma_wait3A_207 = arith.constant 0 : i32
      %dma_wait3A_208 = arith.constant 0 : i32
      %dma_wait3A_209 = tpu.memref_slice %arg2[%dma_wait3A_207, %dma_wait3A_208] : memref<10000x128xf32, #tpu.memory_space<hbm>> -> memref<10000x128xf32, #tpu.memory_space<hbm>>
      tpu.wait_indirect_dma semaphore(%arg29 : memref<!tpu.dma_semaphore, #tpu.memory_space<semaphore_mem>>) src(%dma_wait3A_209 : memref<10000x128xf32, #tpu.memory_space<hbm>>) dst(%arg19 : memref<80x128xf32, #tpu.memory_space<vmem>>)
      %dma_start3A_210 = arith.constant 0 : i32
      %dma_start3A_211 = arith.constant 0 : i32
      %dma_start3A_212 = tpu.memref_slice %arg22[%dma_start3A_210, %dma_start3A_211] : memref<10064x128xf32, #tpu.memory_space<vmem_shared>> -> memref<10064x128xf32, #tpu.memory_space<vmem_shared>>
      tpu.enqueue_indirect_dma source(%arg19 : memref<80x128xf32, #tpu.memory_space<vmem>>) target(%dma_start3A_212 : memref<10064x128xf32, #tpu.memory_space<vmem_shared>>) offsets(%arg16 : memref<80xi32, #tpu.memory_space<vmem>>) semaphore(%arg32 : memref<!tpu.dma_semaphore, #tpu.memory_space<semaphore_mem>>) {add = true}
      %ge3A_213 = arith.constant 1 : i32
      %ge3A_214 = arith.cmpi sge, %add3A_206, %ge3A_213 : i32
      %convert_element_type3A_215 = arith.extui %ge3A_214 : i1 to i32
      %cond3A_216 = arith.constant 0 : i32
      %cond3A_217 = arith.cmpi ne, %convert_element_type3A_215, %cond3A_216 : i32
      scf.if %cond3A_217 {
        %dma_wait3A_297 = arith.constant 0 : i32
        %dma_wait3A_298 = arith.constant 0 : i32
        %dma_wait3A_299 = tpu.memref_slice %arg22[%dma_wait3A_297, %dma_wait3A_298] : memref<10064x128xf32, #tpu.memory_space<vmem_shared>> -> memref<10064x128xf32, #tpu.memory_space<vmem_shared>>
        tpu.wait_indirect_dma semaphore(%arg34 : memref<!tpu.dma_semaphore, #tpu.memory_space<semaphore_mem>>) src(%arg21 : memref<80x128xf32, #tpu.memory_space<vmem>>) dst(%dma_wait3A_299 : memref<10064x128xf32, #tpu.memory_space<vmem_shared>>)
      } else {
      }
      %add3A_218 = arith.constant 2 : i32
      %add3A_219 = arith.addi %add3A_206, %add3A_218 : i32
      %lt3A_220 = arith.constant 126 : i32
      %lt3A_221 = arith.cmpi slt, %add3A_219, %lt3A_220 : i32
      %convert_element_type3A_222 = arith.extui %lt3A_221 : i1 to i32
      %cond3A_223 = arith.constant 0 : i32
      %cond3A_224 = arith.cmpi ne, %convert_element_type3A_222, %cond3A_223 : i32
      scf.if %cond3A_224 {
        %dma_wait3A_297 = arith.constant 0 : i32
        %dma_wait3A_298 = arith.constant 0 : i32
        %dma_wait3A_299 = tpu.memref_slice %arg3[%add3A, %dma_wait3A_297, %dma_wait3A_298] : memref<32x126x80xi32, #tpu.memory_space<hbm>> -> memref<1x1x80xi32, #tpu.memory_space<hbm>>
        %dma_wait3A_300 = tpu.memref_squeeze %dma_wait3A_299 : memref<1x1x80xi32, #tpu.memory_space<hbm>> -> memref<80xi32, #tpu.memory_space<hbm>>
        %dma_wait3A_301 = arith.constant 0 : i32
        %dma_wait3A_302 = tpu.memref_slice %arg3[%add3A, %dma_wait3A_297, %dma_wait3A_301] : memref<32x126x80xi32, #tpu.memory_space<hbm>> -> memref<1x1x80xi32, #tpu.memory_space<hbm>>
        %dma_wait3A_303 = tpu.memref_squeeze %dma_wait3A_302 : memref<1x1x80xi32, #tpu.memory_space<hbm>> -> memref<80xi32, #tpu.memory_space<hbm>>
        tpu.wait_dma2 semaphore(%arg28 : memref<!tpu.dma_semaphore, #tpu.memory_space<semaphore_mem>>) src(%dma_wait3A_303 : memref<80xi32, #tpu.memory_space<hbm>>) dst(%arg12 : memref<80xi32, #tpu.memory_space<vmem>>)
        %dma_wait3A_304 = arith.constant 0 : i32
        %dma_wait3A_305 = arith.constant 0 : i32
        %dma_wait3A_306 = tpu.memref_slice %arg4[%add3A, %dma_wait3A_304, %dma_wait3A_305] : memref<32x126x80xi32, #tpu.memory_space<hbm>> -> memref<1x1x80xi32, #tpu.memory_space<hbm>>
        %dma_wait3A_307 = tpu.memref_squeeze %dma_wait3A_306 : memref<1x1x80xi32, #tpu.memory_space<hbm>> -> memref<80xi32, #tpu.memory_space<hbm>>
        %dma_wait3A_308 = arith.constant 0 : i32
        %dma_wait3A_309 = tpu.memref_slice %arg4[%add3A, %dma_wait3A_304, %dma_wait3A_308] : memref<32x126x80xi32, #tpu.memory_space<hbm>> -> memref<1x1x80xi32, #tpu.memory_space<hbm>>
        %dma_wait3A_310 = tpu.memref_squeeze %dma_wait3A_309 : memref<1x1x80xi32, #tpu.memory_space<hbm>> -> memref<80xi32, #tpu.memory_space<hbm>>
        tpu.wait_dma2 semaphore(%arg28 : memref<!tpu.dma_semaphore, #tpu.memory_space<semaphore_mem>>) src(%dma_wait3A_310 : memref<80xi32, #tpu.memory_space<hbm>>) dst(%arg18 : memref<80xi32, #tpu.memory_space<vmem>>)
        %dma_start3A_311 = arith.constant 0 : i32
        %dma_start3A_312 = arith.constant 0 : i32
        %dma_start3A_313 = tpu.memref_slice %arg2[%dma_start3A_311, %dma_start3A_312] : memref<10000x128xf32, #tpu.memory_space<hbm>> -> memref<10000x128xf32, #tpu.memory_space<hbm>>
        tpu.enqueue_indirect_dma source(%dma_start3A_313 : memref<10000x128xf32, #tpu.memory_space<hbm>>) target(%arg21 : memref<80x128xf32, #tpu.memory_space<vmem>>) offsets(%arg12 : memref<80xi32, #tpu.memory_space<vmem>>) semaphore(%arg31 : memref<!tpu.dma_semaphore, #tpu.memory_space<semaphore_mem>>)
      } else {
      }
      %add3A_225 = arith.constant 6 : i32
      %add3A_226 = arith.addi %add3A_206, %add3A_225 : i32
      %sub3A_227 = arith.constant 2 : i32
      %sub3A_228 = arith.subi %add3A_226, %sub3A_227 : i32
      %lt3A_229 = arith.constant 126 : i32
      %lt3A_230 = arith.cmpi slt, %sub3A_228, %lt3A_229 : i32
      %convert_element_type3A_231 = arith.extui %lt3A_230 : i1 to i32
      %cond3A_232 = arith.constant 0 : i32
      %cond3A_233 = arith.cmpi ne, %convert_element_type3A_231, %cond3A_232 : i32
      scf.if %cond3A_233 {
        %add3A_297 = arith.constant 6 : i32
        %add3A_298 = arith.addi %add3A_206, %add3A_297 : i32
        %sub3A_299 = arith.constant 2 : i32
        %sub3A_300 = arith.subi %add3A_298, %sub3A_299 : i32
        %dma_start3A_301 = arith.constant 0 : i32
        %dma_start3A_302 = tpu.memref_slice %arg3[%add3A, %sub3A_300, %dma_start3A_301] : memref<32x126x80xi32, #tpu.memory_space<hbm>> -> memref<1x1x80xi32, #tpu.memory_space<hbm>>
        %dma_start3A_303 = tpu.memref_squeeze %dma_start3A_302 : memref<1x1x80xi32, #tpu.memory_space<hbm>> -> memref<80xi32, #tpu.memory_space<hbm>>
        %dma_start3A_304 = arith.constant 0 : i32
        %dma_start3A_305 = tpu.memref_slice %arg3[%add3A, %sub3A_300, %dma_start3A_304] : memref<32x126x80xi32, #tpu.memory_space<hbm>> -> memref<1x1x80xi32, #tpu.memory_space<hbm>>
        %dma_start3A_306 = tpu.memref_squeeze %dma_start3A_305 : memref<1x1x80xi32, #tpu.memory_space<hbm>> -> memref<80xi32, #tpu.memory_space<hbm>>
        tpu.enqueue_dma source(%dma_start3A_306 : memref<80xi32, #tpu.memory_space<hbm>>) target(%arg8 : memref<80xi32, #tpu.memory_space<vmem>>) target_semaphore(%arg24 : memref<!tpu.dma_semaphore, #tpu.memory_space<semaphore_mem>>)
        %dma_start3A_307 = arith.constant 0 : i32
        %dma_start3A_308 = tpu.memref_slice %arg4[%add3A, %sub3A_300, %dma_start3A_307] : memref<32x126x80xi32, #tpu.memory_space<hbm>> -> memref<1x1x80xi32, #tpu.memory_space<hbm>>
        %dma_start3A_309 = tpu.memref_squeeze %dma_start3A_308 : memref<1x1x80xi32, #tpu.memory_space<hbm>> -> memref<80xi32, #tpu.memory_space<hbm>>
        %dma_start3A_310 = arith.constant 0 : i32
        %dma_start3A_311 = tpu.memref_slice %arg4[%add3A, %sub3A_300, %dma_start3A_310] : memref<32x126x80xi32, #tpu.memory_space<hbm>> -> memref<1x1x80xi32, #tpu.memory_space<hbm>>
        %dma_start3A_312 = tpu.memref_squeeze %dma_start3A_311 : memref<1x1x80xi32, #tpu.memory_space<hbm>> -> memref<80xi32, #tpu.memory_space<hbm>>
        tpu.enqueue_dma source(%dma_start3A_312 : memref<80xi32, #tpu.memory_space<hbm>>) target(%arg14 : memref<80xi32, #tpu.memory_space<vmem>>) target_semaphore(%arg24 : memref<!tpu.dma_semaphore, #tpu.memory_space<semaphore_mem>>)
      } else {
      }
      %mul3A_234 = arith.constant 6 : i32
      %mul3A_235 = arith.muli %scan3A_113, %mul3A_234 : i32
      %add3A_236 = arith.constant 4 : i32
      %add3A_237 = arith.addi %mul3A_235, %add3A_236 : i32
      %dma_wait3A_238 = arith.constant 0 : i32
      %dma_wait3A_239 = arith.constant 0 : i32
      %dma_wait3A_240 = tpu.memref_slice %arg2[%dma_wait3A_238, %dma_wait3A_239] : memref<10000x128xf32, #tpu.memory_space<hbm>> -> memref<10000x128xf32, #tpu.memory_space<hbm>>
      tpu.wait_indirect_dma semaphore(%arg30 : memref<!tpu.dma_semaphore, #tpu.memory_space<semaphore_mem>>) src(%dma_wait3A_240 : memref<10000x128xf32, #tpu.memory_space<hbm>>) dst(%arg20 : memref<80x128xf32, #tpu.memory_space<vmem>>)
      %dma_start3A_241 = arith.constant 0 : i32
      %dma_start3A_242 = arith.constant 0 : i32
      %dma_start3A_243 = tpu.memref_slice %arg22[%dma_start3A_241, %dma_start3A_242] : memref<10064x128xf32, #tpu.memory_space<vmem_shared>> -> memref<10064x128xf32, #tpu.memory_space<vmem_shared>>
      tpu.enqueue_indirect_dma source(%arg20 : memref<80x128xf32, #tpu.memory_space<vmem>>) target(%dma_start3A_243 : memref<10064x128xf32, #tpu.memory_space<vmem_shared>>) offsets(%arg17 : memref<80xi32, #tpu.memory_space<vmem>>) semaphore(%arg33 : memref<!tpu.dma_semaphore, #tpu.memory_space<semaphore_mem>>) {add = true}
      %ge3A_244 = arith.constant 1 : i32
      %ge3A_245 = arith.cmpi sge, %add3A_237, %ge3A_244 : i32
      %convert_element_type3A_246 = arith.extui %ge3A_245 : i1 to i32
      %cond3A_247 = arith.constant 0 : i32
      %cond3A_248 = arith.cmpi ne, %convert_element_type3A_246, %cond3A_247 : i32
      scf.if %cond3A_248 {
        %dma_wait3A_297 = arith.constant 0 : i32
        %dma_wait3A_298 = arith.constant 0 : i32
        %dma_wait3A_299 = tpu.memref_slice %arg22[%dma_wait3A_297, %dma_wait3A_298] : memref<10064x128xf32, #tpu.memory_space<vmem_shared>> -> memref<10064x128xf32, #tpu.memory_space<vmem_shared>>
        tpu.wait_indirect_dma semaphore(%arg32 : memref<!tpu.dma_semaphore, #tpu.memory_space<semaphore_mem>>) src(%arg19 : memref<80x128xf32, #tpu.memory_space<vmem>>) dst(%dma_wait3A_299 : memref<10064x128xf32, #tpu.memory_space<vmem_shared>>)
      } else {
      }
      %add3A_249 = arith.constant 2 : i32
      %add3A_250 = arith.addi %add3A_237, %add3A_249 : i32
      %lt3A_251 = arith.constant 126 : i32
      %lt3A_252 = arith.cmpi slt, %add3A_250, %lt3A_251 : i32
      %convert_element_type3A_253 = arith.extui %lt3A_252 : i1 to i32
      %cond3A_254 = arith.constant 0 : i32
      %cond3A_255 = arith.cmpi ne, %convert_element_type3A_253, %cond3A_254 : i32
      scf.if %cond3A_255 {
        %dma_wait3A_297 = arith.constant 0 : i32
        %dma_wait3A_298 = arith.constant 0 : i32
        %dma_wait3A_299 = tpu.memref_slice %arg3[%add3A, %dma_wait3A_297, %dma_wait3A_298] : memref<32x126x80xi32, #tpu.memory_space<hbm>> -> memref<1x1x80xi32, #tpu.memory_space<hbm>>
        %dma_wait3A_300 = tpu.memref_squeeze %dma_wait3A_299 : memref<1x1x80xi32, #tpu.memory_space<hbm>> -> memref<80xi32, #tpu.memory_space<hbm>>
        %dma_wait3A_301 = arith.constant 0 : i32
        %dma_wait3A_302 = tpu.memref_slice %arg3[%add3A, %dma_wait3A_297, %dma_wait3A_301] : memref<32x126x80xi32, #tpu.memory_space<hbm>> -> memref<1x1x80xi32, #tpu.memory_space<hbm>>
        %dma_wait3A_303 = tpu.memref_squeeze %dma_wait3A_302 : memref<1x1x80xi32, #tpu.memory_space<hbm>> -> memref<80xi32, #tpu.memory_space<hbm>>
        tpu.wait_dma2 semaphore(%arg23 : memref<!tpu.dma_semaphore, #tpu.memory_space<semaphore_mem>>) src(%dma_wait3A_303 : memref<80xi32, #tpu.memory_space<hbm>>) dst(%arg7 : memref<80xi32, #tpu.memory_space<vmem>>)
        %dma_wait3A_304 = arith.constant 0 : i32
        %dma_wait3A_305 = arith.constant 0 : i32
        %dma_wait3A_306 = tpu.memref_slice %arg4[%add3A, %dma_wait3A_304, %dma_wait3A_305] : memref<32x126x80xi32, #tpu.memory_space<hbm>> -> memref<1x1x80xi32, #tpu.memory_space<hbm>>
        %dma_wait3A_307 = tpu.memref_squeeze %dma_wait3A_306 : memref<1x1x80xi32, #tpu.memory_space<hbm>> -> memref<80xi32, #tpu.memory_space<hbm>>
        %dma_wait3A_308 = arith.constant 0 : i32
        %dma_wait3A_309 = tpu.memref_slice %arg4[%add3A, %dma_wait3A_304, %dma_wait3A_308] : memref<32x126x80xi32, #tpu.memory_space<hbm>> -> memref<1x1x80xi32, #tpu.memory_space<hbm>>
        %dma_wait3A_310 = tpu.memref_squeeze %dma_wait3A_309 : memref<1x1x80xi32, #tpu.memory_space<hbm>> -> memref<80xi32, #tpu.memory_space<hbm>>
        tpu.wait_dma2 semaphore(%arg23 : memref<!tpu.dma_semaphore, #tpu.memory_space<semaphore_mem>>) src(%dma_wait3A_310 : memref<80xi32, #tpu.memory_space<hbm>>) dst(%arg13 : memref<80xi32, #tpu.memory_space<vmem>>)
        %dma_start3A_311 = arith.constant 0 : i32
        %dma_start3A_312 = arith.constant 0 : i32
        %dma_start3A_313 = tpu.memref_slice %arg2[%dma_start3A_311, %dma_start3A_312] : memref<10000x128xf32, #tpu.memory_space<hbm>> -> memref<10000x128xf32, #tpu.memory_space<hbm>>
        tpu.enqueue_indirect_dma source(%dma_start3A_313 : memref<10000x128xf32, #tpu.memory_space<hbm>>) target(%arg19 : memref<80x128xf32, #tpu.memory_space<vmem>>) offsets(%arg7 : memref<80xi32, #tpu.memory_space<vmem>>) semaphore(%arg29 : memref<!tpu.dma_semaphore, #tpu.memory_space<semaphore_mem>>)
      } else {
      }
      %add3A_256 = arith.constant 6 : i32
      %add3A_257 = arith.addi %add3A_237, %add3A_256 : i32
      %sub3A_258 = arith.constant 2 : i32
      %sub3A_259 = arith.subi %add3A_257, %sub3A_258 : i32
      %lt3A_260 = arith.constant 126 : i32
      %lt3A_261 = arith.cmpi slt, %sub3A_259, %lt3A_260 : i32
      %convert_element_type3A_262 = arith.extui %lt3A_261 : i1 to i32
      %cond3A_263 = arith.constant 0 : i32
      %cond3A_264 = arith.cmpi ne, %convert_element_type3A_262, %cond3A_263 : i32
      scf.if %cond3A_264 {
        %add3A_297 = arith.constant 6 : i32
        %add3A_298 = arith.addi %add3A_237, %add3A_297 : i32
        %sub3A_299 = arith.constant 2 : i32
        %sub3A_300 = arith.subi %add3A_298, %sub3A_299 : i32
        %dma_start3A_301 = arith.constant 0 : i32
        %dma_start3A_302 = tpu.memref_slice %arg3[%add3A, %sub3A_300, %dma_start3A_301] : memref<32x126x80xi32, #tpu.memory_space<hbm>> -> memref<1x1x80xi32, #tpu.memory_space<hbm>>
        %dma_start3A_303 = tpu.memref_squeeze %dma_start3A_302 : memref<1x1x80xi32, #tpu.memory_space<hbm>> -> memref<80xi32, #tpu.memory_space<hbm>>
        %dma_start3A_304 = arith.constant 0 : i32
        %dma_start3A_305 = tpu.memref_slice %arg3[%add3A, %sub3A_300, %dma_start3A_304] : memref<32x126x80xi32, #tpu.memory_space<hbm>> -> memref<1x1x80xi32, #tpu.memory_space<hbm>>
        %dma_start3A_306 = tpu.memref_squeeze %dma_start3A_305 : memref<1x1x80xi32, #tpu.memory_space<hbm>> -> memref<80xi32, #tpu.memory_space<hbm>>
        tpu.enqueue_dma source(%dma_start3A_306 : memref<80xi32, #tpu.memory_space<hbm>>) target(%arg9 : memref<80xi32, #tpu.memory_space<vmem>>) target_semaphore(%arg25 : memref<!tpu.dma_semaphore, #tpu.memory_space<semaphore_mem>>)
        %dma_start3A_307 = arith.constant 0 : i32
        %dma_start3A_308 = tpu.memref_slice %arg4[%add3A, %sub3A_300, %dma_start3A_307] : memref<32x126x80xi32, #tpu.memory_space<hbm>> -> memref<1x1x80xi32, #tpu.memory_space<hbm>>
        %dma_start3A_309 = tpu.memref_squeeze %dma_start3A_308 : memref<1x1x80xi32, #tpu.memory_space<hbm>> -> memref<80xi32, #tpu.memory_space<hbm>>
        %dma_start3A_310 = arith.constant 0 : i32
        %dma_start3A_311 = tpu.memref_slice %arg4[%add3A, %sub3A_300, %dma_start3A_310] : memref<32x126x80xi32, #tpu.memory_space<hbm>> -> memref<1x1x80xi32, #tpu.memory_space<hbm>>
        %dma_start3A_312 = tpu.memref_squeeze %dma_start3A_311 : memref<1x1x80xi32, #tpu.memory_space<hbm>> -> memref<80xi32, #tpu.memory_space<hbm>>
        tpu.enqueue_dma source(%dma_start3A_312 : memref<80xi32, #tpu.memory_space<hbm>>) target(%arg15 : memref<80xi32, #tpu.memory_space<vmem>>) target_semaphore(%arg25 : memref<!tpu.dma_semaphore, #tpu.memory_space<semaphore_mem>>)
      } else {
      }
      %mul3A_265 = arith.constant 6 : i32
      %mul3A_266 = arith.muli %scan3A_113, %mul3A_265 : i32
      %add3A_267 = arith.constant 5 : i32
      %add3A_268 = arith.addi %mul3A_266, %add3A_267 : i32
      %dma_wait3A_269 = arith.constant 0 : i32
      %dma_wait3A_270 = arith.constant 0 : i32
      %dma_wait3A_271 = tpu.memref_slice %arg2[%dma_wait3A_269, %dma_wait3A_270] : memref<10000x128xf32, #tpu.memory_space<hbm>> -> memref<10000x128xf32, #tpu.memory_space<hbm>>
      tpu.wait_indirect_dma semaphore(%arg31 : memref<!tpu.dma_semaphore, #tpu.memory_space<semaphore_mem>>) src(%dma_wait3A_271 : memref<10000x128xf32, #tpu.memory_space<hbm>>) dst(%arg21 : memref<80x128xf32, #tpu.memory_space<vmem>>)
      %dma_start3A_272 = arith.constant 0 : i32
      %dma_start3A_273 = arith.constant 0 : i32
      %dma_start3A_274 = tpu.memref_slice %arg22[%dma_start3A_272, %dma_start3A_273] : memref<10064x128xf32, #tpu.memory_space<vmem_shared>> -> memref<10064x128xf32, #tpu.memory_space<vmem_shared>>
      tpu.enqueue_indirect_dma source(%arg21 : memref<80x128xf32, #tpu.memory_space<vmem>>) target(%dma_start3A_274 : memref<10064x128xf32, #tpu.memory_space<vmem_shared>>) offsets(%arg18 : memref<80xi32, #tpu.memory_space<vmem>>) semaphore(%arg34 : memref<!tpu.dma_semaphore, #tpu.memory_space<semaphore_mem>>) {add = true}
      %ge3A_275 = arith.constant 1 : i32
      %ge3A_276 = arith.cmpi sge, %add3A_268, %ge3A_275 : i32
      %convert_element_type3A_277 = arith.extui %ge3A_276 : i1 to i32
      %cond3A_278 = arith.constant 0 : i32
      %cond3A_279 = arith.cmpi ne, %convert_element_type3A_277, %cond3A_278 : i32
      scf.if %cond3A_279 {
        %dma_wait3A_297 = arith.constant 0 : i32
        %dma_wait3A_298 = arith.constant 0 : i32
        %dma_wait3A_299 = tpu.memref_slice %arg22[%dma_wait3A_297, %dma_wait3A_298] : memref<10064x128xf32, #tpu.memory_space<vmem_shared>> -> memref<10064x128xf32, #tpu.memory_space<vmem_shared>>
        tpu.wait_indirect_dma semaphore(%arg33 : memref<!tpu.dma_semaphore, #tpu.memory_space<semaphore_mem>>) src(%arg20 : memref<80x128xf32, #tpu.memory_space<vmem>>) dst(%dma_wait3A_299 : memref<10064x128xf32, #tpu.memory_space<vmem_shared>>)
      } else {
      }
      %add3A_280 = arith.constant 2 : i32
      %add3A_281 = arith.addi %add3A_268, %add3A_280 : i32
      %lt3A_282 = arith.constant 126 : i32
      %lt3A_283 = arith.cmpi slt, %add3A_281, %lt3A_282 : i32
      %convert_element_type3A_284 = arith.extui %lt3A_283 : i1 to i32
      %cond3A_285 = arith.constant 0 : i32
      %cond3A_286 = arith.cmpi ne, %convert_element_type3A_284, %cond3A_285 : i32
      scf.if %cond3A_286 {
        %dma_wait3A_297 = arith.constant 0 : i32
        %dma_wait3A_298 = arith.constant 0 : i32
        %dma_wait3A_299 = tpu.memref_slice %arg3[%add3A, %dma_wait3A_297, %dma_wait3A_298] : memref<32x126x80xi32, #tpu.memory_space<hbm>> -> memref<1x1x80xi32, #tpu.memory_space<hbm>>
        %dma_wait3A_300 = tpu.memref_squeeze %dma_wait3A_299 : memref<1x1x80xi32, #tpu.memory_space<hbm>> -> memref<80xi32, #tpu.memory_space<hbm>>
        %dma_wait3A_301 = arith.constant 0 : i32
        %dma_wait3A_302 = tpu.memref_slice %arg3[%add3A, %dma_wait3A_297, %dma_wait3A_301] : memref<32x126x80xi32, #tpu.memory_space<hbm>> -> memref<1x1x80xi32, #tpu.memory_space<hbm>>
        %dma_wait3A_303 = tpu.memref_squeeze %dma_wait3A_302 : memref<1x1x80xi32, #tpu.memory_space<hbm>> -> memref<80xi32, #tpu.memory_space<hbm>>
        tpu.wait_dma2 semaphore(%arg24 : memref<!tpu.dma_semaphore, #tpu.memory_space<semaphore_mem>>) src(%dma_wait3A_303 : memref<80xi32, #tpu.memory_space<hbm>>) dst(%arg8 : memref<80xi32, #tpu.memory_space<vmem>>)
        %dma_wait3A_304 = arith.constant 0 : i32
        %dma_wait3A_305 = arith.constant 0 : i32
        %dma_wait3A_306 = tpu.memref_slice %arg4[%add3A, %dma_wait3A_304, %dma_wait3A_305] : memref<32x126x80xi32, #tpu.memory_space<hbm>> -> memref<1x1x80xi32, #tpu.memory_space<hbm>>
        %dma_wait3A_307 = tpu.memref_squeeze %dma_wait3A_306 : memref<1x1x80xi32, #tpu.memory_space<hbm>> -> memref<80xi32, #tpu.memory_space<hbm>>
        %dma_wait3A_308 = arith.constant 0 : i32
        %dma_wait3A_309 = tpu.memref_slice %arg4[%add3A, %dma_wait3A_304, %dma_wait3A_308] : memref<32x126x80xi32, #tpu.memory_space<hbm>> -> memref<1x1x80xi32, #tpu.memory_space<hbm>>
        %dma_wait3A_310 = tpu.memref_squeeze %dma_wait3A_309 : memref<1x1x80xi32, #tpu.memory_space<hbm>> -> memref<80xi32, #tpu.memory_space<hbm>>
        tpu.wait_dma2 semaphore(%arg24 : memref<!tpu.dma_semaphore, #tpu.memory_space<semaphore_mem>>) src(%dma_wait3A_310 : memref<80xi32, #tpu.memory_space<hbm>>) dst(%arg14 : memref<80xi32, #tpu.memory_space<vmem>>)
        %dma_start3A_311 = arith.constant 0 : i32
        %dma_start3A_312 = arith.constant 0 : i32
        %dma_start3A_313 = tpu.memref_slice %arg2[%dma_start3A_311, %dma_start3A_312] : memref<10000x128xf32, #tpu.memory_space<hbm>> -> memref<10000x128xf32, #tpu.memory_space<hbm>>
        tpu.enqueue_indirect_dma source(%dma_start3A_313 : memref<10000x128xf32, #tpu.memory_space<hbm>>) target(%arg20 : memref<80x128xf32, #tpu.memory_space<vmem>>) offsets(%arg8 : memref<80xi32, #tpu.memory_space<vmem>>) semaphore(%arg30 : memref<!tpu.dma_semaphore, #tpu.memory_space<semaphore_mem>>)
      } else {
      }
      %add3A_287 = arith.constant 6 : i32
      %add3A_288 = arith.addi %add3A_268, %add3A_287 : i32
      %sub3A_289 = arith.constant 2 : i32
      %sub3A_290 = arith.subi %add3A_288, %sub3A_289 : i32
      %lt3A_291 = arith.constant 126 : i32
      %lt3A_292 = arith.cmpi slt, %sub3A_290, %lt3A_291 : i32
      %convert_element_type3A_293 = arith.extui %lt3A_292 : i1 to i32
      %cond3A_294 = arith.constant 0 : i32
      %cond3A_295 = arith.cmpi ne, %convert_element_type3A_293, %cond3A_294 : i32
      scf.if %cond3A_295 {
        %add3A_297 = arith.constant 6 : i32
        %add3A_298 = arith.addi %add3A_268, %add3A_297 : i32
        %sub3A_299 = arith.constant 2 : i32
        %sub3A_300 = arith.subi %add3A_298, %sub3A_299 : i32
        %dma_start3A_301 = arith.constant 0 : i32
        %dma_start3A_302 = tpu.memref_slice %arg3[%add3A, %sub3A_300, %dma_start3A_301] : memref<32x126x80xi32, #tpu.memory_space<hbm>> -> memref<1x1x80xi32, #tpu.memory_space<hbm>>
        %dma_start3A_303 = tpu.memref_squeeze %dma_start3A_302 : memref<1x1x80xi32, #tpu.memory_space<hbm>> -> memref<80xi32, #tpu.memory_space<hbm>>
        %dma_start3A_304 = arith.constant 0 : i32
        %dma_start3A_305 = tpu.memref_slice %arg3[%add3A, %sub3A_300, %dma_start3A_304] : memref<32x126x80xi32, #tpu.memory_space<hbm>> -> memref<1x1x80xi32, #tpu.memory_space<hbm>>
        %dma_start3A_306 = tpu.memref_squeeze %dma_start3A_305 : memref<1x1x80xi32, #tpu.memory_space<hbm>> -> memref<80xi32, #tpu.memory_space<hbm>>
        tpu.enqueue_dma source(%dma_start3A_306 : memref<80xi32, #tpu.memory_space<hbm>>) target(%arg10 : memref<80xi32, #tpu.memory_space<vmem>>) target_semaphore(%arg26 : memref<!tpu.dma_semaphore, #tpu.memory_space<semaphore_mem>>)
        %dma_start3A_307 = arith.constant 0 : i32
        %dma_start3A_308 = tpu.memref_slice %arg4[%add3A, %sub3A_300, %dma_start3A_307] : memref<32x126x80xi32, #tpu.memory_space<hbm>> -> memref<1x1x80xi32, #tpu.memory_space<hbm>>
        %dma_start3A_309 = tpu.memref_squeeze %dma_start3A_308 : memref<1x1x80xi32, #tpu.memory_space<hbm>> -> memref<80xi32, #tpu.memory_space<hbm>>
        %dma_start3A_310 = arith.constant 0 : i32
        %dma_start3A_311 = tpu.memref_slice %arg4[%add3A, %sub3A_300, %dma_start3A_310] : memref<32x126x80xi32, #tpu.memory_space<hbm>> -> memref<1x1x80xi32, #tpu.memory_space<hbm>>
        %dma_start3A_312 = tpu.memref_squeeze %dma_start3A_311 : memref<1x1x80xi32, #tpu.memory_space<hbm>> -> memref<80xi32, #tpu.memory_space<hbm>>
        tpu.enqueue_dma source(%dma_start3A_312 : memref<80xi32, #tpu.memory_space<hbm>>) target(%arg16 : memref<80xi32, #tpu.memory_space<vmem>>) target_semaphore(%arg26 : memref<!tpu.dma_semaphore, #tpu.memory_space<semaphore_mem>>)
      } else {
      }
      %scan3A_296 = arith.constant 0 : i32
      scf.yield %scan3A_296 : i32
    }
    %scan3A_101 = arith.constant 21 : i32
    %dma_wait3A_102 = arith.constant 0 : i32
    %dma_wait3A_103 = arith.constant 0 : i32
    %dma_wait3A_104 = tpu.memref_slice %arg22[%dma_wait3A_102, %dma_wait3A_103] : memref<10064x128xf32, #tpu.memory_space<vmem_shared>> -> memref<10064x128xf32, #tpu.memory_space<vmem_shared>>
    tpu.wait_indirect_dma semaphore(%arg34 : memref<!tpu.dma_semaphore, #tpu.memory_space<semaphore_mem>>) src(%arg21 : memref<80x128xf32, #tpu.memory_space<vmem>>) dst(%dma_wait3A_104 : memref<10064x128xf32, #tpu.memory_space<vmem_shared>>)
    %barrier3A_105 = arith.constant 0 : index
    tpu.barrier barrier_id(%barrier3A_105)
    %scan3A_106 = arith.constant 0 : i32
    %scan3A_107 = arith.constant 0 : i32
    %scan3A_108 = arith.constant 8 : i32
    %scan3A_109 = arith.addi %scan3A_107, %scan3A_108 : i32
    %scan3A_110 = arith.constant 1 : i32
    %scan3A_111 = scf.for %scan3A_113 = %scan3A_107 to %scan3A_109 step %scan3A_110 iter_args(%scan3A_114 = %scan3A_106) -> (i32)  : i32 {
      %mul3A_115 = arith.constant 16 : i32
      %mul3A_116 = arith.muli %scan3A_113, %mul3A_115 : i32
      %add3A_117 = arith.addi %mul3A_116, %arg1 : i32
      %lt3A = arith.constant 125 : i32
      %lt3A_118 = arith.cmpi slt, %add3A_117, %lt3A : i32
      %convert_element_type3A = arith.extui %lt3A_118 : i1 to i32
      %cond3A = arith.constant 0 : i32
      %cond3A_119 = arith.cmpi ne, %convert_element_type3A, %cond3A : i32
      scf.if %cond3A_119 {
        %mul3A_121 = arith.constant 80 : i32
        %mul3A_122 = arith.muli %add3A_117, %mul3A_121 : i32
        %mul3A_123 = arith.constant 80 : i32
        %mul3A_124 = arith.muli %add3A_117, %mul3A_123 : i32
        "tpu.region"() ({
          %run_scoped3A = tpu.sem_alloc : memref<!tpu.dma_semaphore, #tpu.memory_space<semaphore_mem>>
          %dma_start3A_125 = arith.constant 0 : i32
          %dma_start3A_126 = tpu.memref_slice %arg6[%arg0, %mul3A_124, %dma_start3A_125] : memref<2x10000x128xf32, #tpu.memory_space<hbm>> -> memref<1x80x128xf32, #tpu.memory_space<hbm>>
          %dma_start3A_127 = tpu.memref_squeeze %dma_start3A_126 : memref<1x80x128xf32, #tpu.memory_space<hbm>> -> memref<80x128xf32, #tpu.memory_space<hbm>>
          %dma_start3A_128 = arith.constant 0 : i32
          %dma_start3A_129 = tpu.memref_slice %arg22[%mul3A_122, %dma_start3A_128] : memref<10064x128xf32, #tpu.memory_space<vmem_shared>> -> memref<80x128xf32, #tpu.memory_space<vmem_shared>>
          tpu.enqueue_dma source(%dma_start3A_129 : memref<80x128xf32, #tpu.memory_space<vmem_shared>>) target(%dma_start3A_127 : memref<80x128xf32, #tpu.memory_space<hbm>>) target_semaphore(%run_scoped3A : memref<!tpu.dma_semaphore, #tpu.memory_space<semaphore_mem>>)
          %dma_wait3A_130 = arith.constant 0 : i32
          %dma_wait3A_131 = tpu.memref_slice %arg6[%arg0, %mul3A_124, %dma_wait3A_130] : memref<2x10000x128xf32, #tpu.memory_space<hbm>> -> memref<1x80x128xf32, #tpu.memory_space<hbm>>
          %dma_wait3A_132 = tpu.memref_squeeze %dma_wait3A_131 : memref<1x80x128xf32, #tpu.memory_space<hbm>> -> memref<80x128xf32, #tpu.memory_space<hbm>>
          %dma_wait3A_133 = arith.constant 0 : i32
          %dma_wait3A_134 = tpu.memref_slice %arg22[%mul3A_122, %dma_wait3A_133] : memref<10064x128xf32, #tpu.memory_space<vmem_shared>> -> memref<80x128xf32, #tpu.memory_space<vmem_shared>>
          tpu.wait_dma2 semaphore(%run_scoped3A : memref<!tpu.dma_semaphore, #tpu.memory_space<semaphore_mem>>) src(%dma_wait3A_134 : memref<80x128xf32, #tpu.memory_space<vmem_shared>>) dst(%dma_wait3A_132 : memref<80x128xf32, #tpu.memory_space<hbm>>)
          tpu.yield
        }) : () -> ()
      } else {
      }
      %scan3A_120 = arith.constant 0 : i32
      scf.yield %scan3A_120 : i32
    }
    %scan3A_112 = arith.constant 8 : i32
    return
  }
}

module attributes {stable_mosaic.version = 14 : i64} {
  func.func @_mm_body(%arg0: i32, %arg1: memref<1000x128xf32, #tpu.memory_space<vmem>>, %arg2: memref<128x128xf32, #tpu.memory_space<vmem>>, %arg3: memref<1000x128xf32, #tpu.memory_space<vmem>>) attributes {dimension_semantics = [#tpu.dimension_semantics<arbitrary>], iteration_bounds = array<i64: 10>, scalar_prefetch = 0 : i64, scratch_operands = 0 : i64, tpu.core_type = #tpu.core_type<tc>, window_params = [{transform_indices = @transform_0, window_bounds = array<i64: 1000, 128>}, {pipeline_mode = #tpu.pipeline_mode<synchronous>, transform_indices = @transform_1, window_bounds = array<i64: 128, 128>}, {transform_indices = @transform_2, window_bounds = array<i64: 1000, 128>}]} {
    %get3A = arith.constant 0 : index
    %get3A_0 = arith.constant 0 : index
    %get3A_1 = vector.load %arg1[%get3A, %get3A_0] : memref<1000x128xf32, #tpu.memory_space<vmem>>, vector<1000x128xf32>
    %get3A_2 = arith.constant 0 : index
    %get3A_3 = arith.constant 0 : index
    %get3A_4 = vector.load %arg2[%get3A_2, %get3A_3] : memref<128x128xf32, #tpu.memory_space<vmem>>, vector<128x128xf32>
    %dot_general3A = arith.constant dense<0.000000e+00> : vector<1000x128xf32>
    %dot_general3A_5 = tpu.matmul %get3A_1, %get3A_4, %dot_general3A {dimension_numbers = #tpu.dot_dimension_numbers<[1], [0], [0], [1], [0, 0, 1, 1], [], []>, transpose_lhs_hint = false} : vector<1000x128xf32>, vector<128x128xf32>, vector<1000x128xf32> -> vector<1000x128xf32>
    %swap3A = arith.constant 0 : index
    %swap3A_6 = arith.constant 0 : index
    %swap3A_7 = vector.load %arg3[%swap3A, %swap3A_6] : memref<1000x128xf32, #tpu.memory_space<vmem>>, vector<1000x128xf32>
    tpu.vector_store %arg3[%swap3A, %swap3A_6], %dot_general3A_5 {strides = array<i32>} : memref<1000x128xf32, #tpu.memory_space<vmem>>, vector<1000x128xf32>,
    return
  }
  func.func @transform_0(%arg0: i32) -> (i32, i32) {
    %c0_i32 = arith.constant 0 : i32
    %c0_i32_0 = arith.constant 0 : i32
    return %arg0, %c0_i32 : i32, i32
  }
  func.func @transform_1(%arg0: i32) -> (i32, i32) {
    %c0_i32 = arith.constant 0 : i32
    %c0_i32_0 = arith.constant 0 : i32
    %c0_i32_1 = arith.constant 0 : i32
    return %c0_i32, %c0_i32_0 : i32, i32
  }
  func.func @transform_2(%arg0: i32) -> (i32, i32) {
    %c0_i32 = arith.constant 0 : i32
    %c0_i32_0 = arith.constant 0 : i32
    return %arg0, %c0_i32 : i32, i32
  }
}

module attributes {stable_mosaic.version = 14 : i64} {
  func.func @_gate_body(%arg0: i32, %arg1: memref<1x1000x128xf32, #tpu.memory_space<vmem>>, %arg2: memref<1x1000x128xf32, #tpu.memory_space<vmem>>, %arg3: memref<1000x1xf32, #tpu.memory_space<vmem>>, %arg4: memref<1x128xf32, #tpu.memory_space<vmem>>, %arg5: memref<128x1xf32, #tpu.memory_space<vmem>>, %arg6: memref<1x1xf32, #tpu.memory_space<vmem>>, %arg7: memref<1000x128xf32, #tpu.memory_space<vmem>>, %arg8: memref<128x128xf32, #tpu.memory_space<vmem>>, %arg9: memref<1000x1xf32, #tpu.memory_space<vmem>>, %arg10: memref<1000x128xf32, #tpu.memory_space<vmem>>, %arg11: memref<1000x128xf32, #tpu.memory_space<vmem>>) attributes {dimension_semantics = [#tpu.dimension_semantics<arbitrary>], iteration_bounds = array<i64: 10>, scalar_prefetch = 0 : i64, scratch_operands = 0 : i64, tpu.core_type = #tpu.core_type<tc>, window_params = [{transform_indices = @transform_0, window_bounds = array<i64: 1, 1000, 128>}, {transform_indices = @transform_1, window_bounds = array<i64: 1, 1000, 128>}, {transform_indices = @transform_2, window_bounds = array<i64: 1000, 1>}, {pipeline_mode = #tpu.pipeline_mode<synchronous>, transform_indices = @transform_3, window_bounds = array<i64: 1, 128>}, {pipeline_mode = #tpu.pipeline_mode<synchronous>, transform_indices = @transform_4, window_bounds = array<i64: 128, 1>}, {pipeline_mode = #tpu.pipeline_mode<synchronous>, transform_indices = @transform_5, window_bounds = array<i64: 1, 1>}, {transform_indices = @transform_6, window_bounds = array<i64: 1000, 128>}, {pipeline_mode = #tpu.pipeline_mode<synchronous>, transform_indices = @transform_7, window_bounds = array<i64: 128, 128>}, {transform_indices = @transform_8, window_bounds = array<i64: 1000, 1>}, {transform_indices = @transform_9, window_bounds = array<i64: 1000, 128>}, {transform_indices = @transform_10, window_bounds = array<i64: 1000, 128>}]} {
    %get3A = arith.constant 0 : index
    %get3A_0 = arith.constant 0 : index
    %get3A_1 = arith.constant 0 : index
    %get3A_2 = vector.load %arg1[%get3A, %get3A_0, %get3A_1] : memref<1x1000x128xf32, #tpu.memory_space<vmem>>, vector<1x1000x128xf32>
    %get3A_3 = vector.shape_cast %get3A_2 : vector<1x1000x128xf32> to vector<1000x128xf32>
    %get3A_4 = arith.constant 0 : index
    %get3A_5 = arith.constant 0 : index
    %get3A_6 = arith.constant 0 : index
    %get3A_7 = vector.load %arg2[%get3A_4, %get3A_5, %get3A_6] : memref<1x1000x128xf32, #tpu.memory_space<vmem>>, vector<1x1000x128xf32>
    %get3A_8 = vector.shape_cast %get3A_7 : vector<1x1000x128xf32> to vector<1000x128xf32>
    %add3A = arith.addf %get3A_3, %get3A_8 : vector<1000x128xf32>
    %get3A_9 = arith.constant 0 : index
    %get3A_10 = arith.constant 0 : index
    %get3A_11 = vector.load %arg3[%get3A_9, %get3A_10] : memref<1000x1xf32, #tpu.memory_space<vmem>>, vector<1000x1xf32>
    %div3A = vector.broadcast %get3A_11 : vector<1000x1xf32> to vector<1000x128xf32>
    %div3A_12 = arith.divf %add3A, %div3A : vector<1000x128xf32>
    %get3A_13 = arith.constant 0 : index
    %get3A_14 = arith.constant 0 : index
    %get3A_15 = vector.load %arg4[%get3A_13, %get3A_14] : memref<1x128xf32, #tpu.memory_space<vmem>>, vector<1x128xf32>
    %add3A_16 = vector.broadcast %get3A_15 : vector<1x128xf32> to vector<1000x128xf32>
    %add3A_17 = arith.addf %div3A_12, %add3A_16 : vector<1000x128xf32>
    %tanh3A = math.tanh %add3A_17 : vector<1000x128xf32>
    %get3A_18 = arith.constant 0 : index
    %get3A_19 = arith.constant 0 : index
    %get3A_20 = vector.load %arg5[%get3A_18, %get3A_19] : memref<128x1xf32, #tpu.memory_space<vmem>>, vector<128x1xf32>
    %dot_general3A = arith.constant dense<0.000000e+00> : vector<1000x1xf32>
    %dot_general3A_21 = tpu.matmul %tanh3A, %get3A_20, %dot_general3A {dimension_numbers = #tpu.dot_dimension_numbers<[1], [0], [0], [1], [0, 0, 1, 1], [], []>, transpose_lhs_hint = false} : vector<1000x128xf32>, vector<128x1xf32>, vector<1000x1xf32> -> vector<1000x1xf32>
    %get3A_22 = arith.constant 0 : index
    %get3A_23 = arith.constant 0 : index
    %get3A_24 = vector.load %arg6[%get3A_22, %get3A_23] : memref<1x1xf32, #tpu.memory_space<vmem>>, vector<1x1xf32>
    %add3A_25 = vector.broadcast %get3A_24 : vector<1x1xf32> to vector<1000x1xf32>
    %add3A_26 = arith.addf %dot_general3A_21, %add3A_25 : vector<1000x1xf32>
    %logistic3A = arith.negf %add3A_26 : vector<1000x1xf32>
    %logistic3A_27 = math.exp %logistic3A : vector<1000x1xf32>
    %logistic3A_28 = arith.constant 1.000000e+00 : f32
    %logistic3A_29 = vector.broadcast %logistic3A_28 : f32 to vector<1000x1xf32>
    %logistic3A_30 = arith.addf %logistic3A_29, %logistic3A_27 : vector<1000x1xf32>
    %logistic3A_31 = arith.divf %logistic3A_29, %logistic3A_30 : vector<1000x1xf32>
    %sub3A = arith.constant 1.000000e+00 : f32
    %sub3A_32 = vector.broadcast %sub3A : f32 to vector<1000x1xf32>
    %sub3A_33 = arith.subf %sub3A_32, %logistic3A_31 : vector<1000x1xf32>
    %get3A_34 = arith.constant 0 : index
    %get3A_35 = arith.constant 0 : index
    %get3A_36 = vector.load %arg7[%get3A_34, %get3A_35] : memref<1000x128xf32, #tpu.memory_space<vmem>>, vector<1000x128xf32>
    %mul3A = vector.broadcast %sub3A_33 : vector<1000x1xf32> to vector<1000x128xf32>
    %mul3A_37 = arith.mulf %mul3A, %get3A_36 : vector<1000x128xf32>
    %mul3A_38 = vector.broadcast %logistic3A_31 : vector<1000x1xf32> to vector<1000x128xf32>
    %mul3A_39 = arith.mulf %mul3A_38, %tanh3A : vector<1000x128xf32>
    %add3A_40 = arith.addf %mul3A_37, %mul3A_39 : vector<1000x128xf32>
    %swap3A = arith.constant 0 : index
    %swap3A_41 = arith.constant 0 : index
    %swap3A_42 = vector.load %arg9[%swap3A, %swap3A_41] : memref<1000x1xf32, #tpu.memory_space<vmem>>, vector<1000x1xf32>
    tpu.vector_store %arg9[%swap3A, %swap3A_41], %logistic3A_31 {strides = array<i32>} : memref<1000x1xf32, #tpu.memory_space<vmem>>, vector<1000x1xf32>,
    %swap3A_43 = arith.constant 0 : index
    %swap3A_44 = arith.constant 0 : index
    %swap3A_45 = vector.load %arg10[%swap3A_43, %swap3A_44] : memref<1000x128xf32, #tpu.memory_space<vmem>>, vector<1000x128xf32>
    tpu.vector_store %arg10[%swap3A_43, %swap3A_44], %add3A_40 {strides = array<i32>} : memref<1000x128xf32, #tpu.memory_space<vmem>>, vector<1000x128xf32>,
    %get3A_46 = arith.constant 0 : index
    %get3A_47 = arith.constant 0 : index
    %get3A_48 = vector.load %arg8[%get3A_46, %get3A_47] : memref<128x128xf32, #tpu.memory_space<vmem>>, vector<128x128xf32>
    %dot_general3A_49 = arith.constant dense<0.000000e+00> : vector<1000x128xf32>
    %dot_general3A_50 = tpu.matmul %add3A_40, %get3A_48, %dot_general3A_49 {dimension_numbers = #tpu.dot_dimension_numbers<[1], [0], [0], [1], [0, 0, 1, 1], [], []>, transpose_lhs_hint = false} : vector<1000x128xf32>, vector<128x128xf32>, vector<1000x128xf32> -> vector<1000x128xf32>
    %swap3A_51 = arith.constant 0 : index
    %swap3A_52 = arith.constant 0 : index
    %swap3A_53 = vector.load %arg11[%swap3A_51, %swap3A_52] : memref<1000x128xf32, #tpu.memory_space<vmem>>, vector<1000x128xf32>
    tpu.vector_store %arg11[%swap3A_51, %swap3A_52], %dot_general3A_50 {strides = array<i32>} : memref<1000x128xf32, #tpu.memory_space<vmem>>, vector<1000x128xf32>,
    return
  }
  func.func @transform_0(%arg0: i32) -> (i32, i32, i32) {
    %c0_i32 = arith.constant 0 : i32
    %c0_i32_0 = arith.constant 0 : i32
    %c0_i32_1 = arith.constant 0 : i32
    return %c0_i32, %arg0, %c0_i32_0 : i32, i32, i32
  }
  func.func @transform_1(%arg0: i32) -> (i32, i32, i32) {
    %c1_i32 = arith.constant 1 : i32
    %c0_i32 = arith.constant 0 : i32
    %c0_i32_0 = arith.constant 0 : i32
    return %c1_i32, %arg0, %c0_i32 : i32, i32, i32
  }
  func.func @transform_2(%arg0: i32) -> (i32, i32) {
    %c0_i32 = arith.constant 0 : i32
    %c0_i32_0 = arith.constant 0 : i32
    return %arg0, %c0_i32 : i32, i32
  }
  func.func @transform_3(%arg0: i32) -> (i32, i32) {
    %c0_i32 = arith.constant 0 : i32
    %c0_i32_0 = arith.constant 0 : i32
    %c0_i32_1 = arith.constant 0 : i32
    return %c0_i32, %c0_i32_0 : i32, i32
  }
  func.func @transform_4(%arg0: i32) -> (i32, i32) {
    %c0_i32 = arith.constant 0 : i32
    %c0_i32_0 = arith.constant 0 : i32
    %c0_i32_1 = arith.constant 0 : i32
    return %c0_i32, %c0_i32_0 : i32, i32
  }
  func.func @transform_5(%arg0: i32) -> (i32, i32) {
    %c0_i32 = arith.constant 0 : i32
    %c0_i32_0 = arith.constant 0 : i32
    %c0_i32_1 = arith.constant 0 : i32
    return %c0_i32, %c0_i32_0 : i32, i32
  }
  func.func @transform_6(%arg0: i32) -> (i32, i32) {
    %c0_i32 = arith.constant 0 : i32
    %c0_i32_0 = arith.constant 0 : i32
    return %arg0, %c0_i32 : i32, i32
  }
  func.func @transform_7(%arg0: i32) -> (i32, i32) {
    %c0_i32 = arith.constant 0 : i32
    %c0_i32_0 = arith.constant 0 : i32
    %c0_i32_1 = arith.constant 0 : i32
    return %c0_i32, %c0_i32_0 : i32, i32
  }
  func.func @transform_8(%arg0: i32) -> (i32, i32) {
    %c0_i32 = arith.constant 0 : i32
    %c0_i32_0 = arith.constant 0 : i32
    return %arg0, %c0_i32 : i32, i32
  }
  func.func @transform_9(%arg0: i32) -> (i32, i32) {
    %c0_i32 = arith.constant 0 : i32
    %c0_i32_0 = arith.constant 0 : i32
    return %arg0, %c0_i32 : i32, i32
  }
  func.func @transform_10(%arg0: i32) -> (i32, i32) {
    %c0_i32 = arith.constant 0 : i32
    %c0_i32_0 = arith.constant 0 : i32
    return %arg0, %c0_i32 : i32, i32
  }
}

module attributes {stable_mosaic.version = 14 : i64} {
  func.func @_final_body(%arg0: i32, %arg1: memref<1x1000x128xf32, #tpu.memory_space<vmem>>, %arg2: memref<1x1000x128xf32, #tpu.memory_space<vmem>>, %arg3: memref<1000x1xf32, #tpu.memory_space<vmem>>, %arg4: memref<1x128xf32, #tpu.memory_space<vmem>>, %arg5: memref<128x1xf32, #tpu.memory_space<vmem>>, %arg6: memref<1x1xf32, #tpu.memory_space<vmem>>, %arg7: memref<1000x128xf32, #tpu.memory_space<vmem>>, %arg8: memref<1x128xf32, #tpu.memory_space<vmem>>, %arg9: memref<1x128xf32, #tpu.memory_space<vmem>>, %arg10: memref<1x128xf32, #tpu.memory_space<vmem>>, %arg11: memref<128x919xf32, #tpu.memory_space<vmem>>, %arg12: memref<1x919xf32, #tpu.memory_space<vmem>>, %arg13: memref<1000x1xf32, #tpu.memory_space<vmem>>, %arg14: memref<1000x919xf32, #tpu.memory_space<vmem>>) attributes {dimension_semantics = [#tpu.dimension_semantics<arbitrary>], iteration_bounds = array<i64: 10>, scalar_prefetch = 0 : i64, scratch_operands = 0 : i64, tpu.core_type = #tpu.core_type<tc>, window_params = [{transform_indices = @transform_0, window_bounds = array<i64: 1, 1000, 128>}, {transform_indices = @transform_1, window_bounds = array<i64: 1, 1000, 128>}, {transform_indices = @transform_2, window_bounds = array<i64: 1000, 1>}, {pipeline_mode = #tpu.pipeline_mode<synchronous>, transform_indices = @transform_3, window_bounds = array<i64: 1, 128>}, {pipeline_mode = #tpu.pipeline_mode<synchronous>, transform_indices = @transform_4, window_bounds = array<i64: 128, 1>}, {pipeline_mode = #tpu.pipeline_mode<synchronous>, transform_indices = @transform_5, window_bounds = array<i64: 1, 1>}, {transform_indices = @transform_6, window_bounds = array<i64: 1000, 128>}, {pipeline_mode = #tpu.pipeline_mode<synchronous>, transform_indices = @transform_7, window_bounds = array<i64: 1, 128>}, {pipeline_mode = #tpu.pipeline_mode<synchronous>, transform_indices = @transform_8, window_bounds = array<i64: 1, 128>}, {pipeline_mode = #tpu.pipeline_mode<synchronous>, transform_indices = @transform_9, window_bounds = array<i64: 1, 128>}, {pipeline_mode = #tpu.pipeline_mode<synchronous>, transform_indices = @transform_10, window_bounds = array<i64: 128, 919>}, {pipeline_mode = #tpu.pipeline_mode<synchronous>, transform_indices = @transform_11, window_bounds = array<i64: 1, 919>}, {transform_indices = @transform_12, window_bounds = array<i64: 1000, 1>}, {transform_indices = @transform_13, window_bounds = array<i64: 1000, 919>}]} {
    %get3A = arith.constant 0 : index
    %get3A_0 = arith.constant 0 : index
    %get3A_1 = arith.constant 0 : index
    %get3A_2 = vector.load %arg1[%get3A, %get3A_0, %get3A_1] : memref<1x1000x128xf32, #tpu.memory_space<vmem>>, vector<1x1000x128xf32>
    %get3A_3 = vector.shape_cast %get3A_2 : vector<1x1000x128xf32> to vector<1000x128xf32>
    %get3A_4 = arith.constant 0 : index
    %get3A_5 = arith.constant 0 : index
    %get3A_6 = arith.constant 0 : index
    %get3A_7 = vector.load %arg2[%get3A_4, %get3A_5, %get3A_6] : memref<1x1000x128xf32, #tpu.memory_space<vmem>>, vector<1x1000x128xf32>
    %get3A_8 = vector.shape_cast %get3A_7 : vector<1x1000x128xf32> to vector<1000x128xf32>
    %add3A = arith.addf %get3A_3, %get3A_8 : vector<1000x128xf32>
    %get3A_9 = arith.constant 0 : index
    %get3A_10 = arith.constant 0 : index
    %get3A_11 = vector.load %arg3[%get3A_9, %get3A_10] : memref<1000x1xf32, #tpu.memory_space<vmem>>, vector<1000x1xf32>
    %div3A = vector.broadcast %get3A_11 : vector<1000x1xf32> to vector<1000x128xf32>
    %div3A_12 = arith.divf %add3A, %div3A : vector<1000x128xf32>
    %get3A_13 = arith.constant 0 : index
    %get3A_14 = arith.constant 0 : index
    %get3A_15 = vector.load %arg4[%get3A_13, %get3A_14] : memref<1x128xf32, #tpu.memory_space<vmem>>, vector<1x128xf32>
    %add3A_16 = vector.broadcast %get3A_15 : vector<1x128xf32> to vector<1000x128xf32>
    %add3A_17 = arith.addf %div3A_12, %add3A_16 : vector<1000x128xf32>
    %tanh3A = math.tanh %add3A_17 : vector<1000x128xf32>
    %get3A_18 = arith.constant 0 : index
    %get3A_19 = arith.constant 0 : index
    %get3A_20 = vector.load %arg5[%get3A_18, %get3A_19] : memref<128x1xf32, #tpu.memory_space<vmem>>, vector<128x1xf32>
    %dot_general3A = arith.constant dense<0.000000e+00> : vector<1000x1xf32>
    %dot_general3A_21 = tpu.matmul %tanh3A, %get3A_20, %dot_general3A {dimension_numbers = #tpu.dot_dimension_numbers<[1], [0], [0], [1], [0, 0, 1, 1], [], []>, transpose_lhs_hint = false} : vector<1000x128xf32>, vector<128x1xf32>, vector<1000x1xf32> -> vector<1000x1xf32>
    %get3A_22 = arith.constant 0 : index
    %get3A_23 = arith.constant 0 : index
    %get3A_24 = vector.load %arg6[%get3A_22, %get3A_23] : memref<1x1xf32, #tpu.memory_space<vmem>>, vector<1x1xf32>
    %add3A_25 = vector.broadcast %get3A_24 : vector<1x1xf32> to vector<1000x1xf32>
    %add3A_26 = arith.addf %dot_general3A_21, %add3A_25 : vector<1000x1xf32>
    %logistic3A = arith.negf %add3A_26 : vector<1000x1xf32>
    %logistic3A_27 = math.exp %logistic3A : vector<1000x1xf32>
    %logistic3A_28 = arith.constant 1.000000e+00 : f32
    %logistic3A_29 = vector.broadcast %logistic3A_28 : f32 to vector<1000x1xf32>
    %logistic3A_30 = arith.addf %logistic3A_29, %logistic3A_27 : vector<1000x1xf32>
    %logistic3A_31 = arith.divf %logistic3A_29, %logistic3A_30 : vector<1000x1xf32>
    %sub3A = arith.constant 1.000000e+00 : f32
    %sub3A_32 = vector.broadcast %sub3A : f32 to vector<1000x1xf32>
    %sub3A_33 = arith.subf %sub3A_32, %logistic3A_31 : vector<1000x1xf32>
    %get3A_34 = arith.constant 0 : index
    %get3A_35 = arith.constant 0 : index
    %get3A_36 = vector.load %arg7[%get3A_34, %get3A_35] : memref<1000x128xf32, #tpu.memory_space<vmem>>, vector<1000x128xf32>
    %mul3A = vector.broadcast %sub3A_33 : vector<1000x1xf32> to vector<1000x128xf32>
    %mul3A_37 = arith.mulf %mul3A, %get3A_36 : vector<1000x128xf32>
    %mul3A_38 = vector.broadcast %logistic3A_31 : vector<1000x1xf32> to vector<1000x128xf32>
    %mul3A_39 = arith.mulf %mul3A_38, %tanh3A : vector<1000x128xf32>
    %add3A_40 = arith.addf %mul3A_37, %mul3A_39 : vector<1000x128xf32>
    %max3A = arith.constant 0.000000e+00 : f32
    %max3A_41 = vector.broadcast %max3A : f32 to vector<1000x128xf32>
    %max3A_42 = arith.maximumf %add3A_40, %max3A_41 : vector<1000x128xf32>
    %get3A_43 = arith.constant 0 : index
    %get3A_44 = arith.constant 0 : index
    %get3A_45 = vector.load %arg8[%get3A_43, %get3A_44] : memref<1x128xf32, #tpu.memory_space<vmem>>, vector<1x128xf32>
    %sub3A_46 = vector.broadcast %get3A_45 : vector<1x128xf32> to vector<1000x128xf32>
    %sub3A_47 = arith.subf %max3A_42, %sub3A_46 : vector<1000x128xf32>
    %get3A_48 = arith.constant 0 : index
    %get3A_49 = arith.constant 0 : index
    %get3A_50 = vector.load %arg9[%get3A_48, %get3A_49] : memref<1x128xf32, #tpu.memory_space<vmem>>, vector<1x128xf32>
    %mul3A_51 = vector.broadcast %get3A_50 : vector<1x128xf32> to vector<1000x128xf32>
    %mul3A_52 = arith.mulf %sub3A_47, %mul3A_51 : vector<1000x128xf32>
    %get3A_53 = arith.constant 0 : index
    %get3A_54 = arith.constant 0 : index
    %get3A_55 = vector.load %arg10[%get3A_53, %get3A_54] : memref<1x128xf32, #tpu.memory_space<vmem>>, vector<1x128xf32>
    %add3A_56 = vector.broadcast %get3A_55 : vector<1x128xf32> to vector<1000x128xf32>
    %add3A_57 = arith.addf %mul3A_52, %add3A_56 : vector<1000x128xf32>
    %swap3A = arith.constant 0 : index
    %swap3A_58 = arith.constant 0 : index
    %swap3A_59 = vector.load %arg13[%swap3A, %swap3A_58] : memref<1000x1xf32, #tpu.memory_space<vmem>>, vector<1000x1xf32>
    tpu.vector_store %arg13[%swap3A, %swap3A_58], %logistic3A_31 {strides = array<i32>} : memref<1000x1xf32, #tpu.memory_space<vmem>>, vector<1000x1xf32>,
    %get3A_60 = arith.constant 0 : index
    %get3A_61 = arith.constant 0 : index
    %get3A_62 = vector.load %arg11[%get3A_60, %get3A_61] : memref<128x919xf32, #tpu.memory_space<vmem>>, vector<128x919xf32>
    %dot_general3A_63 = arith.constant dense<0.000000e+00> : vector<1000x919xf32>
    %dot_general3A_64 = tpu.matmul %add3A_57, %get3A_62, %dot_general3A_63 {dimension_numbers = #tpu.dot_dimension_numbers<[1], [0], [0], [1], [0, 0, 1, 1], [], []>, transpose_lhs_hint = false} : vector<1000x128xf32>, vector<128x919xf32>, vector<1000x919xf32> -> vector<1000x919xf32>
    %get3A_65 = arith.constant 0 : index
    %get3A_66 = arith.constant 0 : index
    %get3A_67 = vector.load %arg12[%get3A_65, %get3A_66] : memref<1x919xf32, #tpu.memory_space<vmem>>, vector<1x919xf32>
    %add3A_68 = vector.broadcast %get3A_67 : vector<1x919xf32> to vector<1000x919xf32>
    %add3A_69 = arith.addf %dot_general3A_64, %add3A_68 : vector<1000x919xf32>
    %swap3A_70 = arith.constant 0 : index
    %swap3A_71 = arith.constant 0 : index
    %swap3A_72 = vector.load %arg14[%swap3A_70, %swap3A_71] : memref<1000x919xf32, #tpu.memory_space<vmem>>, vector<1000x919xf32>
    tpu.vector_store %arg14[%swap3A_70, %swap3A_71], %add3A_69 {strides = array<i32>} : memref<1000x919xf32, #tpu.memory_space<vmem>>, vector<1000x919xf32>,
    return
  }
  func.func @transform_0(%arg0: i32) -> (i32, i32, i32) {
    %c0_i32 = arith.constant 0 : i32
    %c0_i32_0 = arith.constant 0 : i32
    %c0_i32_1 = arith.constant 0 : i32
    return %c0_i32, %arg0, %c0_i32_0 : i32, i32, i32
  }
  func.func @transform_1(%arg0: i32) -> (i32, i32, i32) {
    %c1_i32 = arith.constant 1 : i32
    %c0_i32 = arith.constant 0 : i32
    %c0_i32_0 = arith.constant 0 : i32
    return %c1_i32, %arg0, %c0_i32 : i32, i32, i32
  }
  func.func @transform_2(%arg0: i32) -> (i32, i32) {
    %c0_i32 = arith.constant 0 : i32
    %c0_i32_0 = arith.constant 0 : i32
    return %arg0, %c0_i32 : i32, i32
  }
  func.func @transform_3(%arg0: i32) -> (i32, i32) {
    %c0_i32 = arith.constant 0 : i32
    %c0_i32_0 = arith.constant 0 : i32
    %c0_i32_1 = arith.constant 0 : i32
    return %c0_i32, %c0_i32_0 : i32, i32
  }
  func.func @transform_4(%arg0: i32) -> (i32, i32) {
    %c0_i32 = arith.constant 0 : i32
    %c0_i32_0 = arith.constant 0 : i32
    %c0_i32_1 = arith.constant 0 : i32
    return %c0_i32, %c0_i32_0 : i32, i32
  }
  func.func @transform_5(%arg0: i32) -> (i32, i32) {
    %c0_i32 = arith.constant 0 : i32
    %c0_i32_0 = arith.constant 0 : i32
    %c0_i32_1 = arith.constant 0 : i32
    return %c0_i32, %c0_i32_0 : i32, i32
  }
  func.func @transform_6(%arg0: i32) -> (i32, i32) {
    %c0_i32 = arith.constant 0 : i32
    %c0_i32_0 = arith.constant 0 : i32
    return %arg0, %c0_i32 : i32, i32
  }
  func.func @transform_7(%arg0: i32) -> (i32, i32) {
    %c0_i32 = arith.constant 0 : i32
    %c0_i32_0 = arith.constant 0 : i32
    %c0_i32_1 = arith.constant 0 : i32
    return %c0_i32, %c0_i32_0 : i32, i32
  }
  func.func @transform_8(%arg0: i32) -> (i32, i32) {
    %c0_i32 = arith.constant 0 : i32
    %c0_i32_0 = arith.constant 0 : i32
    %c0_i32_1 = arith.constant 0 : i32
    return %c0_i32, %c0_i32_0 : i32, i32
  }
  func.func @transform_9(%arg0: i32) -> (i32, i32) {
    %c0_i32 = arith.constant 0 : i32
    %c0_i32_0 = arith.constant 0 : i32
    %c0_i32_1 = arith.constant 0 : i32
    return %c0_i32, %c0_i32_0 : i32, i32
  }
  func.func @transform_10(%arg0: i32) -> (i32, i32) {
    %c0_i32 = arith.constant 0 : i32
    %c0_i32_0 = arith.constant 0 : i32
    %c0_i32_1 = arith.constant 0 : i32
    return %c0_i32, %c0_i32_0 : i32, i32
  }
  func.func @transform_11(%arg0: i32) -> (i32, i32) {
    %c0_i32 = arith.constant 0 : i32
    %c0_i32_0 = arith.constant 0 : i32
    %c0_i32_1 = arith.constant 0 : i32
    return %c0_i32, %c0_i32_0 : i32, i32
  }
  func.func @transform_12(%arg0: i32) -> (i32, i32) {
    %c0_i32 = arith.constant 0 : i32
    %c0_i32_0 = arith.constant 0 : i32
    return %arg0, %c0_i32 : i32, i32
  }
  func.func @transform_13(%arg0: i32) -> (i32, i32) {
    %c0_i32 = arith.constant 0 : i32
    %c0_i32_0 = arith.constant 0 : i32
    return %arg0, %c0_i32 : i32, i32
  }
}

</mosaic_0001>

<sc_bundles>
// kernel: kernel.10.cloned.1.call-start
scs
__scs_entry_jumppad:
0x0: {  	(pc) =	sbr.rel $0x88, $3  }
0x1: {  	(tag) =	ssettag $0x0;
	lr =	simm.s32 $0x1  }
0x2: {  	[smem:$0x3F90] =	sst lr;
	_ =	strace $0xD0000000  }
0x3: {  	_ = 	snop  }
0x4: {  	_ = 	snop  }
0x5: {  	_ = 	snop  }
0x6: {  	_ = 	snop  }
0x7: {  	_ = 	snop  }
__scs_overlays_trampoline_lowered:
0x8: {  	[smem:$0x3F9F] =	sst s0  }
0x9: {  	[smem:$0x3FA0] =	sst s1  }
0xa: {  	[smem:$0x3FA1] =	sst s2  }
0xb: {  	[smem:$0x3FA2] =	sst s3  }
0xc: {  	[smem:$0x3FA3] =	sst s4  }
0xd: {  	[smem:$0x3FA4] =	sst s5  }
0xe: {  	[smem:$0x3FA5] =	sst s6  }
0xf: {  	[smem:$0x3FA6] =	sst s7  }
0x10: {  	[smem:$0x3FA7] =	sst s8  }
0x11: {  	[smem:$0x3FA8] =	sst s9;
	s0 =	simm.s32 @!p0 $0x0  }
0x12: {  	s1 =	sld [smem:$0x3F8E];
	s0 =	simm.s32 @p0 $0x1  }
0x13: {  	[smem:$0x3FA9] =	sst s0;
	s0 =	simm.s32 @!p1 $0x0  }
0x14: {  	s2 =	sld [smem:$0x3F8D];
	s0 =	simm.s32 @p1 $0x1  }
0x15: {  	[smem:$0x3FAA] =	sst s0;
	s0 =	simm.s32 @!p2 $0x0  }
0x16: {  	s3 =	sld [smem:$0x3FDB];
	s0 =	simm.s32 @p2 $0x1  }
0x17: {  	s4 =	simm.s32 $0x1BF5;
	[smem:$0x3FAC] =	sst s0  }
0x18: {  	s0 =	sld [smem:$0x3F8F];
	_ =	swait.ge [sflag:s4], $0x0  }
0x19: {  	s7 =	sld [smem:$0x3F90]  }
0x1a: {  	s8 =	sadd.s32 $0xFFFFE003, lr  }
0x1b: {  	s9 =	sadd.s32 $0xFFFFFEF7, lr;
	s5 =	simm.s32 $0xFFFFFFFF;
	p2 =	slt.u32 s8, $0xFFFFF086  }
0x1c: {  	p1 =	slt.u32 s9, $0xF7A;
	s5 =	simm.s32 @!p2 $0x0  }
0x1d: {  	s5 =	simm.s32 @p1 $0x1;
	p0 =	seq.s32 s7, s2  }
0x1e: {  	s7 =	smul.u32 @!p0 $0xF7A, s2;
	p2 =	seq.s32 @!p0 s5, $0x0  }
0x1f: {  	s9 =	smul.u32 $0xF7A, s1;
	s8 =	simm.s32 @!p0 $0x1BF5;
	p2 =	por !p2, p0  }
0x20: {  	[sflag:s8] =	ssyncset.s32 @!p0 $0xFFFFF086;
	s6 =	sadd.s32 @!p0 s3, s7;
	s7 =	simm.s32 @!p0 $0x108  }
0x21: {  	s3 =	sadd.s32 s3, s9;
	s6 =	sadd.s32 @!p0 $0x88, s6;
	s7 =	simm.s32 @p2 $0x1082  }
0x22: {  	[simem:s7], [sflag:s8] =	dma.local @!p0 [hbm:s6], $0xF7A  }
0x23: {  	s9 =	sor.u32 $0xD0000000, s2;
	s6 =	simm.s32 $0x108;
	_ =	swait.ge @!p0 [sflag:s8], $0x0  }
0x24: {  	s3 =	sadd.s32 $0x88, s3;
	s6 =	simm.s32 @!p1 $0x1082;
	[sflag:s4] =	ssyncset.s32 $0xFFFFF086  }
0x25: {  	[simem:s6], [sflag:s4] =	dma.local [hbm:s3], $0xF7A  }
0x26: {  	[smem:$0x3F90] =	sst s1;
	(tag) =	ssettag s2;
	_ =	strace s9  }
0x27: {  	s1 =	sld [smem:$0x3FA0]  }
0x28: {  	s2 =	sld [smem:$0x3FA1]  }
0x29: {  	s4 =	sld [smem:$0x3FA3]  }
0x2a: {  	p0 =	seq.s32 s5, $0x0;
	s5 =	sld [smem:$0x3FA4]  }
0x2b: {  	s6 =	sld [smem:$0x3FA5]  }
0x2c: {  	s7 =	sld [smem:$0x3FA6]  }
0x2d: {  	s3 =	simm.s32 $0x108;
	s8 =	sld [smem:$0x3FA7]  }
0x2e: {  	s3 =	simm.s32 @!p0 $0x1082;
	s9 =	sld [smem:$0x3FA8]  }
0x2f: {  	lr =	sadd.s32 s0, s3;
	s0 =	sld [smem:$0x3F9F]  }
0x30: {  	s3 =	sld [smem:$0x3FA2]  }
0x31: {  	[smem:$0x3FAB] =	sst s10  }
0x32: {  	s10 =	sld [smem:$0x3FA9];
	_ =	sdelay $0x3  }
0x33: {  	p0 =	seq.s32 s10, $0x1;
	s10 =	sld [smem:$0x3FAB];
	_ =	sdelay $0x3  }
0x34: {  	[smem:$0x3FAB] =	sst s10  }
0x35: {  	s10 =	sld [smem:$0x3FAA];
	_ =	sdelay $0x3  }
0x36: {  	p1 =	seq.s32 s10, $0x1;
	s10 =	sld [smem:$0x3FAB];
	_ =	sdelay $0x3  }
0x37: {  	[smem:$0x3FAB] =	sst s10  }
0x38: {  	s10 =	sld [smem:$0x3FAC]  }
0x39: {  	_ = 	snop;
	(pc) =	sbr.ind lr, $3  }
0x3a: {  	_ = 	snop  }
0x3b: {  	_ = 	snop  }
0x3c: {  	p2 =	seq.s32 s10, $0x1;
	s10 =	sld [smem:$0x3FAB]  }
0x3d: {  	_ =	shalt  }
0x3e: {  	_ =	shalt  }
0x3f: {  	_ =	shalt  }
0x40: {  	_ =	shalt  }
0x41: {  	_ =	shalt  }
0x42: {  	_ =	shalt  }
0x43: {  	_ =	shalt  }
0x44: {  	_ =	shalt  }
0x45: {  	_ =	shalt  }
0x46: {  	_ =	shalt  }
0x47: {  	_ =	shalt  }
0x48: {  	_ =	shalt  }
0x49: {  	_ =	shalt  }
0x4a: {  	_ =	shalt  }
0x4b: {  	_ =	shalt  }
0x4c: {  	_ =	shalt  }
0x4d: {  	_ =	shalt  }
0x4e: {  	_ =	shalt  }
0x4f: {  	_ =	shalt  }
0x50: {  	_ =	shalt  }
0x51: {  	_ =	shalt  }
0x52: {  	_ =	shalt  }
0x53: {  	_ =	shalt  }
0x54: {  	_ =	shalt  }
0x55: {  	_ =	shalt  }
0x56: {  	_ =	shalt  }
0x57: {  	_ =	shalt  }
0x58: {  	_ =	shalt  }
0x59: {  	_ =	shalt  }
0x5a: {  	_ =	shalt  }
0x5b: {  	_ =	shalt  }
0x5c: {  	_ =	shalt  }
0x5d: {  	_ =	shalt  }
0x5e: {  	_ =	shalt  }
0x5f: {  	_ =	shalt  }
0x60: {  	_ =	shalt  }
0x61: {  	_ =	shalt  }
0x62: {  	_ =	shalt  }
0x63: {  	_ =	shalt  }
0x64: {  	_ =	shalt  }
0x65: {  	_ =	shalt  }
0x66: {  	_ =	shalt  }
0x67: {  	_ =	shalt  }
0x68: {  	_ =	shalt  }
0x69: {  	_ =	shalt  }
0x6a: {  	_ =	shalt  }
0x6b: {  	_ =	shalt  }
0x6c: {  	_ =	shalt  }
0x6d: {  	_ =	shalt  }
0x6e: {  	_ =	shalt  }
0x6f: {  	_ =	shalt  }
0x70: {  	_ =	shalt  }
0x71: {  	_ =	shalt  }
0x72: {  	_ =	shalt  }
0x73: {  	_ =	shalt  }
0x74: {  	_ =	shalt  }
0x75: {  	_ =	shalt  }
0x76: {  	_ =	shalt  }
0x77: {  	_ =	shalt  }
0x78: {  	_ =	shalt  }
0x79: {  	_ =	shalt  }
0x7a: {  	_ =	shalt  }
0x7b: {  	_ =	shalt  }
0x7c: {  	_ =	shalt  }
0x7d: {  	_ =	shalt  }
0x7e: {  	_ =	shalt  }
0x7f: {  	_ =	shalt  }
0x80: {  	_ =	shalt  }
0x81: {  	_ =	shalt  }
0x82: {  	_ =	shalt  }
0x83: {  	_ =	shalt  }
0x84: {  	_ =	shalt  }
0x85: {  	_ =	shalt  }
0x86: {  	_ =	shalt  }
0x87: {  	_ =	shalt  }
.Lfunc_end0:
.L_simem_size_0:
called_computation.1_lowered:
.L_overlay_start_0:
0x88: {  	s2 =	sld [smem:$0x3FD9]  }
0x89: {  	s3 =	sld [smem:$0x3FFE];
	_ =	sdelay $0x1  }
0x8a: {  	s1 =	srdreg.scid  }
0x8b: {  	s0 =	sand.u32 $0x1, s1  }
0x8c: {  	s14 =	sshll.u32 s0, $0xA;
	s2 =	sadd.s32 s3, s2  }
0x8d: {  	s2 =	sadd.s32 s2, s14  }
0x8e: {  	[smem:$0x3FB7] =	sst s2  }
0x8f: {  	_ = 	snop  }
0x90: {  	s2 =	sld [smem:$0x3FD0];
	_ =	sdelay $0x2  }
0x91: {  	s15 =	simm.s32 $0xA;
	s4 =	simm.s32 $0x10  }
0x92: {  	[smem:s4], [sflag:s15] =	dma.local [hbm:s2], $0x1  }
0x93: {  	_ =	swait.eq [sflag:s15], $0x1  }
0x94: {  	[sflag:s15] =	ssyncset.done $0x0  }
0x95: {  	s16 =	sld [smem:$0x10];
	[sflag:s15] =	ssyncadd.s32 $0xFFFFFFFF  }
0x96: {  	s17 =	sld [smem:$0x11];
	(tm) =	ssettm $0x1  }
0x97: {  	s18 =	sld [smem:$0x3FFB];
	_ =	sdelay $0x3  }
0x98: {  	_ =	strace s18  }
0x99: {  	s4 =	sld [smem:$0x3FFC];
	_ =	sdelay $0x3  }
0x9a: {  	_ =	strace s4  }
0x9b: {  	s4 =	sld [smem:$0x3FFD];
	_ =	sdelay $0x3  }
0x9c: {  	_ =	strace s4  }
0x9d: {  	_ =	strace $0x8FFFFFFF  }
0x9e: {  	s19 =	sld [smem:$0x3FDB];
	_ =	sdelay $0x1  }
0x9f: {  	s5 =	simm.s32 $_scs_section_size  }
0xa0: {  	s6 =	simm.s32 $_size__tile_overlayer_lowered;
	s7 =	simm.s32 $_tile_overlayer_lowered  }
0xa1: {  	s22 =	simm.s32 $0x1BFF;
	s21 =	sshll.u32 s7, $0x1;
	s4 =	sadd.s32 s5, s19  }
0xa2: {  	s8 =	simm.s32 $0x0;
	s20 =	sshll.u32 s6, $0x1;
	s6 =	sadd.s32 s21, s4  }
0xa3: {  	[timem:s8], [sflag:s22] =	dma.local [hbm:s6], s20  }
0xa4: {  	_ =	swait.ge [sflag:s22], s20  }
0xa5: {  	s5 =	ssub.s32 $0x0, s20;
	[sflag:s22] =	ssyncset.done $0x0  }
0xa6: {  	[sflag:s22] =	ssyncadd.s32 s5;
	_ =	sdelay $0x1  }
0xa7: {  	s23 =	simm.s32 $0x1B8B  }
0xa8: {  	_ =	swait.ge [sflag:s23], $0x1  }
0xa9: {  	[sflag:s23] =	ssyncset.done $0x0  }
0xaa: {  	s25 =	simm.s32 $0x1B8E;
	s24 =	sld [smem:$0x3FFE];
	[sflag:s23] =	ssyncadd.s32 $0xFFFFFFFF  }
0xab: {  	s26 =	simm.s32 $execute0_lowered;
	[smem:$0x3FD2] =	sst s25  }
0xac: {  	s6 =	sshll.u32 s26, $0x1;
	_ =	strace $0x80000049;
	[dreg:$0x1] =	wrdreg $0xFFFFFFFF  }
0xad: {  	s28 =	simm.s32 $_size_execute0_lowered;
	s4 =	sadd.s32 s4, s6;
	[dreg:$0x0] =	wrdreg $0x0  }
0xae: {  	s6 =	sshll.u32 s28, $0x1;
	[dreg:$0x2] =	wrdreg s4  }
0xaf: {  	[dreg:$0x3] =	wrdreg s6  }
0xb0: {  	[dreg:$0x4] =	wrdreg $0xC0  }
0xb1: {  	_ =	task [dreg:s8], $0x5FFFF  }
0xb2: {  	[dreg:$0x1] =	wrdreg $0xFFFFFFFF  }
0xb3: {  	[dreg:$0x0] =	wrdreg $0x60  }
0xb4: {  	[dreg:$0x2] =	wrdreg s16  }
0xb5: {  	[dreg:$0x3] =	wrdreg s24  }
0xb6: {  	[dreg:$0x4] =	wrdreg s17  }
0xb7: {  	[dreg:$0x5] =	wrdreg $0x7E000  }
0xb8: {  	[dreg:$0x6] =	wrdreg $0x9  }
0xb9: {  	_ =	task.clear_ibuf [dreg:s8], $0x7FFFF;
	_ =	strace $0x90000049  }
0xba: {  	s29 =	simm.s32 $0x9;
	_ =	strace $0x8000004B  }
0xbb: {  	_ =	swait.ge [sflag:s29], $0x1  }
0xbc: {  	[sflag:s29] =	ssyncadd.s32 $0xFFFFFFFF  }
0xbd: {  	_ =	strace $0x9000004B  }
0xbe: {  	_ =	sfence  }
0xbf: {  	s30 =	sld [smem:$0x0];
	_ =	sdelay $0x2  }
0xc0: {  	s31 =	sshll.u32 s1, $0xD;
	s1 =	sshrl.u32 s1, $0x2  }
0xc1: {  	s3 =	sand.u32 $0x4000, s31;
	s1 =	sadd.s32 s1, s30  }
0xc2: {  	s0 =	sor.u32 s3, s0;
	s1 =	sshll.u32 s1, $0x11  }
0xc3: {  	s0 =	sor.u32 s1, s0  }
0xc4: {  	s0 =	sadd.s32 $0x8F2B, s0  }
0xc5: {  	[sflag:s0] =	ssyncadd.remote.s32 $0x1  }
0xc6: {  	_ =	sfence.sel $0xFFFF  }
0xc7: {  	[dreg:$0x0] =	wrdreg $0xFFFFFFFF;
	(pc) =	sbr.abs _section_cstart, $3  }
0xc8: {  	[dreg:$0x1] =	wrdreg $0xFFFFFFFF  }
0xc9: {  	_ =	task.clear_ibuf [dreg:s8], $0x2FFFF;
	_ =	strace $0x9FFFFFFF  }
0xca: {  	(tm) =	ssettm $0x7FFFFFFF  }
0xcb: {  	_ =	shalt  }
tec
execute0_lowered:
.L_overlay_start_1:
0x0: {  	(tag) =	ssettag $0x1  }
0x1: {  	s1 =	rddreg [dreg:$0x0]  }
0x2: {  	s0 =	rddreg [dreg:$0x1]  }
0x3: {  	s4 =	rddreg [dreg:$0x2]  }
0x4: {  	s2 =	rddreg [dreg:$0x3];
	s3 =	simm.s32 $0x0  }
0x5: {  	s5 =	srdreg.scid;
	s24 =	stileid.u32;
	s30 =	simm.s32 $0xD  }
0x6: {  	s29 =	simm.s32 $0x200;
	s6 =	sand.u32 $0x1, s5;
	s9 =	smul.u32 $0x2800, s24  }
0x7: {  	s31 =	simm.s32 $0x8;
	s8 =	sor.u32 $0x10, s24;
	s7 =	smul.u32 $0x138800, s6  }
0x8: {  	s28 =	simm.s32 $0x5;
	s11 =	sor.u32 $0x20, s24;
	s12 =	smul.u32 $0x2800, s8  }
0x9: {  	[smem:$0x7FF] =	sst s3;
	s14 =	sor.u32 $0x30, s24;
	s15 =	smul.u32 $0x2800, s11  }
0xa: {  	s5 =	sadd.s32 $0x13200, s0;
	s17 =	sor.u32 $0x50, s24;
	s16 =	smul.u32 $0x2800, s14  }
0xb: {  	s19 =	sshll.u32 s24, $0xE;
	s20 =	sor.u32 $0x60, s24;
	s21 =	smul.u32 $0x2800, s17  }
0xc: {  	_ =	strace $0x8000004A;
	s10 =	ssub.s32 $0x2, s6;
	s22 =	smul.u32 $0x2800, s20  }
0xd: {  	s6 =	sshll.u32 s6, $0x12;
	s11 =	smul.u32 $0xA000, s11;
	s13 =	sshrl.u32 s10, $0x1  }
0xe: {  	s6 =	sor.u32 s19, s6;
	s19 =	sor.u32 $0x70, s24;
	s10 =	ssub.s32 s10, s13  }
0xf: {  	s13 =	sor.u32 $0x40, s24;
	s9 =	sadd.s32 s7, s9;
	s12 =	sadd.s32 s7, s12  }
0x10: {  	s23 =	smul.u32 $0x2800, s19;
	s15 =	sadd.s32 s7, s15;
	s16 =	sadd.s32 s7, s16  }
0x11: {  	s21 =	sadd.s32 s7, s21;
	s22 =	sadd.s32 s7, s22;
	p0 =	sgt.u32 s19, $0x7C  }
0x12: {  	s18 =	smul.u32 $0x2800, s13;
	s9 =	sshrl.u32 s9, $0x3;
	s12 =	sshrl.u32 s12, $0x3  }
0x13: {  	s21 =	sshrl.u32 s21, $0x3;
	s25 =	sshrl.u32 s22, $0x3;
	s22 =	smul.u32 $0xA000, s24  }
0x14: {  	s10 =	smax.u32 s10, $0x1;
	s9 =	sadd.s32 s4, s9;
	s26 =	sadd.s32 s4, s12  }
0x15: {  	s12 =	sshrl.u32 s15, $0x3;
	s15 =	sshrl.u32 s16, $0x3;
	[dreg:$0x16] =	wrdreg s10  }
0x16: {  	s10 =	simm.s32 $0x6;
	s18 =	sadd.s32 s7, s18;
	[dreg:$0x5] =	wrdreg s9  }
0x17: {  	s7 =	sadd.s32 s7, s23;
	[dreg:$0x6] =	wrdreg s26;
	s9 =	sadd.s32 s4, s12  }
0x18: {  	s23 =	sshrl.u32 s6, $0x3;
	[dreg:$0x7] =	wrdreg s9;
	s16 =	sshrl.u32 s18, $0x3  }
0x19: {  	s9 =	sadd.s32 s4, s15;
	s7 =	sshrl.u32 s7, $0x3;
	s26 =	sor.u32 $0x10, s23  }
0x1a: {  	s15 =	sadd.s32 $0x3200, s0;
	s0 =	sadd.s32 $0x23200, s0;
	[dreg:$0x8] =	wrdreg s9  }
0x1b: {  	s12 =	sadd.s32 s5, s23;
	s18 =	sadd.s32 s4, s16;
	[dreg:$0xd] =	wrdreg s0  }
0x1c: {  	s9 =	sadd.s32 s4, s21;
	[dreg:$0x10] =	wrdreg s12;
	s16 =	sadd.s32 s15, s23  }
0x1d: {  	s21 =	sor.u32 $0x30, s23;
	s12 =	smul.u32 $0xA000, s14;
	[dreg:$0x9] =	wrdreg s18  }
0x1e: {  	s14 =	sshll.u32 s24, $0x6;
	s24 =	smul.u32 $0xA000, s19;
	[dreg:$0xa] =	wrdreg s9  }
0x1f: {  	s19 =	simm.s32 $0x9;
	s9 =	sadd.s32 s4, s25;
	[dreg:$0x11] =	wrdreg s16  }
0x20: {  	s4 =	sadd.s32 s4, s7;
	s7 =	sadd.s32 s5, s26;
	[dreg:$0xb] =	wrdreg s9  }
0x21: {  	s18 =	sor.u32 $0x20, s23;
	s25 =	sadd.s32 s5, s21;
	[dreg:$0xc] =	wrdreg s4  }
0x22: {  	s16 =	smul.u32 $0xA000, s13;
	s13 =	simm.s32 $0x0;
	[dreg:$0xe] =	wrdreg s7  }
0x23: {  	s9 =	sadd.s32 s15, s26;
	s23 =	sadd.s32 s5, s18;
	[dreg:$0x14] =	wrdreg s25  }
0x24: {  	s0 =	sadd.s32 s15, s18;
	s26 =	sadd.s32 s15, s21;
	[dreg:$0xf] =	wrdreg s9  }
0x25: {  	s4 =	sshrl.u32 s22, $0x2;
	s18 =	sor.u32 $0x1C0D, s14;
	[dreg:$0x12] =	wrdreg s23  }
0x26: {  	s7 =	sshrl.u32 s12, $0x2;
	s21 =	smul.u32 $0xA000, s17;
	[dreg:$0x13] =	wrdreg s0  }
0x27: {  	s14 =	simm.s32 $0x180;
	s17 =	simm.s32 $0x480;
	[dreg:$0x15] =	wrdreg s26  }
0x28: {  	s9 =	smul.u32 $0xA000, s8;
	s0 =	sadd.s32 s4, s2;
	s22 =	sadd.s32 s7, s2  }
0x29: {  	s23 =	smul.u32 $0xA000, s20;
	s26 =	sshrl.u32 s24, $0x2;
	s20 =	simm.s32 $0x50  }
0x2a: {  	s24 =	simm.s32 $0x7;
	s7 =	simm.s32 $0x280;
	[dreg:$0x18] =	wrdreg s18  }
0x2b: {  	s8 =	simm.s32 $0x580;
	[dreg:$0x17] =	wrdreg s0;
	s0 =	sshrl.u32 s11, $0x2  }
0x2c: {  	[dreg:$0x1b] =	wrdreg s22;
	s25 =	sshrl.u32 s21, $0x2;
	s21 =	simm.s32 $0x600  }
0x2d: {  	s22 =	simm.s32 $0x2;
	s4 =	sshrl.u32 s9, $0x2;
	s0 =	sadd.s32 s0, s2  }
0x2e: {  	s9 =	simm.s32 $0xC;
	s4 =	sadd.s32 s4, s2;
	[dreg:$0x1a] =	wrdreg s0  }
0x2f: {  	s0 =	sshrl.u32 s23, $0x2;
	s23 =	simm.s32 $0x2E00;
	[dreg:$0x19] =	wrdreg s4  }
.Ltmp0:
0x30: {  	s4 =	sshrl.u32 s16, $0x2;
	s0 =	sadd.s32 s0, s2;
	(pc) =	sbr.rel .LBB2_1-.Ltmp0, $4  }
0x31: {  	s16 =	simm.s32 $0xB;
	s4 =	sadd.s32 s4, s2;
	[dreg:$0x1e] =	wrdreg s0  }
0x32: {  	s0 =	sadd.s32 s26, s2;
	s26 =	simm.s32 $0x5600;
	[dreg:$0x1c] =	wrdreg s4  }
0x33: {  	s4 =	sadd.s32 s25, s2;
	[dreg:$0x1f] =	wrdreg s0;
	s25 =	simm.s32 $0x3  }
0x34: {  	s0 =	simm.s32 $0xA;
	[dreg:$0x1d] =	wrdreg s4;
	s4 =	simm.s32 $0x4  }
.LBB2_4:
0x35: {  	_ =	swait.ge [sflag:s9], $0x2800  }
0x36: {  	[sflag:s9] =	ssyncset.done $0x0  }
0x37: {  	[sflag:s9] =	ssyncadd.s32 $0xFFFFD800  }
0x38: {  	[bflag:$0x0] =	sbarrier.arrive $0xFFFF  }
0x39: {  	s12 =	sld [smem:$0x7F6]  }
0x3a: {  	s11 =	rddreg [dreg:$0x5]  }
0x3b: {  	s30 =	simm.s32 $0xD;
	s18 =	rddreg [dreg:$0x18]  }
0x3c: {  	[hbm:s11], [sflag:s18] =	dma.local [spmem:s12], $0x500  }
0x3d: {  	_ =	swait.ge [sflag:s30], $0x500  }
0x3e: {  	s13 =	sld [smem:$0x7F7]  }
0x3f: {  	[sflag:s30] =	ssyncset.done $0x0  }
0x40: {  	s12 =	rddreg [dreg:$0x6];
	[sflag:s30] =	ssyncadd.s32 $0xFFFFFB00  }
0x41: {  	[hbm:s12], [sflag:s18] =	dma.local [spmem:s13], $0x500  }
0x42: {  	_ =	swait.ge [sflag:s30], $0x500  }
0x43: {  	s13 =	sld [smem:$0x7F8]  }
0x44: {  	[sflag:s30] =	ssyncset.done $0x0  }
0x45: {  	s12 =	rddreg [dreg:$0x7];
	[sflag:s30] =	ssyncadd.s32 $0xFFFFFB00  }
0x46: {  	[hbm:s12], [sflag:s18] =	dma.local [spmem:s13], $0x500  }
0x47: {  	_ =	swait.ge [sflag:s30], $0x500  }
0x48: {  	s13 =	sld [smem:$0x7F9]  }
0x49: {  	[sflag:s30] =	ssyncset.done $0x0  }
0x4a: {  	s12 =	rddreg [dreg:$0x8];
	[sflag:s30] =	ssyncadd.s32 $0xFFFFFB00  }
0x4b: {  	[hbm:s12], [sflag:s18] =	dma.local [spmem:s13], $0x500  }
0x4c: {  	_ =	swait.ge [sflag:s30], $0x500  }
0x4d: {  	s13 =	sld [smem:$0x7FA]  }
0x4e: {  	[sflag:s30] =	ssyncset.done $0x0  }
0x4f: {  	s12 =	rddreg [dreg:$0x9];
	[sflag:s30] =	ssyncadd.s32 $0xFFFFFB00  }
0x50: {  	[hbm:s12], [sflag:s18] =	dma.local [spmem:s13], $0x500  }
0x51: {  	_ =	swait.ge [sflag:s30], $0x500  }
0x52: {  	s13 =	sld [smem:$0x7FB]  }
0x53: {  	[sflag:s30] =	ssyncset.done $0x0  }
0x54: {  	s12 =	rddreg [dreg:$0xa];
	[sflag:s30] =	ssyncadd.s32 $0xFFFFFB00  }
0x55: {  	[hbm:s12], [sflag:s18] =	dma.local [spmem:s13], $0x500  }
0x56: {  	_ =	swait.ge [sflag:s30], $0x500  }
0x57: {  	s13 =	sld [smem:$0x7FC]  }
0x58: {  	[sflag:s30] =	ssyncset.done $0x0  }
0x59: {  	s12 =	rddreg [dreg:$0xb];
	[sflag:s30] =	ssyncadd.s32 $0xFFFFFB00  }
0x5a: {  	[hbm:s12], [sflag:s18] =	dma.local [spmem:s13], $0x500  }
0x5b: {  	_ =	swait.ge [sflag:s30], $0x500  }
0x5c: {  	s12 =	sld [smem:$0x7FD]  }
0x5d: {  	[sflag:s30] =	ssyncset.done $0x0  }
0x5e: {  	s11 =	rddreg [dreg:$0xc];
	[sflag:s30] =	ssyncadd.s32 $0xFFFFFB00  }
0x5f: {  	[hbm:s11], [sflag:s18] =	dma.local @!p0 [spmem:s12], $0x500  }
0x60: {  	s11 =	simm.s32 @!p0 $0xD  }
0x61: {  	_ =	swait.ge @!p0 [sflag:s11], $0x500  }
0x62: {  	s13 =	sld [smem:$0x7F5];
	_ =	sdelay $0x2  }
0x63: {  	s12 =	rddreg [dreg:$0x16];
	s13 =	sadd.s32 $0x1, s13  }
0x64: {  	p1 =	sne.s32 s13, s12  }
.Ltmp1:
0x65: {  	_ = 	snop;
	(pc) =	sbr.rel @!p1 .LBB2_5-.Ltmp1, $3  }
0x66: {  	_ =	sdelay $0x1  }
0x67: {  	[sflag:s11] =	ssyncset.done @!p0 $0x0  }
0x68: {  	[sflag:s11] =	ssyncadd.s32 @!p0 $0xFFFFFB00  }
.LBB2_1:
0x69: {  	[smem:$0x7F5] =	sst s13  }
0x6a: {  	s11 =	rddreg [dreg:$0x10]  }
0x6b: {  	[tilespmem:s3], [sflag:$0x1] =	stream.linear.gather [hbm4b:s11+s3], $0x80, $0x38;
	[tilespmem:$0x1B880] =	vst v63  }
0x6c: {  	s13 =	rddreg [dreg:$0x11];
	s12 =	simm.s32 $0x300  }
0x6d: {  	[tilespmem:s12], [sflag:$0x1] =	stream.linear.gather [hbm4b:s13+s3], $0x80, $0x38;
	[tilespmem:$0x1B880] =	vst v63  }
0x6e: {  	s12 =	rddreg [dreg:$0xe];
	s13 =	simm.s32 $0x80  }
0x6f: {  	[tilespmem:s13], [sflag:$0x2] =	stream.linear.gather [hbm4b:s12+s3], $0x80, $0x38;
	[tilespmem:$0x1B880] =	vst v63  }
0x70: {  	s11 =	rddreg [dreg:$0xf];
	s12 =	simm.s32 $0x380  }
0x71: {  	[tilespmem:s12], [sflag:$0x2] =	stream.linear.gather [hbm4b:s11+s3], $0x80, $0x38;
	[tilespmem:$0x1B880] =	vst v63  }
0x72: {  	s11 =	rddreg [dreg:$0x12];
	s12 =	simm.s32 $0x100  }
0x73: {  	[tilespmem:s12], [sflag:$0x3] =	stream.linear.gather [hbm4b:s11+s3], $0x80, $0x38;
	[tilespmem:$0x1B880] =	vst v63  }
0x74: {  	s11 =	rddreg [dreg:$0x13];
	s12 =	simm.s32 $0x400  }
0x75: {  	[tilespmem:s12], [sflag:$0x3] =	stream.linear.gather [hbm4b:s11+s3], $0x80, $0x38;
	[tilespmem:$0x1B880] =	vst v63  }
0x76: {  	s12 =	rddreg [dreg:$0x14]  }
0x77: {  	[tilespmem:s14], [sflag:$0x4] =	stream.linear.gather [hbm4b:s12+s3], $0x80, $0x38;
	[tilespmem:$0x1B880] =	vst v63  }
0x78: {  	s12 =	rddreg [dreg:$0x15]  }
0x79: {  	[tilespmem:s17], [sflag:$0x4] =	stream.linear.gather [hbm4b:s12+s3], $0x80, $0x38;
	[tilespmem:$0x1B880] =	vst v63  }
0x7a: {  	s12 =	rddreg [dreg:$0x17]  }
0x7b: {  	s11 =	rddreg [dreg:$0xd];
	s12 =	sshrl.u32 s12, $0x3  }
0x7c: {  	[smem:$0x7F6] =	sst s12  }
0x7d: {  	[spmem:s12], [sflag:s18] =	dma.local [hbm:s11], $0x500  }
0x7e: {  	_ =	swait.ge [sflag:s30], $0x500  }
0x7f: {  	s12 =	rddreg [dreg:$0x19]  }
0x80: {  	[sflag:s30] =	ssyncset.done $0x0;
	s12 =	sshrl.u32 s12, $0x3  }
0x81: {  	[sflag:s30] =	ssyncadd.s32 $0xFFFFFB00;
	[smem:$0x7F7] =	sst s12  }
0x82: {  	[spmem:s12], [sflag:s18] =	dma.local [hbm:s11], $0x500  }
0x83: {  	_ =	swait.ge [sflag:s30], $0x500  }
0x84: {  	s12 =	rddreg [dreg:$0x1a]  }
0x85: {  	[sflag:s30] =	ssyncset.done $0x0;
	s12 =	sshrl.u32 s12, $0x3  }
0x86: {  	[sflag:s30] =	ssyncadd.s32 $0xFFFFFB00;
	[smem:$0x7F8] =	sst s12  }
0x87: {  	[spmem:s12], [sflag:s18] =	dma.local [hbm:s11], $0x500  }
0x88: {  	_ =	swait.ge [sflag:s30], $0x500  }
0x89: {  	s12 =	rddreg [dreg:$0x1b]  }
0x8a: {  	[sflag:s30] =	ssyncset.done $0x0;
	s12 =	sshrl.u32 s12, $0x3  }
0x8b: {  	[sflag:s30] =	ssyncadd.s32 $0xFFFFFB00;
	[smem:$0x7F9] =	sst s12  }
0x8c: {  	[spmem:s12], [sflag:s18] =	dma.local [hbm:s11], $0x500  }
0x8d: {  	_ =	swait.ge [sflag:s30], $0x500  }
0x8e: {  	s12 =	rddreg [dreg:$0x1c]  }
0x8f: {  	[sflag:s30] =	ssyncset.done $0x0;
	s12 =	sshrl.u32 s12, $0x3  }
0x90: {  	[sflag:s30] =	ssyncadd.s32 $0xFFFFFB00;
	[smem:$0x7FA] =	sst s12  }
0x91: {  	[spmem:s12], [sflag:s18] =	dma.local [hbm:s11], $0x500  }
0x92: {  	_ =	swait.ge [sflag:s30], $0x500  }
0x93: {  	s12 =	rddreg [dreg:$0x1d]  }
0x94: {  	[sflag:s30] =	ssyncset.done $0x0;
	s12 =	sshrl.u32 s12, $0x3  }
0x95: {  	[sflag:s30] =	ssyncadd.s32 $0xFFFFFB00;
	[smem:$0x7FB] =	sst s12  }
0x96: {  	[spmem:s12], [sflag:s18] =	dma.local [hbm:s11], $0x500  }
0x97: {  	_ =	swait.ge [sflag:s30], $0x500  }
0x98: {  	s12 =	rddreg [dreg:$0x1e]  }
0x99: {  	[sflag:s30] =	ssyncset.done $0x0;
	s12 =	sshrl.u32 s12, $0x3  }
0x9a: {  	[sflag:s30] =	ssyncadd.s32 $0xFFFFFB00;
	[smem:$0x7FC] =	sst s12  }
0x9b: {  	[spmem:s12], [sflag:s18] =	dma.local [hbm:s11], $0x500  }
0x9c: {  	_ =	swait.ge [sflag:s30], $0x500  }
0x9d: {  	s12 =	rddreg [dreg:$0x1f]  }
0x9e: {  	[sflag:s30] =	ssyncset.done $0x0;
	s12 =	sshrl.u32 @!p0 s12, $0x3  }
0x9f: {  	[sflag:s30] =	ssyncadd.s32 $0xFFFFFB00;
	[smem:$0x7FD] =	sst s12  }
0xa0: {  	[spmem:s12], [sflag:s18] =	dma.local @!p0 [hbm:s11], $0x500  }
0xa1: {  	s11 =	simm.s32 @!p0 $0xD  }
0xa2: {  	_ =	swait.ge @!p0 [sflag:s11], $0x500  }
0xa3: {  	[sflag:s11] =	ssyncset.done @!p0 $0x0  }
0xa4: {  	[sflag:s11] =	ssyncadd.s32 @!p0 $0xFFFFFB00  }
0xa5: {  	s30 =	simm.s32 $0x1;
	[bflag:$0x0] =	sbarrier.arrive $0xFFFF  }
0xa6: {  	_ =	swait.ge [sflag:s30], $0x80  }
0xa7: {  	[sflag:s30] =	ssyncset.done $0x0  }
0xa8: {  	[sflag:s30] =	ssyncadd.s32 $0xFFFFFF80  }
0xa9: {  	_ =	swait.ge [sflag:s30], $0x80  }
0xaa: {  	[sflag:s30] =	ssyncset.done $0x0  }
0xab: {  	[sflag:s30] =	ssyncadd.s32 $0xFFFFFF80  }
0xac: {  	[tilespmem:s21], [sflag:$0x7] =	stream.indirect.gather [hbm4b:s1+s20], $0x80, s3, s20, $0xb8;
	[tilespmem:$0x1B880] =	vst v63  }
0xad: {  	_ =	swait.ge [sflag:s22], $0x80  }
0xae: {  	[sflag:s22] =	ssyncset.done $0x0  }
0xaf: {  	[sflag:s22] =	ssyncadd.s32 $0xFFFFFF80  }
0xb0: {  	_ =	swait.ge [sflag:s22], $0x80  }
0xb1: {  	[sflag:s22] =	ssyncset.done $0x0  }
0xb2: {  	s11 =	simm.s32 $0x480;
	[sflag:s22] =	ssyncadd.s32 $0xFFFFFF80  }
0xb3: {  	[tilespmem:s23], [sflag:$0x8] =	stream.indirect.gather [hbm4b:s1+s20], $0x80, s13, s20, $0xb8;
	[tilespmem:$0x1B880] =	vst v63  }
.LBB2_2:
0xb4: {  	_ =	swait.ge [sflag:s24], $0x2800  }
0xb5: {  	[sflag:s24] =	ssyncset.done $0x0  }
0xb6: {  	s12 =	simm.s32 $0x300;
	p1 =	seq.s32 s11, $0x480;
	[sflag:s24] =	ssyncadd.s32 $0xFFFFD800  }
0xb7: {  	[spmem:s2] =	stream.indirect.scatter.add.f32 [tilespmem:s21], [sflag:$0xA], $0x80, s12, s20, $0xb8;
	[tilespmem:$0x1B880] =	vst v63  }
0xb8: {  	s12 =	simm.s32 @!p1 $0xC  }
0xb9: {  	_ =	swait.ge @!p1 [sflag:s12], $0x2800  }
0xba: {  	[sflag:s12] =	ssyncset.done @!p1 $0x0  }
0xbb: {  	[sflag:s12] =	ssyncadd.s32 @!p1 $0xFFFFD800  }
0xbc: {  	_ =	swait.ge [sflag:s25], $0x80  }
0xbd: {  	s30 =	sadd.s32 $0xFFFFFD80, s11;
	[sflag:s25] =	ssyncset.done $0x0  }
0xbe: {  	s13 =	sand.u32 $0xFC00, s30;
	[sflag:s25] =	ssyncadd.s32 $0xFFFFFF80  }
0xbf: {  	s13 =	sadd.s32 s6, s13;
	s12 =	sand.u32 $0x300, s30;
	_ =	swait.ge [sflag:s25], $0x80  }
0xc0: {  	s12 =	sor.u32 s12, s13;
	[sflag:s25] =	ssyncset.done $0x0  }
0xc1: {  	s18 =	simm.s32 $0x100;
	s12 =	sshrl.u32 s12, $0x3;
	[sflag:s25] =	ssyncadd.s32 $0xFFFFFF80  }
0xc2: {  	[tilespmem:s26], [sflag:$0x9] =	stream.indirect.gather [hbm4b:s1+s20], $0x80, s18, s20, $0xb8;
	[tilespmem:$0x1B880] =	vst v63  }
0xc3: {  	s18 =	sadd.s32 s5, s12  }
0xc4: {  	[tilespmem:s29], [sflag:$0x5] =	stream.linear.gather [hbm4b:s18+s3], $0x80, $0x38;
	[tilespmem:$0x1B880] =	vst v63  }
0xc5: {  	s30 =	simm.s32 $0x500;
	s12 =	sadd.s32 s15, s12  }
0xc6: {  	[tilespmem:s30], [sflag:$0x5] =	stream.linear.gather [hbm4b:s12+s3], $0x80, $0x38;
	[tilespmem:$0x1B880] =	vst v63  }
0xc7: {  	_ =	swait.ge [sflag:s31], $0x2800  }
0xc8: {  	[sflag:s31] =	ssyncset.done $0x0  }
0xc9: {  	s13 =	simm.s32 $0x380;
	[sflag:s31] =	ssyncadd.s32 $0xFFFFD800  }
0xca: {  	[spmem:s2] =	stream.indirect.scatter.add.f32 [tilespmem:s23], [sflag:$0xB], $0x80, s13, s20, $0xb8;
	[tilespmem:$0x1B880] =	vst v63  }
0xcb: {  	_ =	swait.ge [sflag:s0], $0x2800  }
0xcc: {  	[sflag:s0] =	ssyncset.done $0x0  }
0xcd: {  	[sflag:s0] =	ssyncadd.s32 $0xFFFFD800  }
0xce: {  	_ =	swait.ge [sflag:s4], $0x80  }
0xcf: {  	s18 =	sadd.s32 $0xFFFFFE00, s11;
	[sflag:s4] =	ssyncset.done $0x0  }
0xd0: {  	s30 =	sand.u32 $0xFC00, s18;
	[sflag:s4] =	ssyncadd.s32 $0xFFFFFF80  }
0xd1: {  	s12 =	sand.u32 $0x380, s18;
	s13 =	sadd.s32 s6, s30;
	_ =	swait.ge [sflag:s4], $0x80  }
0xd2: {  	s12 =	sor.u32 s12, s13;
	[sflag:s4] =	ssyncset.done $0x0  }
0xd3: {  	s12 =	sshrl.u32 s12, $0x3;
	[sflag:s4] =	ssyncadd.s32 $0xFFFFFF80  }
0xd4: {  	[tilespmem:s21], [sflag:$0x7] =	stream.indirect.gather [hbm4b:s1+s20], $0x80, s14, s20, $0xb8;
	[tilespmem:$0x1B880] =	vst v63  }
0xd5: {  	s18 =	sadd.s32 s5, s12  }
0xd6: {  	[tilespmem:s7], [sflag:$0x6] =	stream.linear.gather [hbm4b:s18+s3], $0x80, $0x38;
	[tilespmem:$0x1B880] =	vst v63  }
0xd7: {  	s12 =	sadd.s32 s15, s12  }
0xd8: {  	[tilespmem:s8], [sflag:$0x6] =	stream.linear.gather [hbm4b:s12+s3], $0x80, $0x38;
	[tilespmem:$0x1B880] =	vst v63  }
0xd9: {  	_ =	swait.ge [sflag:s19], $0x2800  }
0xda: {  	[sflag:s19] =	ssyncset.done $0x0  }
0xdb: {  	s30 =	simm.s32 $0x400;
	[sflag:s19] =	ssyncadd.s32 $0xFFFFD800  }
0xdc: {  	[spmem:s2] =	stream.indirect.scatter.add.f32 [tilespmem:s26], [sflag:$0xC], $0x80, s30, s20, $0xb8;
	[tilespmem:$0x1B880] =	vst v63  }
0xdd: {  	_ =	swait.ge [sflag:s16], $0x2800  }
0xde: {  	[sflag:s16] =	ssyncset.done $0x0  }
0xdf: {  	[sflag:s16] =	ssyncadd.s32 $0xFFFFD800  }
0xe0: {  	p1 =	seq.s32 s11, $0x4080;
	_ =	swait.ge [sflag:s28], $0x80  }
0xe1: {  	s12 =	sadd.s32 @!p1 $0xFFFFFE80, s11;
	[sflag:s28] =	ssyncset.done $0x0  }
0xe2: {  	s13 =	sand.u32 @!p1 $0xFC00, s12;
	[sflag:s28] =	ssyncadd.s32 $0xFFFFFF80  }
0xe3: {  	s12 =	sand.u32 @!p1 $0x300, s12;
	s13 =	sadd.s32 @!p1 s6, s13;
	_ =	swait.ge [sflag:s28], $0x80  }
0xe4: {  	s12 =	sor.u32 @!p1 s12, s13;
	[sflag:s28] =	ssyncset.done $0x0  }
0xe5: {  	s13 =	sshrl.u32 @!p1 s12, $0x3;
	[sflag:s28] =	ssyncadd.s32 $0xFFFFFF80  }
0xe6: {  	[tilespmem:s23], [sflag:$0x8] =	stream.indirect.gather [hbm4b:s1+s20], $0x80, s29, s20, $0xb8;
	[tilespmem:$0x1B880] =	vst v63  }
0xe7: {  	s12 =	simm.s32 @!p1 $0x0;
	s30 =	sadd.s32 @!p1 s5, s13  }
0xe8: {  	[tilespmem:s12], [sflag:$0x1] =	stream.linear.gather @!p1 [hbm4b:s30+s12], $0x80, $0x38;
	[tilespmem:$0x1B880] =	vst v63  }
0xe9: {  	s13 =	sadd.s32 @!p1 s15, s13;
	s30 =	simm.s32 @!p1 $0x300  }
0xea: {  	[tilespmem:s30], [sflag:$0x1] =	stream.linear.gather @!p1 [hbm4b:s13+s12], $0x80, $0x38;
	[tilespmem:$0x1B880] =	vst v63  }
0xeb: {  	_ =	swait.ge [sflag:s24], $0x2800  }
0xec: {  	[sflag:s24] =	ssyncset.done $0x0  }
0xed: {  	[sflag:s24] =	ssyncadd.s32 $0xFFFFD800  }
0xee: {  	[spmem:s2] =	stream.indirect.scatter.add.f32 [tilespmem:s21], [sflag:$0xA], $0x80, s17, s20, $0xb8;
	[tilespmem:$0x1B880] =	vst v63  }
0xef: {  	_ =	swait.ge [sflag:s9], $0x2800  }
0xf0: {  	[sflag:s9] =	ssyncset.done $0x0  }
0xf1: {  	[sflag:s9] =	ssyncadd.s32 $0xFFFFD800  }
0xf2: {  	_ =	swait.ge [sflag:s10], $0x80  }
0xf3: {  	[sflag:s10] =	ssyncset.done $0x0  }
0xf4: {  	[sflag:s10] =	ssyncadd.s32 $0xFFFFFF80  }
0xf5: {  	_ =	swait.ge [sflag:s10], $0x80  }
0xf6: {  	[sflag:s10] =	ssyncset.done $0x0  }
0xf7: {  	s13 =	simm.s32 @p1 $0x8;
	[sflag:s10] =	ssyncadd.s32 $0xFFFFFF80  }
0xf8: {  	[tilespmem:s26], [sflag:$0x9] =	stream.indirect.gather [hbm4b:s1+s20], $0x80, s7, s20, $0xb8;
	[tilespmem:$0x1B880] =	vst v63  }
0xf9: {  	_ =	swait.ge @p1 [sflag:s13], $0x2800  }
0xfa: {  	s18 =	simm.s32 @p1 $0x2E00;
	[sflag:s13] =	ssyncset.done @p1 $0x0  }
0xfb: {  	s30 =	simm.s32 @p1 $0x500;
	[sflag:s13] =	ssyncadd.s32 @p1 $0xFFFFD800;
	s13 =	simm.s32 @p1 $0x50  }
0xfc: {  	[spmem:s2] =	stream.indirect.scatter.add.f32 @p1 [tilespmem:s18], [sflag:$0xB], $0x80, s30, s13, $0xb8;
	[tilespmem:$0x1B880] =	vst v63  }
0xfd: {  	s13 =	sadd.s32 @!p1 $0xFFFFFF00, s11  }
0xfe: {  	s18 =	sand.u32 @!p1 $0xFC00, s13  }
0xff: {  	s30 =	simm.s32 @p1 $0xA;
	s13 =	sand.u32 @!p1 $0x380, s13;
	s18 =	sadd.s32 @!p1 s6, s18  }
0x100: {  	_ =	swait.ge @p1 [sflag:s30], $0x2800;
	s13 =	sor.u32 @!p1 s13, s18  }
0x101: {  	[sflag:s30] =	ssyncset.done @p1 $0x0;
	s13 =	sshrl.u32 @!p1 s13, $0x3  }
0x102: {  	[sflag:s30] =	ssyncadd.s32 @p1 $0xFFFFD800;
	s30 =	simm.s32 @!p1 $0x80;
	s18 =	sadd.s32 @!p1 s5, s13  }
0x103: {  	[tilespmem:s30], [sflag:$0x2] =	stream.linear.gather @!p1 [hbm4b:s18+s12], $0x80, $0x38;
	[tilespmem:$0x1B880] =	vst v63  }
0x104: {  	s13 =	sadd.s32 @!p1 s15, s13;
	s18 =	simm.s32 @!p1 $0x380  }
0x105: {  	[tilespmem:s18], [sflag:$0x2] =	stream.linear.gather @!p1 [hbm4b:s13+s12], $0x80, $0x38;
	[tilespmem:$0x1B880] =	vst v63  }
0x106: {  	s13 =	simm.s32 @!p1 $0x8  }
0x107: {  	_ =	swait.ge @!p1 [sflag:s13], $0x2800  }
0x108: {  	s30 =	simm.s32 @!p1 $0x2E00;
	[sflag:s13] =	ssyncset.done @!p1 $0x0  }
0x109: {  	s18 =	simm.s32 @!p1 $0x500;
	[sflag:s13] =	ssyncadd.s32 @!p1 $0xFFFFD800;
	s13 =	simm.s32 @!p1 $0x50  }
0x10a: {  	[spmem:s2] =	stream.indirect.scatter.add.f32 @!p1 [tilespmem:s30], [sflag:$0xB], $0x80, s18, s13, $0xb8;
	[tilespmem:$0x1B880] =	vst v63  }
0x10b: {  	s18 =	simm.s32 @!p1 $0xA  }
0x10c: {  	_ =	swait.ge @!p1 [sflag:s18], $0x2800  }
0x10d: {  	[sflag:s18] =	ssyncset.done @!p1 $0x0  }
0x10e: {  	[sflag:s18] =	ssyncadd.s32 @!p1 $0xFFFFD800;
	s18 =	simm.s32 @!p1 $0x1  }
0x10f: {  	_ =	swait.ge @!p1 [sflag:s18], $0x80  }
0x110: {  	[sflag:s18] =	ssyncset.done @!p1 $0x0  }
0x111: {  	[sflag:s18] =	ssyncadd.s32 @!p1 $0xFFFFFF80  }
0x112: {  	_ =	swait.ge @!p1 [sflag:s18], $0x80  }
0x113: {  	[sflag:s18] =	ssyncset.done @!p1 $0x0  }
0x114: {  	[sflag:s18] =	ssyncadd.s32 @!p1 $0xFFFFFF80;
	s18 =	simm.s32 @!p1 $0x600  }
0x115: {  	[tilespmem:s18], [sflag:$0x7] =	stream.indirect.gather @!p1 [hbm4b:s1+s13], $0x80, s12, s13, $0xb8;
	[tilespmem:$0x1B880] =	vst v63  }
0x116: {  	s13 =	sadd.s32 @!p1 $0xFFFFFF80, s11  }
0x117: {  	s18 =	sadd.s32 $0xFFFFFB80, s11;
	s13 =	sand.u32 @!p1 $0xFC00, s13  }
0x118: {  	s18 =	sand.u32 @!p1 $0x300, s18;
	s13 =	sadd.s32 @!p1 s6, s13  }
0x119: {  	s13 =	sor.u32 @!p1 s18, s13  }
0x11a: {  	s13 =	sshrl.u32 @!p1 s13, $0x3  }
0x11b: {  	s30 =	simm.s32 @!p1 $0x100;
	s18 =	sadd.s32 @!p1 s5, s13  }
0x11c: {  	[tilespmem:s30], [sflag:$0x3] =	stream.linear.gather @!p1 [hbm4b:s18+s12], $0x80, $0x38;
	[tilespmem:$0x1B880] =	vst v63  }
0x11d: {  	s13 =	sadd.s32 @!p1 s15, s13;
	s18 =	simm.s32 @!p1 $0x400  }
0x11e: {  	[tilespmem:s18], [sflag:$0x3] =	stream.linear.gather @!p1 [hbm4b:s13+s12], $0x80, $0x38;
	[tilespmem:$0x1B880] =	vst v63  }
0x11f: {  	_ =	swait.ge [sflag:s19], $0x2800  }
0x120: {  	[sflag:s19] =	ssyncset.done $0x0  }
.Ltmp2:
0x121: {  	[sflag:s19] =	ssyncadd.s32 $0xFFFFD800;
	(pc) =	sbr.rel @p1 .LBB2_4-.Ltmp2, $4  }
0x122: {  	[spmem:s2] =	stream.indirect.scatter.add.f32 [tilespmem:s26], [sflag:$0xC], $0x80, s8, s20, $0xb8;
	[tilespmem:$0x1B880] =	vst v63  }
0x123: {  	_ =	swait.ge [sflag:s16], $0x2800  }
0x124: {  	[sflag:s16] =	ssyncset.done $0x0  }
0x125: {  	[sflag:s16] =	ssyncadd.s32 $0xFFFFD800  }
0x126: {  	_ =	swait.ge [sflag:s22], $0x80  }
0x127: {  	[sflag:s22] =	ssyncset.done $0x0  }
0x128: {  	[sflag:s22] =	ssyncadd.s32 $0xFFFFFF80  }
0x129: {  	_ =	swait.ge [sflag:s22], $0x80  }
0x12a: {  	[sflag:s22] =	ssyncset.done $0x0  }
0x12b: {  	s12 =	simm.s32 $0x80;
	s18 =	sand.u32 $0xFC00, s11;
	[sflag:s22] =	ssyncadd.s32 $0xFFFFFF80  }
0x12c: {  	[tilespmem:s23], [sflag:$0x8] =	stream.indirect.gather [hbm4b:s1+s20], $0x80, s12, s20, $0xb8;
	[tilespmem:$0x1B880] =	vst v63  }
0x12d: {  	s13 =	sand.u32 $0x380, s11;
	s12 =	sadd.s32 s6, s18  }
0x12e: {  	s12 =	sor.u32 s13, s12  }
.Ltmp3:
0x12f: {  	s12 =	sshrl.u32 s12, $0x3;
	(pc) =	sbr.rel .LBB2_2-.Ltmp3, $4  }
0x130: {  	s30 =	sadd.s32 s5, s12  }
0x131: {  	[tilespmem:s14], [sflag:$0x4] =	stream.linear.gather [hbm4b:s30+s3], $0x80, $0x38;
	[tilespmem:$0x1B880] =	vst v63  }
0x132: {  	s11 =	sadd.s32 $0x300, s11;
	s12 =	sadd.s32 s15, s12  }
0x133: {  	[tilespmem:s17], [sflag:$0x4] =	stream.linear.gather [hbm4b:s12+s3], $0x80, $0x38;
	[tilespmem:$0x1B880] =	vst v63  }
.LBB2_5:
0x134: {  	_ =	sfence.sel $0x180000  }
0x135: {  	[bflag:$0x0] =	sbarrier.arrive $0xFFFF  }
0x136: {  	_ =	strace $0x9000004A  }
0x137: {  	s0 =	stileid.u32;
	[bflag:$0x2] =	sbarrier.arrive $0xFFFF  }
0x138: {  	p0 =	sne.s32 s0, $0x0;
	s0 =	rddreg [dreg:$0x4]  }
0x139: {  	s0 =	sadd.s32 @!p0 $0x100000, s0  }
0x13a: {  	[sflag:s0] =	ssyncadd.tile.s32 @!p0 $0x1;
	_ =	shalt  }
.Lfunc_end2:
_tile_overlayer_lowered:
.L_overlay_start_2:
0x13b: {  	(tag) =	ssettag $0x2  }
0x13c: {  	s0 =	rddreg [dreg:$0x0];
	s2 =	stileid.u32  }
0x13d: {  	s1 =	rddreg [dreg:$0x1];
	p0 =	sne.s32 s2, $0x0  }
0x13e: {  	s3 =	rddreg [dreg:$0x2];
	[bflag:$0x3] =	sbarrier.arrive $0xFFFF;
	s2 =	simm.s32 @!p0 $0x1C0D  }
0x13f: {  	[timem:s3], [sflag:s2] =	dma.local @!p0 [hbm:s0], s1  }
0x140: {  	s0 =	simm.s32 @!p0 $0xD  }
0x141: {  	_ =	swait.ge @!p0 [sflag:s0], s1  }
0x142: {  	s1 =	ssub.s32 @!p0 $0x0, s1;
	[sflag:s0] =	ssyncset.done @!p0 $0x0  }
0x143: {  	[sflag:s0] =	ssyncadd.s32 @!p0 s1  }
0x144: {  	[bflag:$0x3] =	sbarrier.arrive $0xFFFF  }
0x145: {  	_ =	shalt  }

// kernel: kernel.7.cloned.1.call-start
scs
__scs_entry_jumppad:
0x0: {  	(pc) =	sbr.rel $0x88, $3  }
0x1: {  	(tag) =	ssettag $0x0;
	lr =	simm.s32 $0x1  }
0x2: {  	[smem:$0x3F90] =	sst lr;
	_ =	strace $0xD0000000  }
0x3: {  	_ = 	snop  }
0x4: {  	_ = 	snop  }
0x5: {  	_ = 	snop  }
0x6: {  	_ = 	snop  }
0x7: {  	_ = 	snop  }
__scs_overlays_trampoline_lowered:
0x8: {  	[smem:$0x3F9F] =	sst s0  }
0x9: {  	[smem:$0x3FA0] =	sst s1  }
0xa: {  	[smem:$0x3FA1] =	sst s2  }
0xb: {  	[smem:$0x3FA2] =	sst s3  }
0xc: {  	[smem:$0x3FA3] =	sst s4  }
0xd: {  	[smem:$0x3FA4] =	sst s5  }
0xe: {  	[smem:$0x3FA5] =	sst s6  }
0xf: {  	[smem:$0x3FA6] =	sst s7  }
0x10: {  	[smem:$0x3FA7] =	sst s8  }
0x11: {  	[smem:$0x3FA8] =	sst s9;
	s0 =	simm.s32 @!p0 $0x0  }
0x12: {  	s1 =	sld [smem:$0x3F8E];
	s0 =	simm.s32 @p0 $0x1  }
0x13: {  	[smem:$0x3FA9] =	sst s0;
	s0 =	simm.s32 @!p1 $0x0  }
0x14: {  	s2 =	sld [smem:$0x3F8D];
	s0 =	simm.s32 @p1 $0x1  }
0x15: {  	[smem:$0x3FAA] =	sst s0;
	s0 =	simm.s32 @!p2 $0x0  }
0x16: {  	s3 =	sld [smem:$0x3FDB];
	s0 =	simm.s32 @p2 $0x1  }
0x17: {  	s4 =	simm.s32 $0x1BF5;
	[smem:$0x3FAC] =	sst s0  }
0x18: {  	s0 =	sld [smem:$0x3F8F];
	_ =	swait.ge [sflag:s4], $0x0  }
0x19: {  	s7 =	sld [smem:$0x3F90]  }
0x1a: {  	s8 =	sadd.s32 $0xFFFFE003, lr  }
0x1b: {  	s9 =	sadd.s32 $0xFFFFFEF7, lr;
	s5 =	simm.s32 $0xFFFFFFFF;
	p2 =	slt.u32 s8, $0xFFFFF086  }
0x1c: {  	p1 =	slt.u32 s9, $0xF7A;
	s5 =	simm.s32 @!p2 $0x0  }
0x1d: {  	s5 =	simm.s32 @p1 $0x1;
	p0 =	seq.s32 s7, s2  }
0x1e: {  	s7 =	smul.u32 @!p0 $0xF7A, s2;
	p2 =	seq.s32 @!p0 s5, $0x0  }
0x1f: {  	s9 =	smul.u32 $0xF7A, s1;
	s8 =	simm.s32 @!p0 $0x1BF5;
	p2 =	por !p2, p0  }
0x20: {  	[sflag:s8] =	ssyncset.s32 @!p0 $0xFFFFF086;
	s6 =	sadd.s32 @!p0 s3, s7;
	s7 =	simm.s32 @!p0 $0x108  }
0x21: {  	s3 =	sadd.s32 s3, s9;
	s6 =	sadd.s32 @!p0 $0x88, s6;
	s7 =	simm.s32 @p2 $0x1082  }
0x22: {  	[simem:s7], [sflag:s8] =	dma.local @!p0 [hbm:s6], $0xF7A  }
0x23: {  	s9 =	sor.u32 $0xD0000000, s2;
	s6 =	simm.s32 $0x108;
	_ =	swait.ge @!p0 [sflag:s8], $0x0  }
0x24: {  	s3 =	sadd.s32 $0x88, s3;
	s6 =	simm.s32 @!p1 $0x1082;
	[sflag:s4] =	ssyncset.s32 $0xFFFFF086  }
0x25: {  	[simem:s6], [sflag:s4] =	dma.local [hbm:s3], $0xF7A  }
0x26: {  	[smem:$0x3F90] =	sst s1;
	(tag) =	ssettag s2;
	_ =	strace s9  }
0x27: {  	s1 =	sld [smem:$0x3FA0]  }
0x28: {  	s2 =	sld [smem:$0x3FA1]  }
0x29: {  	s4 =	sld [smem:$0x3FA3]  }
0x2a: {  	p0 =	seq.s32 s5, $0x0;
	s5 =	sld [smem:$0x3FA4]  }
0x2b: {  	s6 =	sld [smem:$0x3FA5]  }
0x2c: {  	s7 =	sld [smem:$0x3FA6]  }
0x2d: {  	s3 =	simm.s32 $0x108;
	s8 =	sld [smem:$0x3FA7]  }
0x2e: {  	s3 =	simm.s32 @!p0 $0x1082;
	s9 =	sld [smem:$0x3FA8]  }
0x2f: {  	lr =	sadd.s32 s0, s3;
	s0 =	sld [smem:$0x3F9F]  }
0x30: {  	s3 =	sld [smem:$0x3FA2]  }
0x31: {  	[smem:$0x3FAB] =	sst s10  }
0x32: {  	s10 =	sld [smem:$0x3FA9];
	_ =	sdelay $0x3  }
0x33: {  	p0 =	seq.s32 s10, $0x1;
	s10 =	sld [smem:$0x3FAB];
	_ =	sdelay $0x3  }
0x34: {  	[smem:$0x3FAB] =	sst s10  }
0x35: {  	s10 =	sld [smem:$0x3FAA];
	_ =	sdelay $0x3  }
0x36: {  	p1 =	seq.s32 s10, $0x1;
	s10 =	sld [smem:$0x3FAB];
	_ =	sdelay $0x3  }
0x37: {  	[smem:$0x3FAB] =	sst s10  }
0x38: {  	s10 =	sld [smem:$0x3FAC]  }
0x39: {  	_ = 	snop;
	(pc) =	sbr.ind lr, $3  }
0x3a: {  	_ = 	snop  }
0x3b: {  	_ = 	snop  }
0x3c: {  	p2 =	seq.s32 s10, $0x1;
	s10 =	sld [smem:$0x3FAB]  }
0x3d: {  	_ =	shalt  }
0x3e: {  	_ =	shalt  }
0x3f: {  	_ =	shalt  }
0x40: {  	_ =	shalt  }
0x41: {  	_ =	shalt  }
0x42: {  	_ =	shalt  }
0x43: {  	_ =	shalt  }
0x44: {  	_ =	shalt  }
0x45: {  	_ =	shalt  }
0x46: {  	_ =	shalt  }
0x47: {  	_ =	shalt  }
0x48: {  	_ =	shalt  }
0x49: {  	_ =	shalt  }
0x4a: {  	_ =	shalt  }
0x4b: {  	_ =	shalt  }
0x4c: {  	_ =	shalt  }
0x4d: {  	_ =	shalt  }
0x4e: {  	_ =	shalt  }
0x4f: {  	_ =	shalt  }
0x50: {  	_ =	shalt  }
0x51: {  	_ =	shalt  }
0x52: {  	_ =	shalt  }
0x53: {  	_ =	shalt  }
0x54: {  	_ =	shalt  }
0x55: {  	_ =	shalt  }
0x56: {  	_ =	shalt  }
0x57: {  	_ =	shalt  }
0x58: {  	_ =	shalt  }
0x59: {  	_ =	shalt  }
0x5a: {  	_ =	shalt  }
0x5b: {  	_ =	shalt  }
0x5c: {  	_ =	shalt  }
0x5d: {  	_ =	shalt  }
0x5e: {  	_ =	shalt  }
0x5f: {  	_ =	shalt  }
0x60: {  	_ =	shalt  }
0x61: {  	_ =	shalt  }
0x62: {  	_ =	shalt  }
0x63: {  	_ =	shalt  }
0x64: {  	_ =	shalt  }
0x65: {  	_ =	shalt  }
0x66: {  	_ =	shalt  }
0x67: {  	_ =	shalt  }
0x68: {  	_ =	shalt  }
0x69: {  	_ =	shalt  }
0x6a: {  	_ =	shalt  }
0x6b: {  	_ =	shalt  }
0x6c: {  	_ =	shalt  }
0x6d: {  	_ =	shalt  }
0x6e: {  	_ =	shalt  }
0x6f: {  	_ =	shalt  }
0x70: {  	_ =	shalt  }
0x71: {  	_ =	shalt  }
0x72: {  	_ =	shalt  }
0x73: {  	_ =	shalt  }
0x74: {  	_ =	shalt  }
0x75: {  	_ =	shalt  }
0x76: {  	_ =	shalt  }
0x77: {  	_ =	shalt  }
0x78: {  	_ =	shalt  }
0x79: {  	_ =	shalt  }
0x7a: {  	_ =	shalt  }
0x7b: {  	_ =	shalt  }
0x7c: {  	_ =	shalt  }
0x7d: {  	_ =	shalt  }
0x7e: {  	_ =	shalt  }
0x7f: {  	_ =	shalt  }
0x80: {  	_ =	shalt  }
0x81: {  	_ =	shalt  }
0x82: {  	_ =	shalt  }
0x83: {  	_ =	shalt  }
0x84: {  	_ =	shalt  }
0x85: {  	_ =	shalt  }
0x86: {  	_ =	shalt  }
0x87: {  	_ =	shalt  }
.Lfunc_end0:
.L_simem_size_0:
called_computation_lowered:
.L_overlay_start_0:
0x88: {  	s2 =	sld [smem:$0x3FD9]  }
0x89: {  	s3 =	sld [smem:$0x3FFE];
	_ =	sdelay $0x1  }
0x8a: {  	s1 =	srdreg.scid  }
0x8b: {  	s0 =	sand.u32 $0x1, s1  }
0x8c: {  	s14 =	sshll.u32 s0, $0xA;
	s2 =	sadd.s32 s3, s2  }
0x8d: {  	s2 =	sadd.s32 s2, s14  }
0x8e: {  	[smem:$0x3FB7] =	sst s2  }
0x8f: {  	_ = 	snop  }
0x90: {  	s2 =	sld [smem:$0x3FD0];
	_ =	sdelay $0x2  }
0x91: {  	s15 =	simm.s32 $0xA;
	s4 =	simm.s32 $0x10  }
0x92: {  	[smem:s4], [sflag:s15] =	dma.local [hbm:s2], $0x1  }
0x93: {  	_ =	swait.eq [sflag:s15], $0x1  }
0x94: {  	[sflag:s15] =	ssyncset.done $0x0  }
0x95: {  	s16 =	sld [smem:$0x10];
	[sflag:s15] =	ssyncadd.s32 $0xFFFFFFFF  }
0x96: {  	s17 =	sld [smem:$0x11];
	(tm) =	ssettm $0x1  }
0x97: {  	s18 =	sld [smem:$0x3FFB];
	_ =	sdelay $0x3  }
0x98: {  	_ =	strace s18  }
0x99: {  	s4 =	sld [smem:$0x3FFC];
	_ =	sdelay $0x3  }
0x9a: {  	_ =	strace s4  }
0x9b: {  	s4 =	sld [smem:$0x3FFD];
	_ =	sdelay $0x3  }
0x9c: {  	_ =	strace s4  }
0x9d: {  	_ =	strace $0x8FFFFFFF  }
0x9e: {  	s19 =	sld [smem:$0x3FDB];
	_ =	sdelay $0x1  }
0x9f: {  	s5 =	simm.s32 $_scs_section_size  }
0xa0: {  	s6 =	simm.s32 $_size__tile_overlayer_lowered;
	s7 =	simm.s32 $_tile_overlayer_lowered  }
0xa1: {  	s22 =	simm.s32 $0x1BFF;
	s21 =	sshll.u32 s7, $0x1;
	s4 =	sadd.s32 s5, s19  }
0xa2: {  	s8 =	simm.s32 $0x0;
	s20 =	sshll.u32 s6, $0x1;
	s6 =	sadd.s32 s21, s4  }
0xa3: {  	[timem:s8], [sflag:s22] =	dma.local [hbm:s6], s20  }
0xa4: {  	_ =	swait.ge [sflag:s22], s20  }
0xa5: {  	s5 =	ssub.s32 $0x0, s20;
	[sflag:s22] =	ssyncset.done $0x0  }
0xa6: {  	[sflag:s22] =	ssyncadd.s32 s5;
	_ =	sdelay $0x1  }
0xa7: {  	s23 =	simm.s32 $0x1B8B  }
0xa8: {  	_ =	swait.ge [sflag:s23], $0x1  }
0xa9: {  	[sflag:s23] =	ssyncset.done $0x0  }
0xaa: {  	s25 =	simm.s32 $0x1B8E;
	s24 =	sld [smem:$0x3FFE];
	[sflag:s23] =	ssyncadd.s32 $0xFFFFFFFF  }
0xab: {  	s26 =	simm.s32 $execute0_lowered;
	[smem:$0x3FD2] =	sst s25  }
0xac: {  	s6 =	sshll.u32 s26, $0x1;
	_ =	strace $0x80000046;
	[dreg:$0x1] =	wrdreg $0xFFFFFFFF  }
0xad: {  	s28 =	simm.s32 $_size_execute0_lowered;
	s4 =	sadd.s32 s4, s6;
	[dreg:$0x0] =	wrdreg $0x0  }
0xae: {  	s6 =	sshll.u32 s28, $0x1;
	[dreg:$0x2] =	wrdreg s4  }
0xaf: {  	[dreg:$0x3] =	wrdreg s6  }
0xb0: {  	[dreg:$0x4] =	wrdreg $0xC0  }
0xb1: {  	_ =	task [dreg:s8], $0x5FFFF  }
0xb2: {  	[dreg:$0x1] =	wrdreg $0xFFFFFFFF  }
0xb3: {  	[dreg:$0x0] =	wrdreg $0x60  }
0xb4: {  	[dreg:$0x2] =	wrdreg s16  }
0xb5: {  	[dreg:$0x3] =	wrdreg s24  }
0xb6: {  	[dreg:$0x4] =	wrdreg s17  }
0xb7: {  	[dreg:$0x5] =	wrdreg $0x7E000  }
0xb8: {  	[dreg:$0x6] =	wrdreg $0x9  }
0xb9: {  	_ =	task.clear_ibuf [dreg:s8], $0x7FFFF;
	_ =	strace $0x90000046  }
0xba: {  	s29 =	simm.s32 $0x9;
	_ =	strace $0x80000048  }
0xbb: {  	_ =	swait.ge [sflag:s29], $0x1  }
0xbc: {  	[sflag:s29] =	ssyncadd.s32 $0xFFFFFFFF  }
0xbd: {  	_ =	strace $0x90000048  }
0xbe: {  	_ =	sfence  }
0xbf: {  	s30 =	sld [smem:$0x0];
	_ =	sdelay $0x2  }
0xc0: {  	s31 =	sshll.u32 s1, $0xD;
	s1 =	sshrl.u32 s1, $0x2  }
0xc1: {  	s3 =	sand.u32 $0x4000, s31;
	s1 =	sadd.s32 s1, s30  }
0xc2: {  	s0 =	sor.u32 s3, s0;
	s1 =	sshll.u32 s1, $0x11  }
0xc3: {  	s0 =	sor.u32 s1, s0  }
0xc4: {  	s0 =	sadd.s32 $0x8F2B, s0  }
0xc5: {  	[sflag:s0] =	ssyncadd.remote.s32 $0x1  }
0xc6: {  	_ =	sfence.sel $0xFFFF  }
0xc7: {  	[dreg:$0x0] =	wrdreg $0xFFFFFFFF;
	(pc) =	sbr.abs _section_cstart, $3  }
0xc8: {  	[dreg:$0x1] =	wrdreg $0xFFFFFFFF  }
0xc9: {  	_ =	task.clear_ibuf [dreg:s8], $0x2FFFF;
	_ =	strace $0x9FFFFFFF  }
0xca: {  	(tm) =	ssettm $0x7FFFFFFF  }
0xcb: {  	_ =	shalt  }
tec
execute0_lowered:
.L_overlay_start_1:
0x0: {  	(tag) =	ssettag $0x1  }
0x1: {  	s1 =	rddreg [dreg:$0x0]  }
0x2: {  	s0 =	rddreg [dreg:$0x1]  }
0x3: {  	s4 =	rddreg [dreg:$0x2]  }
0x4: {  	s2 =	rddreg [dreg:$0x3];
	s3 =	simm.s32 $0x0  }
0x5: {  	s5 =	srdreg.scid;
	s24 =	stileid.u32;
	s30 =	simm.s32 $0xD  }
0x6: {  	s29 =	simm.s32 $0x200;
	s6 =	sand.u32 $0x1, s5;
	s9 =	smul.u32 $0x2800, s24  }
0x7: {  	s31 =	simm.s32 $0x8;
	s8 =	sor.u32 $0x10, s24;
	s7 =	smul.u32 $0x138800, s6  }
0x8: {  	s28 =	simm.s32 $0x5;
	s11 =	sor.u32 $0x20, s24;
	s12 =	smul.u32 $0x2800, s8  }
0x9: {  	[smem:$0x7FF] =	sst s3;
	s14 =	sor.u32 $0x30, s24;
	s15 =	smul.u32 $0x2800, s11  }
0xa: {  	s5 =	sadd.s32 $0x13200, s0;
	s17 =	sor.u32 $0x50, s24;
	s16 =	smul.u32 $0x2800, s14  }
0xb: {  	s19 =	sshll.u32 s24, $0xE;
	s20 =	sor.u32 $0x60, s24;
	s21 =	smul.u32 $0x2800, s17  }
0xc: {  	_ =	strace $0x80000047;
	s10 =	ssub.s32 $0x2, s6;
	s22 =	smul.u32 $0x2800, s20  }
0xd: {  	s6 =	sshll.u32 s6, $0x12;
	s11 =	smul.u32 $0xA000, s11;
	s13 =	sshrl.u32 s10, $0x1  }
0xe: {  	s6 =	sor.u32 s19, s6;
	s19 =	sor.u32 $0x70, s24;
	s10 =	ssub.s32 s10, s13  }
0xf: {  	s13 =	sor.u32 $0x40, s24;
	s9 =	sadd.s32 s7, s9;
	s12 =	sadd.s32 s7, s12  }
0x10: {  	s23 =	smul.u32 $0x2800, s19;
	s15 =	sadd.s32 s7, s15;
	s16 =	sadd.s32 s7, s16  }
0x11: {  	s21 =	sadd.s32 s7, s21;
	s22 =	sadd.s32 s7, s22;
	p0 =	sgt.u32 s19, $0x7C  }
0x12: {  	s18 =	smul.u32 $0x2800, s13;
	s9 =	sshrl.u32 s9, $0x3;
	s12 =	sshrl.u32 s12, $0x3  }
0x13: {  	s21 =	sshrl.u32 s21, $0x3;
	s25 =	sshrl.u32 s22, $0x3;
	s22 =	smul.u32 $0xA000, s24  }
0x14: {  	s10 =	smax.u32 s10, $0x1;
	s9 =	sadd.s32 s4, s9;
	s26 =	sadd.s32 s4, s12  }
0x15: {  	s12 =	sshrl.u32 s15, $0x3;
	s15 =	sshrl.u32 s16, $0x3;
	[dreg:$0x16] =	wrdreg s10  }
0x16: {  	s10 =	simm.s32 $0x6;
	s18 =	sadd.s32 s7, s18;
	[dreg:$0x5] =	wrdreg s9  }
0x17: {  	s7 =	sadd.s32 s7, s23;
	[dreg:$0x6] =	wrdreg s26;
	s9 =	sadd.s32 s4, s12  }
0x18: {  	s23 =	sshrl.u32 s6, $0x3;
	[dreg:$0x7] =	wrdreg s9;
	s16 =	sshrl.u32 s18, $0x3  }
0x19: {  	s9 =	sadd.s32 s4, s15;
	s7 =	sshrl.u32 s7, $0x3;
	s26 =	sor.u32 $0x10, s23  }
0x1a: {  	s15 =	sadd.s32 $0x3200, s0;
	s0 =	sadd.s32 $0x23200, s0;
	[dreg:$0x8] =	wrdreg s9  }
0x1b: {  	s12 =	sadd.s32 s5, s23;
	s18 =	sadd.s32 s4, s16;
	[dreg:$0xd] =	wrdreg s0  }
0x1c: {  	s9 =	sadd.s32 s4, s21;
	[dreg:$0x10] =	wrdreg s12;
	s16 =	sadd.s32 s15, s23  }
0x1d: {  	s21 =	sor.u32 $0x30, s23;
	s12 =	smul.u32 $0xA000, s14;
	[dreg:$0x9] =	wrdreg s18  }
0x1e: {  	s14 =	sshll.u32 s24, $0x6;
	s24 =	smul.u32 $0xA000, s19;
	[dreg:$0xa] =	wrdreg s9  }
0x1f: {  	s19 =	simm.s32 $0x9;
	s9 =	sadd.s32 s4, s25;
	[dreg:$0x11] =	wrdreg s16  }
0x20: {  	s4 =	sadd.s32 s4, s7;
	s7 =	sadd.s32 s5, s26;
	[dreg:$0xb] =	wrdreg s9  }
0x21: {  	s18 =	sor.u32 $0x20, s23;
	s25 =	sadd.s32 s5, s21;
	[dreg:$0xc] =	wrdreg s4  }
0x22: {  	s16 =	smul.u32 $0xA000, s13;
	s13 =	simm.s32 $0x0;
	[dreg:$0xe] =	wrdreg s7  }
0x23: {  	s9 =	sadd.s32 s15, s26;
	s23 =	sadd.s32 s5, s18;
	[dreg:$0x14] =	wrdreg s25  }
0x24: {  	s0 =	sadd.s32 s15, s18;
	s26 =	sadd.s32 s15, s21;
	[dreg:$0xf] =	wrdreg s9  }
0x25: {  	s4 =	sshrl.u32 s22, $0x2;
	s18 =	sor.u32 $0x1C0D, s14;
	[dreg:$0x12] =	wrdreg s23  }
0x26: {  	s7 =	sshrl.u32 s12, $0x2;
	s21 =	smul.u32 $0xA000, s17;
	[dreg:$0x13] =	wrdreg s0  }
0x27: {  	s14 =	simm.s32 $0x180;
	s17 =	simm.s32 $0x480;
	[dreg:$0x15] =	wrdreg s26  }
0x28: {  	s9 =	smul.u32 $0xA000, s8;
	s0 =	sadd.s32 s4, s2;
	s22 =	sadd.s32 s7, s2  }
0x29: {  	s23 =	smul.u32 $0xA000, s20;
	s26 =	sshrl.u32 s24, $0x2;
	s20 =	simm.s32 $0x50  }
0x2a: {  	s24 =	simm.s32 $0x7;
	s7 =	simm.s32 $0x280;
	[dreg:$0x18] =	wrdreg s18  }
0x2b: {  	s8 =	simm.s32 $0x580;
	[dreg:$0x17] =	wrdreg s0;
	s0 =	sshrl.u32 s11, $0x2  }
0x2c: {  	[dreg:$0x1b] =	wrdreg s22;
	s25 =	sshrl.u32 s21, $0x2;
	s21 =	simm.s32 $0x600  }
0x2d: {  	s22 =	simm.s32 $0x2;
	s4 =	sshrl.u32 s9, $0x2;
	s0 =	sadd.s32 s0, s2  }
0x2e: {  	s9 =	simm.s32 $0xC;
	s4 =	sadd.s32 s4, s2;
	[dreg:$0x1a] =	wrdreg s0  }
0x2f: {  	s0 =	sshrl.u32 s23, $0x2;
	s23 =	simm.s32 $0x2E00;
	[dreg:$0x19] =	wrdreg s4  }
.Ltmp0:
0x30: {  	s4 =	sshrl.u32 s16, $0x2;
	s0 =	sadd.s32 s0, s2;
	(pc) =	sbr.rel .LBB2_1-.Ltmp0, $4  }
0x31: {  	s16 =	simm.s32 $0xB;
	s4 =	sadd.s32 s4, s2;
	[dreg:$0x1e] =	wrdreg s0  }
0x32: {  	s0 =	sadd.s32 s26, s2;
	s26 =	simm.s32 $0x5600;
	[dreg:$0x1c] =	wrdreg s4  }
0x33: {  	s4 =	sadd.s32 s25, s2;
	[dreg:$0x1f] =	wrdreg s0;
	s25 =	simm.s32 $0x3  }
0x34: {  	s0 =	simm.s32 $0xA;
	[dreg:$0x1d] =	wrdreg s4;
	s4 =	simm.s32 $0x4  }
.LBB2_4:
0x35: {  	_ =	swait.ge [sflag:s9], $0x2800  }
0x36: {  	[sflag:s9] =	ssyncset.done $0x0  }
0x37: {  	[sflag:s9] =	ssyncadd.s32 $0xFFFFD800  }
0x38: {  	[bflag:$0x0] =	sbarrier.arrive $0xFFFF  }
0x39: {  	s12 =	sld [smem:$0x7F6]  }
0x3a: {  	s11 =	rddreg [dreg:$0x5]  }
0x3b: {  	s30 =	simm.s32 $0xD;
	s18 =	rddreg [dreg:$0x18]  }
0x3c: {  	[hbm:s11], [sflag:s18] =	dma.local [spmem:s12], $0x500  }
0x3d: {  	_ =	swait.ge [sflag:s30], $0x500  }
0x3e: {  	s13 =	sld [smem:$0x7F7]  }
0x3f: {  	[sflag:s30] =	ssyncset.done $0x0  }
0x40: {  	s12 =	rddreg [dreg:$0x6];
	[sflag:s30] =	ssyncadd.s32 $0xFFFFFB00  }
0x41: {  	[hbm:s12], [sflag:s18] =	dma.local [spmem:s13], $0x500  }
0x42: {  	_ =	swait.ge [sflag:s30], $0x500  }
0x43: {  	s13 =	sld [smem:$0x7F8]  }
0x44: {  	[sflag:s30] =	ssyncset.done $0x0  }
0x45: {  	s12 =	rddreg [dreg:$0x7];
	[sflag:s30] =	ssyncadd.s32 $0xFFFFFB00  }
0x46: {  	[hbm:s12], [sflag:s18] =	dma.local [spmem:s13], $0x500  }
0x47: {  	_ =	swait.ge [sflag:s30], $0x500  }
0x48: {  	s13 =	sld [smem:$0x7F9]  }
0x49: {  	[sflag:s30] =	ssyncset.done $0x0  }
0x4a: {  	s12 =	rddreg [dreg:$0x8];
	[sflag:s30] =	ssyncadd.s32 $0xFFFFFB00  }
0x4b: {  	[hbm:s12], [sflag:s18] =	dma.local [spmem:s13], $0x500  }
0x4c: {  	_ =	swait.ge [sflag:s30], $0x500  }
0x4d: {  	s13 =	sld [smem:$0x7FA]  }
0x4e: {  	[sflag:s30] =	ssyncset.done $0x0  }
0x4f: {  	s12 =	rddreg [dreg:$0x9];
	[sflag:s30] =	ssyncadd.s32 $0xFFFFFB00  }
0x50: {  	[hbm:s12], [sflag:s18] =	dma.local [spmem:s13], $0x500  }
0x51: {  	_ =	swait.ge [sflag:s30], $0x500  }
0x52: {  	s13 =	sld [smem:$0x7FB]  }
0x53: {  	[sflag:s30] =	ssyncset.done $0x0  }
0x54: {  	s12 =	rddreg [dreg:$0xa];
	[sflag:s30] =	ssyncadd.s32 $0xFFFFFB00  }
0x55: {  	[hbm:s12], [sflag:s18] =	dma.local [spmem:s13], $0x500  }
0x56: {  	_ =	swait.ge [sflag:s30], $0x500  }
0x57: {  	s13 =	sld [smem:$0x7FC]  }
0x58: {  	[sflag:s30] =	ssyncset.done $0x0  }
0x59: {  	s12 =	rddreg [dreg:$0xb];
	[sflag:s30] =	ssyncadd.s32 $0xFFFFFB00  }
0x5a: {  	[hbm:s12], [sflag:s18] =	dma.local [spmem:s13], $0x500  }
0x5b: {  	_ =	swait.ge [sflag:s30], $0x500  }
0x5c: {  	s12 =	sld [smem:$0x7FD]  }
0x5d: {  	[sflag:s30] =	ssyncset.done $0x0  }
0x5e: {  	s11 =	rddreg [dreg:$0xc];
	[sflag:s30] =	ssyncadd.s32 $0xFFFFFB00  }
0x5f: {  	[hbm:s11], [sflag:s18] =	dma.local @!p0 [spmem:s12], $0x500  }
0x60: {  	s11 =	simm.s32 @!p0 $0xD  }
0x61: {  	_ =	swait.ge @!p0 [sflag:s11], $0x500  }
0x62: {  	s13 =	sld [smem:$0x7F5];
	_ =	sdelay $0x2  }
0x63: {  	s12 =	rddreg [dreg:$0x16];
	s13 =	sadd.s32 $0x1, s13  }
0x64: {  	p1 =	sne.s32 s13, s12  }
.Ltmp1:
0x65: {  	_ = 	snop;
	(pc) =	sbr.rel @!p1 .LBB2_5-.Ltmp1, $3  }
0x66: {  	_ =	sdelay $0x1  }
0x67: {  	[sflag:s11] =	ssyncset.done @!p0 $0x0  }
0x68: {  	[sflag:s11] =	ssyncadd.s32 @!p0 $0xFFFFFB00  }
.LBB2_1:
0x69: {  	[smem:$0x7F5] =	sst s13  }
0x6a: {  	s11 =	rddreg [dreg:$0x10]  }
0x6b: {  	[tilespmem:s3], [sflag:$0x1] =	stream.linear.gather [hbm4b:s11+s3], $0x80, $0x38;
	[tilespmem:$0x1B880] =	vst v63  }
0x6c: {  	s13 =	rddreg [dreg:$0x11];
	s12 =	simm.s32 $0x300  }
0x6d: {  	[tilespmem:s12], [sflag:$0x1] =	stream.linear.gather [hbm4b:s13+s3], $0x80, $0x38;
	[tilespmem:$0x1B880] =	vst v63  }
0x6e: {  	s12 =	rddreg [dreg:$0xe];
	s13 =	simm.s32 $0x80  }
0x6f: {  	[tilespmem:s13], [sflag:$0x2] =	stream.linear.gather [hbm4b:s12+s3], $0x80, $0x38;
	[tilespmem:$0x1B880] =	vst v63  }
0x70: {  	s11 =	rddreg [dreg:$0xf];
	s12 =	simm.s32 $0x380  }
0x71: {  	[tilespmem:s12], [sflag:$0x2] =	stream.linear.gather [hbm4b:s11+s3], $0x80, $0x38;
	[tilespmem:$0x1B880] =	vst v63  }
0x72: {  	s11 =	rddreg [dreg:$0x12];
	s12 =	simm.s32 $0x100  }
0x73: {  	[tilespmem:s12], [sflag:$0x3] =	stream.linear.gather [hbm4b:s11+s3], $0x80, $0x38;
	[tilespmem:$0x1B880] =	vst v63  }
0x74: {  	s11 =	rddreg [dreg:$0x13];
	s12 =	simm.s32 $0x400  }
0x75: {  	[tilespmem:s12], [sflag:$0x3] =	stream.linear.gather [hbm4b:s11+s3], $0x80, $0x38;
	[tilespmem:$0x1B880] =	vst v63  }
0x76: {  	s12 =	rddreg [dreg:$0x14]  }
0x77: {  	[tilespmem:s14], [sflag:$0x4] =	stream.linear.gather [hbm4b:s12+s3], $0x80, $0x38;
	[tilespmem:$0x1B880] =	vst v63  }
0x78: {  	s12 =	rddreg [dreg:$0x15]  }
0x79: {  	[tilespmem:s17], [sflag:$0x4] =	stream.linear.gather [hbm4b:s12+s3], $0x80, $0x38;
	[tilespmem:$0x1B880] =	vst v63  }
0x7a: {  	s12 =	rddreg [dreg:$0x17]  }
0x7b: {  	s11 =	rddreg [dreg:$0xd];
	s12 =	sshrl.u32 s12, $0x3  }
0x7c: {  	[smem:$0x7F6] =	sst s12  }
0x7d: {  	[spmem:s12], [sflag:s18] =	dma.local [hbm:s11], $0x500  }
0x7e: {  	_ =	swait.ge [sflag:s30], $0x500  }
0x7f: {  	s12 =	rddreg [dreg:$0x19]  }
0x80: {  	[sflag:s30] =	ssyncset.done $0x0;
	s12 =	sshrl.u32 s12, $0x3  }
0x81: {  	[sflag:s30] =	ssyncadd.s32 $0xFFFFFB00;
	[smem:$0x7F7] =	sst s12  }
0x82: {  	[spmem:s12], [sflag:s18] =	dma.local [hbm:s11], $0x500  }
0x83: {  	_ =	swait.ge [sflag:s30], $0x500  }
0x84: {  	s12 =	rddreg [dreg:$0x1a]  }
0x85: {  	[sflag:s30] =	ssyncset.done $0x0;
	s12 =	sshrl.u32 s12, $0x3  }
0x86: {  	[sflag:s30] =	ssyncadd.s32 $0xFFFFFB00;
	[smem:$0x7F8] =	sst s12  }
0x87: {  	[spmem:s12], [sflag:s18] =	dma.local [hbm:s11], $0x500  }
0x88: {  	_ =	swait.ge [sflag:s30], $0x500  }
0x89: {  	s12 =	rddreg [dreg:$0x1b]  }
0x8a: {  	[sflag:s30] =	ssyncset.done $0x0;
	s12 =	sshrl.u32 s12, $0x3  }
0x8b: {  	[sflag:s30] =	ssyncadd.s32 $0xFFFFFB00;
	[smem:$0x7F9] =	sst s12  }
0x8c: {  	[spmem:s12], [sflag:s18] =	dma.local [hbm:s11], $0x500  }
0x8d: {  	_ =	swait.ge [sflag:s30], $0x500  }
0x8e: {  	s12 =	rddreg [dreg:$0x1c]  }
0x8f: {  	[sflag:s30] =	ssyncset.done $0x0;
	s12 =	sshrl.u32 s12, $0x3  }
0x90: {  	[sflag:s30] =	ssyncadd.s32 $0xFFFFFB00;
	[smem:$0x7FA] =	sst s12  }
0x91: {  	[spmem:s12], [sflag:s18] =	dma.local [hbm:s11], $0x500  }
0x92: {  	_ =	swait.ge [sflag:s30], $0x500  }
0x93: {  	s12 =	rddreg [dreg:$0x1d]  }
0x94: {  	[sflag:s30] =	ssyncset.done $0x0;
	s12 =	sshrl.u32 s12, $0x3  }
0x95: {  	[sflag:s30] =	ssyncadd.s32 $0xFFFFFB00;
	[smem:$0x7FB] =	sst s12  }
0x96: {  	[spmem:s12], [sflag:s18] =	dma.local [hbm:s11], $0x500  }
0x97: {  	_ =	swait.ge [sflag:s30], $0x500  }
0x98: {  	s12 =	rddreg [dreg:$0x1e]  }
0x99: {  	[sflag:s30] =	ssyncset.done $0x0;
	s12 =	sshrl.u32 s12, $0x3  }
0x9a: {  	[sflag:s30] =	ssyncadd.s32 $0xFFFFFB00;
	[smem:$0x7FC] =	sst s12  }
0x9b: {  	[spmem:s12], [sflag:s18] =	dma.local [hbm:s11], $0x500  }
0x9c: {  	_ =	swait.ge [sflag:s30], $0x500  }
0x9d: {  	s12 =	rddreg [dreg:$0x1f]  }
0x9e: {  	[sflag:s30] =	ssyncset.done $0x0;
	s12 =	sshrl.u32 @!p0 s12, $0x3  }
0x9f: {  	[sflag:s30] =	ssyncadd.s32 $0xFFFFFB00;
	[smem:$0x7FD] =	sst s12  }
0xa0: {  	[spmem:s12], [sflag:s18] =	dma.local @!p0 [hbm:s11], $0x500  }
0xa1: {  	s11 =	simm.s32 @!p0 $0xD  }
0xa2: {  	_ =	swait.ge @!p0 [sflag:s11], $0x500  }
0xa3: {  	[sflag:s11] =	ssyncset.done @!p0 $0x0  }
0xa4: {  	[sflag:s11] =	ssyncadd.s32 @!p0 $0xFFFFFB00  }
0xa5: {  	s30 =	simm.s32 $0x1;
	[bflag:$0x0] =	sbarrier.arrive $0xFFFF  }
0xa6: {  	_ =	swait.ge [sflag:s30], $0x80  }
0xa7: {  	[sflag:s30] =	ssyncset.done $0x0  }
0xa8: {  	[sflag:s30] =	ssyncadd.s32 $0xFFFFFF80  }
0xa9: {  	_ =	swait.ge [sflag:s30], $0x80  }
0xaa: {  	[sflag:s30] =	ssyncset.done $0x0  }
0xab: {  	[sflag:s30] =	ssyncadd.s32 $0xFFFFFF80  }
0xac: {  	[tilespmem:s21], [sflag:$0x7] =	stream.indirect.gather [hbm4b:s1+s20], $0x80, s3, s20, $0xb8;
	[tilespmem:$0x1B880] =	vst v63  }
0xad: {  	_ =	swait.ge [sflag:s22], $0x80  }
0xae: {  	[sflag:s22] =	ssyncset.done $0x0  }
0xaf: {  	[sflag:s22] =	ssyncadd.s32 $0xFFFFFF80  }
0xb0: {  	_ =	swait.ge [sflag:s22], $0x80  }
0xb1: {  	[sflag:s22] =	ssyncset.done $0x0  }
0xb2: {  	s11 =	simm.s32 $0x480;
	[sflag:s22] =	ssyncadd.s32 $0xFFFFFF80  }
0xb3: {  	[tilespmem:s23], [sflag:$0x8] =	stream.indirect.gather [hbm4b:s1+s20], $0x80, s13, s20, $0xb8;
	[tilespmem:$0x1B880] =	vst v63  }
.LBB2_2:
0xb4: {  	_ =	swait.ge [sflag:s24], $0x2800  }
0xb5: {  	[sflag:s24] =	ssyncset.done $0x0  }
0xb6: {  	s12 =	simm.s32 $0x300;
	p1 =	seq.s32 s11, $0x480;
	[sflag:s24] =	ssyncadd.s32 $0xFFFFD800  }
0xb7: {  	[spmem:s2] =	stream.indirect.scatter.add.f32 [tilespmem:s21], [sflag:$0xA], $0x80, s12, s20, $0xb8;
	[tilespmem:$0x1B880] =	vst v63  }
0xb8: {  	s12 =	simm.s32 @!p1 $0xC  }
0xb9: {  	_ =	swait.ge @!p1 [sflag:s12], $0x2800  }
0xba: {  	[sflag:s12] =	ssyncset.done @!p1 $0x0  }
0xbb: {  	[sflag:s12] =	ssyncadd.s32 @!p1 $0xFFFFD800  }
0xbc: {  	_ =	swait.ge [sflag:s25], $0x80  }
0xbd: {  	s30 =	sadd.s32 $0xFFFFFD80, s11;
	[sflag:s25] =	ssyncset.done $0x0  }
0xbe: {  	s13 =	sand.u32 $0xFC00, s30;
	[sflag:s25] =	ssyncadd.s32 $0xFFFFFF80  }
0xbf: {  	s13 =	sadd.s32 s6, s13;
	s12 =	sand.u32 $0x300, s30;
	_ =	swait.ge [sflag:s25], $0x80  }
0xc0: {  	s12 =	sor.u32 s12, s13;
	[sflag:s25] =	ssyncset.done $0x0  }
0xc1: {  	s18 =	simm.s32 $0x100;
	s12 =	sshrl.u32 s12, $0x3;
	[sflag:s25] =	ssyncadd.s32 $0xFFFFFF80  }
0xc2: {  	[tilespmem:s26], [sflag:$0x9] =	stream.indirect.gather [hbm4b:s1+s20], $0x80, s18, s20, $0xb8;
	[tilespmem:$0x1B880] =	vst v63  }
0xc3: {  	s18 =	sadd.s32 s5, s12  }
0xc4: {  	[tilespmem:s29], [sflag:$0x5] =	stream.linear.gather [hbm4b:s18+s3], $0x80, $0x38;
	[tilespmem:$0x1B880] =	vst v63  }
0xc5: {  	s30 =	simm.s32 $0x500;
	s12 =	sadd.s32 s15, s12  }
0xc6: {  	[tilespmem:s30], [sflag:$0x5] =	stream.linear.gather [hbm4b:s12+s3], $0x80, $0x38;
	[tilespmem:$0x1B880] =	vst v63  }
0xc7: {  	_ =	swait.ge [sflag:s31], $0x2800  }
0xc8: {  	[sflag:s31] =	ssyncset.done $0x0  }
0xc9: {  	s13 =	simm.s32 $0x380;
	[sflag:s31] =	ssyncadd.s32 $0xFFFFD800  }
0xca: {  	[spmem:s2] =	stream.indirect.scatter.add.f32 [tilespmem:s23], [sflag:$0xB], $0x80, s13, s20, $0xb8;
	[tilespmem:$0x1B880] =	vst v63  }
0xcb: {  	_ =	swait.ge [sflag:s0], $0x2800  }
0xcc: {  	[sflag:s0] =	ssyncset.done $0x0  }
0xcd: {  	[sflag:s0] =	ssyncadd.s32 $0xFFFFD800  }
0xce: {  	_ =	swait.ge [sflag:s4], $0x80  }
0xcf: {  	s18 =	sadd.s32 $0xFFFFFE00, s11;
	[sflag:s4] =	ssyncset.done $0x0  }
0xd0: {  	s30 =	sand.u32 $0xFC00, s18;
	[sflag:s4] =	ssyncadd.s32 $0xFFFFFF80  }
0xd1: {  	s12 =	sand.u32 $0x380, s18;
	s13 =	sadd.s32 s6, s30;
	_ =	swait.ge [sflag:s4], $0x80  }
0xd2: {  	s12 =	sor.u32 s12, s13;
	[sflag:s4] =	ssyncset.done $0x0  }
0xd3: {  	s12 =	sshrl.u32 s12, $0x3;
	[sflag:s4] =	ssyncadd.s32 $0xFFFFFF80  }
0xd4: {  	[tilespmem:s21], [sflag:$0x7] =	stream.indirect.gather [hbm4b:s1+s20], $0x80, s14, s20, $0xb8;
	[tilespmem:$0x1B880] =	vst v63  }
0xd5: {  	s18 =	sadd.s32 s5, s12  }
0xd6: {  	[tilespmem:s7], [sflag:$0x6] =	stream.linear.gather [hbm4b:s18+s3], $0x80, $0x38;
	[tilespmem:$0x1B880] =	vst v63  }
0xd7: {  	s12 =	sadd.s32 s15, s12  }
0xd8: {  	[tilespmem:s8], [sflag:$0x6] =	stream.linear.gather [hbm4b:s12+s3], $0x80, $0x38;
	[tilespmem:$0x1B880] =	vst v63  }
0xd9: {  	_ =	swait.ge [sflag:s19], $0x2800  }
0xda: {  	[sflag:s19] =	ssyncset.done $0x0  }
0xdb: {  	s30 =	simm.s32 $0x400;
	[sflag:s19] =	ssyncadd.s32 $0xFFFFD800  }
0xdc: {  	[spmem:s2] =	stream.indirect.scatter.add.f32 [tilespmem:s26], [sflag:$0xC], $0x80, s30, s20, $0xb8;
	[tilespmem:$0x1B880] =	vst v63  }
0xdd: {  	_ =	swait.ge [sflag:s16], $0x2800  }
0xde: {  	[sflag:s16] =	ssyncset.done $0x0  }
0xdf: {  	[sflag:s16] =	ssyncadd.s32 $0xFFFFD800  }
0xe0: {  	p1 =	seq.s32 s11, $0x4080;
	_ =	swait.ge [sflag:s28], $0x80  }
0xe1: {  	s12 =	sadd.s32 @!p1 $0xFFFFFE80, s11;
	[sflag:s28] =	ssyncset.done $0x0  }
0xe2: {  	s13 =	sand.u32 @!p1 $0xFC00, s12;
	[sflag:s28] =	ssyncadd.s32 $0xFFFFFF80  }
0xe3: {  	s12 =	sand.u32 @!p1 $0x300, s12;
	s13 =	sadd.s32 @!p1 s6, s13;
	_ =	swait.ge [sflag:s28], $0x80  }
0xe4: {  	s12 =	sor.u32 @!p1 s12, s13;
	[sflag:s28] =	ssyncset.done $0x0  }
0xe5: {  	s13 =	sshrl.u32 @!p1 s12, $0x3;
	[sflag:s28] =	ssyncadd.s32 $0xFFFFFF80  }
0xe6: {  	[tilespmem:s23], [sflag:$0x8] =	stream.indirect.gather [hbm4b:s1+s20], $0x80, s29, s20, $0xb8;
	[tilespmem:$0x1B880] =	vst v63  }
0xe7: {  	s12 =	simm.s32 @!p1 $0x0;
	s30 =	sadd.s32 @!p1 s5, s13  }
0xe8: {  	[tilespmem:s12], [sflag:$0x1] =	stream.linear.gather @!p1 [hbm4b:s30+s12], $0x80, $0x38;
	[tilespmem:$0x1B880] =	vst v63  }
0xe9: {  	s13 =	sadd.s32 @!p1 s15, s13;
	s30 =	simm.s32 @!p1 $0x300  }
0xea: {  	[tilespmem:s30], [sflag:$0x1] =	stream.linear.gather @!p1 [hbm4b:s13+s12], $0x80, $0x38;
	[tilespmem:$0x1B880] =	vst v63  }
0xeb: {  	_ =	swait.ge [sflag:s24], $0x2800  }
0xec: {  	[sflag:s24] =	ssyncset.done $0x0  }
0xed: {  	[sflag:s24] =	ssyncadd.s32 $0xFFFFD800  }
0xee: {  	[spmem:s2] =	stream.indirect.scatter.add.f32 [tilespmem:s21], [sflag:$0xA], $0x80, s17, s20, $0xb8;
	[tilespmem:$0x1B880] =	vst v63  }
0xef: {  	_ =	swait.ge [sflag:s9], $0x2800  }
0xf0: {  	[sflag:s9] =	ssyncset.done $0x0  }
0xf1: {  	[sflag:s9] =	ssyncadd.s32 $0xFFFFD800  }
0xf2: {  	_ =	swait.ge [sflag:s10], $0x80  }
0xf3: {  	[sflag:s10] =	ssyncset.done $0x0  }
0xf4: {  	[sflag:s10] =	ssyncadd.s32 $0xFFFFFF80  }
0xf5: {  	_ =	swait.ge [sflag:s10], $0x80  }
0xf6: {  	[sflag:s10] =	ssyncset.done $0x0  }
0xf7: {  	s13 =	simm.s32 @p1 $0x8;
	[sflag:s10] =	ssyncadd.s32 $0xFFFFFF80  }
0xf8: {  	[tilespmem:s26], [sflag:$0x9] =	stream.indirect.gather [hbm4b:s1+s20], $0x80, s7, s20, $0xb8;
	[tilespmem:$0x1B880] =	vst v63  }
0xf9: {  	_ =	swait.ge @p1 [sflag:s13], $0x2800  }
0xfa: {  	s18 =	simm.s32 @p1 $0x2E00;
	[sflag:s13] =	ssyncset.done @p1 $0x0  }
0xfb: {  	s30 =	simm.s32 @p1 $0x500;
	[sflag:s13] =	ssyncadd.s32 @p1 $0xFFFFD800;
	s13 =	simm.s32 @p1 $0x50  }
0xfc: {  	[spmem:s2] =	stream.indirect.scatter.add.f32 @p1 [tilespmem:s18], [sflag:$0xB], $0x80, s30, s13, $0xb8;
	[tilespmem:$0x1B880] =	vst v63  }
0xfd: {  	s13 =	sadd.s32 @!p1 $0xFFFFFF00, s11  }
0xfe: {  	s18 =	sand.u32 @!p1 $0xFC00, s13  }
0xff: {  	s30 =	simm.s32 @p1 $0xA;
	s13 =	sand.u32 @!p1 $0x380, s13;
	s18 =	sadd.s32 @!p1 s6, s18  }
0x100: {  	_ =	swait.ge @p1 [sflag:s30], $0x2800;
	s13 =	sor.u32 @!p1 s13, s18  }
0x101: {  	[sflag:s30] =	ssyncset.done @p1 $0x0;
	s13 =	sshrl.u32 @!p1 s13, $0x3  }
0x102: {  	[sflag:s30] =	ssyncadd.s32 @p1 $0xFFFFD800;
	s30 =	simm.s32 @!p1 $0x80;
	s18 =	sadd.s32 @!p1 s5, s13  }
0x103: {  	[tilespmem:s30], [sflag:$0x2] =	stream.linear.gather @!p1 [hbm4b:s18+s12], $0x80, $0x38;
	[tilespmem:$0x1B880] =	vst v63  }
0x104: {  	s13 =	sadd.s32 @!p1 s15, s13;
	s18 =	simm.s32 @!p1 $0x380  }
0x105: {  	[tilespmem:s18], [sflag:$0x2] =	stream.linear.gather @!p1 [hbm4b:s13+s12], $0x80, $0x38;
	[tilespmem:$0x1B880] =	vst v63  }
0x106: {  	s13 =	simm.s32 @!p1 $0x8  }
0x107: {  	_ =	swait.ge @!p1 [sflag:s13], $0x2800  }
0x108: {  	s30 =	simm.s32 @!p1 $0x2E00;
	[sflag:s13] =	ssyncset.done @!p1 $0x0  }
0x109: {  	s18 =	simm.s32 @!p1 $0x500;
	[sflag:s13] =	ssyncadd.s32 @!p1 $0xFFFFD800;
	s13 =	simm.s32 @!p1 $0x50  }
0x10a: {  	[spmem:s2] =	stream.indirect.scatter.add.f32 @!p1 [tilespmem:s30], [sflag:$0xB], $0x80, s18, s13, $0xb8;
	[tilespmem:$0x1B880] =	vst v63  }
0x10b: {  	s18 =	simm.s32 @!p1 $0xA  }
0x10c: {  	_ =	swait.ge @!p1 [sflag:s18], $0x2800  }
0x10d: {  	[sflag:s18] =	ssyncset.done @!p1 $0x0  }
0x10e: {  	[sflag:s18] =	ssyncadd.s32 @!p1 $0xFFFFD800;
	s18 =	simm.s32 @!p1 $0x1  }
0x10f: {  	_ =	swait.ge @!p1 [sflag:s18], $0x80  }
0x110: {  	[sflag:s18] =	ssyncset.done @!p1 $0x0  }
0x111: {  	[sflag:s18] =	ssyncadd.s32 @!p1 $0xFFFFFF80  }
0x112: {  	_ =	swait.ge @!p1 [sflag:s18], $0x80  }
0x113: {  	[sflag:s18] =	ssyncset.done @!p1 $0x0  }
0x114: {  	[sflag:s18] =	ssyncadd.s32 @!p1 $0xFFFFFF80;
	s18 =	simm.s32 @!p1 $0x600  }
0x115: {  	[tilespmem:s18], [sflag:$0x7] =	stream.indirect.gather @!p1 [hbm4b:s1+s13], $0x80, s12, s13, $0xb8;
	[tilespmem:$0x1B880] =	vst v63  }
0x116: {  	s13 =	sadd.s32 @!p1 $0xFFFFFF80, s11  }
0x117: {  	s18 =	sadd.s32 $0xFFFFFB80, s11;
	s13 =	sand.u32 @!p1 $0xFC00, s13  }
0x118: {  	s18 =	sand.u32 @!p1 $0x300, s18;
	s13 =	sadd.s32 @!p1 s6, s13  }
0x119: {  	s13 =	sor.u32 @!p1 s18, s13  }
0x11a: {  	s13 =	sshrl.u32 @!p1 s13, $0x3  }
0x11b: {  	s30 =	simm.s32 @!p1 $0x100;
	s18 =	sadd.s32 @!p1 s5, s13  }
0x11c: {  	[tilespmem:s30], [sflag:$0x3] =	stream.linear.gather @!p1 [hbm4b:s18+s12], $0x80, $0x38;
	[tilespmem:$0x1B880] =	vst v63  }
0x11d: {  	s13 =	sadd.s32 @!p1 s15, s13;
	s18 =	simm.s32 @!p1 $0x400  }
0x11e: {  	[tilespmem:s18], [sflag:$0x3] =	stream.linear.gather @!p1 [hbm4b:s13+s12], $0x80, $0x38;
	[tilespmem:$0x1B880] =	vst v63  }
0x11f: {  	_ =	swait.ge [sflag:s19], $0x2800  }
0x120: {  	[sflag:s19] =	ssyncset.done $0x0  }
.Ltmp2:
0x121: {  	[sflag:s19] =	ssyncadd.s32 $0xFFFFD800;
	(pc) =	sbr.rel @p1 .LBB2_4-.Ltmp2, $4  }
0x122: {  	[spmem:s2] =	stream.indirect.scatter.add.f32 [tilespmem:s26], [sflag:$0xC], $0x80, s8, s20, $0xb8;
	[tilespmem:$0x1B880] =	vst v63  }
0x123: {  	_ =	swait.ge [sflag:s16], $0x2800  }
0x124: {  	[sflag:s16] =	ssyncset.done $0x0  }
0x125: {  	[sflag:s16] =	ssyncadd.s32 $0xFFFFD800  }
0x126: {  	_ =	swait.ge [sflag:s22], $0x80  }
0x127: {  	[sflag:s22] =	ssyncset.done $0x0  }
0x128: {  	[sflag:s22] =	ssyncadd.s32 $0xFFFFFF80  }
0x129: {  	_ =	swait.ge [sflag:s22], $0x80  }
0x12a: {  	[sflag:s22] =	ssyncset.done $0x0  }
0x12b: {  	s12 =	simm.s32 $0x80;
	s18 =	sand.u32 $0xFC00, s11;
	[sflag:s22] =	ssyncadd.s32 $0xFFFFFF80  }
0x12c: {  	[tilespmem:s23], [sflag:$0x8] =	stream.indirect.gather [hbm4b:s1+s20], $0x80, s12, s20, $0xb8;
	[tilespmem:$0x1B880] =	vst v63  }
0x12d: {  	s13 =	sand.u32 $0x380, s11;
	s12 =	sadd.s32 s6, s18  }
0x12e: {  	s12 =	sor.u32 s13, s12  }
.Ltmp3:
0x12f: {  	s12 =	sshrl.u32 s12, $0x3;
	(pc) =	sbr.rel .LBB2_2-.Ltmp3, $4  }
0x130: {  	s30 =	sadd.s32 s5, s12  }
0x131: {  	[tilespmem:s14], [sflag:$0x4] =	stream.linear.gather [hbm4b:s30+s3], $0x80, $0x38;
	[tilespmem:$0x1B880] =	vst v63  }
0x132: {  	s11 =	sadd.s32 $0x300, s11;
	s12 =	sadd.s32 s15, s12  }
0x133: {  	[tilespmem:s17], [sflag:$0x4] =	stream.linear.gather [hbm4b:s12+s3], $0x80, $0x38;
	[tilespmem:$0x1B880] =	vst v63  }
.LBB2_5:
0x134: {  	_ =	sfence.sel $0x180000  }
0x135: {  	[bflag:$0x0] =	sbarrier.arrive $0xFFFF  }
0x136: {  	_ =	strace $0x90000047  }
0x137: {  	s0 =	stileid.u32;
	[bflag:$0x2] =	sbarrier.arrive $0xFFFF  }
0x138: {  	p0 =	sne.s32 s0, $0x0;
	s0 =	rddreg [dreg:$0x4]  }
0x139: {  	s0 =	sadd.s32 @!p0 $0x100000, s0  }
0x13a: {  	[sflag:s0] =	ssyncadd.tile.s32 @!p0 $0x1;
	_ =	shalt  }
.Lfunc_end2:
_tile_overlayer_lowered:
.L_overlay_start_2:
0x13b: {  	(tag) =	ssettag $0x2  }
0x13c: {  	s0 =	rddreg [dreg:$0x0];
	s2 =	stileid.u32  }
0x13d: {  	s1 =	rddreg [dreg:$0x1];
	p0 =	sne.s32 s2, $0x0  }
0x13e: {  	s3 =	rddreg [dreg:$0x2];
	[bflag:$0x3] =	sbarrier.arrive $0xFFFF;
	s2 =	simm.s32 @!p0 $0x1C0D  }
0x13f: {  	[timem:s3], [sflag:s2] =	dma.local @!p0 [hbm:s0], s1  }
0x140: {  	s0 =	simm.s32 @!p0 $0xD  }
0x141: {  	_ =	swait.ge @!p0 [sflag:s0], s1  }
0x142: {  	s1 =	ssub.s32 @!p0 $0x0, s1;
	[sflag:s0] =	ssyncset.done @!p0 $0x0  }
0x143: {  	[sflag:s0] =	ssyncadd.s32 @!p0 s1  }
0x144: {  	[bflag:$0x3] =	sbarrier.arrive $0xFFFF  }
0x145: {  	_ =	shalt  }

</sc_bundles>
